<compile_context>
chip_gen: v7x
topology: tpu7x:2x2x1
jax: 0.10.2.dev20260603
libtpu: 0.0.44.dev20260713+nightly
codegen_flags: <defaults>
</compile_context>

<pallas_src>
import functools

import jax
import jax.numpy as jnp
from jax import lax
from jax.experimental import pallas as pl
from jax.experimental.pallas import tpu as pltpu
from jax.experimental.pallas import tpu_sc as plsc

VOCAB = 100000
EMBED_DIM = 64
BATCH = 4096
HIST = 50

NC, NS = 2, 16
NW = NC * NS
BW = BATCH // NW
DT = EMBED_DIM // 8


@functools.partial(
    pl.kernel,
    mesh=plsc.VectorSubcoreMesh(core_axis_name="c", subcore_axis_name="s"),
    compiler_params=pltpu.CompilerParams(use_tc_tiling_on_sc=False,
                                         needs_layout_passes=False),
    out_type=jax.ShapeDtypeStruct((HIST, DT, NW, 8, BW), jnp.float32),
    scratch_types=[
        pltpu.VMEM((HIST, BW), jnp.int32),
        pltpu.VMEM((BW, EMBED_DIM), jnp.float32),
        pltpu.VMEM((BW, EMBED_DIM), jnp.float32),
        pltpu.VMEM((DT, 8, BW), jnp.float32),
        pltpu.VMEM((DT, 8, BW), jnp.float32),
        pltpu.SemaphoreType.DMA,
        pltpu.SemaphoreType.DMA,
        pltpu.SemaphoreType.DMA,
        pltpu.SemaphoreType.DMA,
    ],
)
def _emb_gather(idx_hbm, table_hbm, out_hbm, idx_v, rows_a, rows_b,
                trows_a, trows_b, gsem_a, gsem_b, osem_a, osem_b):
    wid = lax.axis_index("s") * NC + lax.axis_index("c")
    rows = (rows_a, rows_b)
    trows = (trows_a, trows_b)
    gsem = (gsem_a, gsem_b)
    osem = (osem_a, osem_b)

    pltpu.sync_copy(idx_hbm.at[pl.ds(0, HIST), pl.ds(wid * BW, BW)], idx_v)
    pltpu.async_copy(table_hbm.at[idx_v.at[0]], rows[0], gsem[0])

    iota = lax.iota(jnp.int32, 16)
    bidx_list = [iota + bq * 16 for bq in range(BW // 16)]

    def transpose_block(p):
        @plsc.parallel_loop(0, 16, unroll=2)
        def _(k):
            perm = (iota + k) & 15
            for dq in range(EMBED_DIM // 16):
                dvec = perm + dq * 16
                dhi = dvec >> 3
                dlo = dvec & 7
                for bq in range(BW // 16):
                    bidx = bidx_list[bq]
                    vals = plsc.load_gather(rows[p], [bidx, dvec])
                    plsc.store_scatter(trows[p], [dhi, dlo, bidx], vals)

    def drain_gather(p):
        pltpu.make_async_copy(table_hbm.at[pl.ds(0, BW)], rows[p],
                              gsem[p]).wait()

    def trows_data(p):
        return trows[p].at[pl.ds(0, DT), pl.ds(0, 8), pl.ds(0, BW)]

    def drain_outcopy(p):
        pltpu.make_async_copy(trows_data(p), out_hbm.at[0, pl.ds(0, DT), 0],
                              osem[p]).wait()

    def body(g, carry):
        for p in (0, 1):
            h = 2 * g + p
            if p == 0:
                pltpu.async_copy(
                    table_hbm.at[idx_v.at[h + 1]], rows[1], gsem[1])
            else:
                @pl.when(g < (HIST // 2) - 1)
                def _():
                    pltpu.async_copy(
                        table_hbm.at[idx_v.at[h + 1]], rows[0], gsem[0])

            drain_gather(p)

            @pl.when(g >= 1)
            def _():
                drain_outcopy(p)

            transpose_block(p)
            pltpu.async_copy(trows_data(p), out_hbm.at[h, pl.ds(0, DT), wid],
                             osem[p])
        return carry

    lax.fori_loop(0, HIST // 2, body, 0)
    drain_outcopy(0)
    drain_outcopy(1)


def kernel(indices, table):
    o5 = _emb_gather(indices.astype(jnp.int32).T, table)
    return jnp.transpose(o5, (2, 4, 0, 1, 3)).reshape(BATCH, HIST, EMBED_DIM)

# --- scband reference (transcript-rebuilt; emitter-appended) ---
"""Pipeline reference for scband-custom-embedding-82102594830527 (READ-ONLY COPY).

The authoritative reference and input builder live on the scoring server;
editing this copy changes nothing except your own understanding.
"""

import jax, jax.numpy as jnp
import numpy as np

VOCAB = 100000
EMBED_DIM = 64
BATCH = 4096
HIST = 50

def setup_inputs(seed: int = 0) -> dict:
    key = jax.random.key(seed)
    k_idx, k_tab = jax.random.split(key)
    indices = jax.random.randint(k_idx, (BATCH, HIST), 0, VOCAB, dtype=jnp.int64 if jax.config.jax_enable_x64 else jnp.int32)
    table = jax.random.normal(k_tab, (VOCAB, EMBED_DIM), dtype=jnp.float32)
    return {"indices": indices, "table": table}

def reference(indices, table):
    # nn.Embedding lookup: gather rows of the pretrained table.
    # Dropout is identity at inference (eval mode), so forward is the gather.
    embedded = jnp.take(table, indices, axis=0)
    return embedded

if __name__ == "__main__":
    import jax
    _d = setup_inputs()
    print(jax.jit(kernel)(*tuple(_d.values())))

</pallas_src>

<mosaic_0001>
#map = affine_map<(d0, d1) -> (0, 0)>
#map1 = affine_map<(d0, d1) -> (0, 0, 0, 0, 0)>
module attributes {stable_mosaic.version = 14 : i64} {
  func.func @_emb_gather(%arg0: i32, %arg1: i32, %arg2: memref<50x4096xi32, #tpu.memory_space<hbm>>, %arg3: memref<100000x64xf32, #tpu.memory_space<hbm>>, %arg4: memref<50x8x32x8x128xf32, #tpu.memory_space<hbm>>, %arg5: memref<50x128xi32, #tpu.memory_space<vmem>>, %arg6: memref<128x64xf32, #tpu.memory_space<vmem>>, %arg7: memref<128x64xf32, #tpu.memory_space<vmem>>, %arg8: memref<8x8x128xf32, #tpu.memory_space<vmem>>, %arg9: memref<8x8x128xf32, #tpu.memory_space<vmem>>, %arg10: memref<!tpu.dma_semaphore, #tpu.memory_space<semaphore_mem>>, %arg11: memref<!tpu.dma_semaphore, #tpu.memory_space<semaphore_mem>>, %arg12: memref<!tpu.dma_semaphore, #tpu.memory_space<semaphore_mem>>, %arg13: memref<!tpu.dma_semaphore, #tpu.memory_space<semaphore_mem>>) attributes {dimension_semantics = [#tpu.dimension_semantics<core_parallel>, #tpu.dimension_semantics<subcore_parallel>], iteration_bounds = array<i64: 2, 16>, scalar_prefetch = 0 : i64, scratch_operands = 9 : i64, tpu.core_type = #tpu.core_type<sc_vector_subcore>, window_params = [{transform_indices = #map}, {transform_indices = #map}, {transform_indices = #map1}]} {
    %mul3A = arith.constant 2 : i32
    %mul3A_0 = arith.muli %arg1, %mul3A : i32
    %add3A = arith.addi %mul3A_0, %arg0 : i32
    %mul3A_1 = arith.constant 128 : i32
    %mul3A_2 = arith.muli %add3A, %mul3A_1 : i32
    "tpu.region"() ({
      %run_scoped3A = tpu.sem_alloc : memref<!tpu.dma_semaphore, #tpu.memory_space<semaphore_mem>>
      %dma_start3A_77 = arith.constant 0 : i32
      %dma_start3A_78 = tpu.memref_slice %arg2[%dma_start3A_77, %mul3A_2] : memref<50x4096xi32, #tpu.memory_space<hbm>> -> memref<50x128xi32, #tpu.memory_space<hbm>>
      %dma_start3A_79 = arith.constant 0 : i32
      %dma_start3A_80 = tpu.memref_slice %arg2[%dma_start3A_79, %mul3A_2] : memref<50x4096xi32, #tpu.memory_space<hbm>> -> memref<50x128xi32, #tpu.memory_space<hbm>>
      tpu.enqueue_dma source(%dma_start3A_80 : memref<50x128xi32, #tpu.memory_space<hbm>>) target(%arg5 : memref<50x128xi32, #tpu.memory_space<vmem>>) target_semaphore(%run_scoped3A : memref<!tpu.dma_semaphore, #tpu.memory_space<semaphore_mem>>)
      %dma_wait3A_81 = arith.constant 0 : i32
      %dma_wait3A_82 = tpu.memref_slice %arg2[%dma_wait3A_81, %mul3A_2] : memref<50x4096xi32, #tpu.memory_space<hbm>> -> memref<50x128xi32, #tpu.memory_space<hbm>>
      %dma_wait3A_83 = arith.constant 0 : i32
      %dma_wait3A_84 = tpu.memref_slice %arg2[%dma_wait3A_83, %mul3A_2] : memref<50x4096xi32, #tpu.memory_space<hbm>> -> memref<50x128xi32, #tpu.memory_space<hbm>>
      tpu.wait_dma2 semaphore(%run_scoped3A : memref<!tpu.dma_semaphore, #tpu.memory_space<semaphore_mem>>) src(%dma_wait3A_84 : memref<50x128xi32, #tpu.memory_space<hbm>>) dst(%arg5 : memref<50x128xi32, #tpu.memory_space<vmem>>)
      tpu.yield
    }) : () -> ()
    %dma_start3A = arith.constant 0 : i32
    %dma_start3A_3 = arith.constant 0 : i32
    %dma_start3A_4 = tpu.memref_slice %arg5[%dma_start3A, %dma_start3A_3] : memref<50x128xi32, #tpu.memory_space<vmem>> -> memref<1x128xi32, #tpu.memory_space<vmem>>
    %dma_start3A_5 = tpu.memref_squeeze %dma_start3A_4 : memref<1x128xi32, #tpu.memory_space<vmem>> -> memref<128xi32, #tpu.memory_space<vmem>>
    %dma_start3A_6 = arith.constant 0 : i32
    %dma_start3A_7 = arith.constant 0 : i32
    %dma_start3A_8 = tpu.memref_slice %arg3[%dma_start3A_6, %dma_start3A_7] : memref<100000x64xf32, #tpu.memory_space<hbm>> -> memref<100000x64xf32, #tpu.memory_space<hbm>>
    tpu.enqueue_indirect_dma source(%dma_start3A_8 : memref<100000x64xf32, #tpu.memory_space<hbm>>) target(%arg6 : memref<128x64xf32, #tpu.memory_space<vmem>>) offsets(%dma_start3A_5 : memref<128xi32, #tpu.memory_space<vmem>>) semaphore(%arg10 : memref<!tpu.dma_semaphore, #tpu.memory_space<semaphore_mem>>)
    %iota3A = tpu.iota {dimensions = array<i32: 0>} : vector<16xi32>
    %add3A_9 = arith.constant 0 : i32
    %add3A_10 = vector.broadcast %add3A_9 : i32 to vector<16xi32>
    %add3A_11 = arith.addi %iota3A, %add3A_10 : vector<16xi32>
    %add3A_12 = arith.constant 16 : i32
    %add3A_13 = vector.broadcast %add3A_12 : i32 to vector<16xi32>
    %add3A_14 = arith.addi %iota3A, %add3A_13 : vector<16xi32>
    %add3A_15 = arith.constant 32 : i32
    %add3A_16 = vector.broadcast %add3A_15 : i32 to vector<16xi32>
    %add3A_17 = arith.addi %iota3A, %add3A_16 : vector<16xi32>
    %add3A_18 = arith.constant 48 : i32
    %add3A_19 = vector.broadcast %add3A_18 : i32 to vector<16xi32>
    %add3A_20 = arith.addi %iota3A, %add3A_19 : vector<16xi32>
    %add3A_21 = arith.constant 64 : i32
    %add3A_22 = vector.broadcast %add3A_21 : i32 to vector<16xi32>
    %add3A_23 = arith.addi %iota3A, %add3A_22 : vector<16xi32>
    %add3A_24 = arith.constant 80 : i32
    %add3A_25 = vector.broadcast %add3A_24 : i32 to vector<16xi32>
    %add3A_26 = arith.addi %iota3A, %add3A_25 : vector<16xi32>
    %add3A_27 = arith.constant 96 : i32
    %add3A_28 = vector.broadcast %add3A_27 : i32 to vector<16xi32>
    %add3A_29 = arith.addi %iota3A, %add3A_28 : vector<16xi32>
    %add3A_30 = arith.constant 112 : i32
    %add3A_31 = vector.broadcast %add3A_30 : i32 to vector<16xi32>
    %add3A_32 = arith.addi %iota3A, %add3A_31 : vector<16xi32>
    %scan3A = arith.constant 0 : i32
    %scan3A_33 = arith.constant 0 : i32
    %scan3A_34 = arith.constant 25 : i32
    %scan3A_35 = arith.addi %scan3A_33, %scan3A_34 : i32
    %scan3A_36 = arith.constant 1 : i32
    scf.for %scan3A_77 = %scan3A_33 to %scan3A_35 step %scan3A_36  : i32 {
      %mul3A_78 = arith.constant 2 : i32
      %mul3A_79 = arith.muli %mul3A_78, %scan3A_77 : i32
      %add3A_80 = arith.constant 0 : i32
      %add3A_81 = arith.addi %mul3A_79, %add3A_80 : i32
      %add3A_82 = arith.constant 1 : i32
      %add3A_83 = arith.addi %add3A_81, %add3A_82 : i32
      %dma_start3A_84 = arith.constant 0 : i32
      %dma_start3A_85 = tpu.memref_slice %arg5[%add3A_83, %dma_start3A_84] : memref<50x128xi32, #tpu.memory_space<vmem>> -> memref<1x128xi32, #tpu.memory_space<vmem>>
      %dma_start3A_86 = tpu.memref_squeeze %dma_start3A_85 : memref<1x128xi32, #tpu.memory_space<vmem>> -> memref<128xi32, #tpu.memory_space<vmem>>
      %dma_start3A_87 = arith.constant 0 : i32
      %dma_start3A_88 = arith.constant 0 : i32
      %dma_start3A_89 = tpu.memref_slice %arg3[%dma_start3A_87, %dma_start3A_88] : memref<100000x64xf32, #tpu.memory_space<hbm>> -> memref<100000x64xf32, #tpu.memory_space<hbm>>
      tpu.enqueue_indirect_dma source(%dma_start3A_89 : memref<100000x64xf32, #tpu.memory_space<hbm>>) target(%arg7 : memref<128x64xf32, #tpu.memory_space<vmem>>) offsets(%dma_start3A_86 : memref<128xi32, #tpu.memory_space<vmem>>) semaphore(%arg11 : memref<!tpu.dma_semaphore, #tpu.memory_space<semaphore_mem>>)
      %dma_wait3A_90 = arith.constant 0 : i32
      %dma_wait3A_91 = arith.constant 0 : i32
      %dma_wait3A_92 = tpu.memref_slice %arg3[%dma_wait3A_90, %dma_wait3A_91] : memref<100000x64xf32, #tpu.memory_space<hbm>> -> memref<128x64xf32, #tpu.memory_space<hbm>>
      %dma_wait3A_93 = arith.constant 0 : i32
      %dma_wait3A_94 = arith.constant 0 : i32
      %dma_wait3A_95 = tpu.memref_slice %arg3[%dma_wait3A_93, %dma_wait3A_94] : memref<100000x64xf32, #tpu.memory_space<hbm>> -> memref<128x64xf32, #tpu.memory_space<hbm>>
      tpu.wait_dma2 semaphore(%arg10 : memref<!tpu.dma_semaphore, #tpu.memory_space<semaphore_mem>>) src(%dma_wait3A_95 : memref<128x64xf32, #tpu.memory_space<hbm>>) dst(%arg6 : memref<128x64xf32, #tpu.memory_space<vmem>>)
      %ge3A = arith.constant 1 : i32
      %ge3A_96 = arith.cmpi sge, %scan3A_77, %ge3A : i32
      %convert_element_type3A = arith.extui %ge3A_96 : i1 to i32
      %cond3A = arith.constant 0 : i32
      %cond3A_97 = arith.cmpi ne, %convert_element_type3A, %cond3A : i32
      scf.if %cond3A_97 {
        %dma_wait3A_158 = arith.constant 0 : i32
        %dma_wait3A_159 = arith.constant 0 : i32
        %dma_wait3A_160 = arith.constant 0 : i32
        %dma_wait3A_161 = arith.constant 0 : i32
        %dma_wait3A_162 = arith.constant 0 : i32
        %dma_wait3A_163 = tpu.memref_slice %arg8[%dma_wait3A_160, %dma_wait3A_161, %dma_wait3A_162] : memref<8x8x128xf32, #tpu.memory_space<vmem>> -> memref<8x8x128xf32, #tpu.memory_space<vmem>>
        %dma_wait3A_164 = arith.constant 0 : i32
        %dma_wait3A_165 = arith.constant 0 : i32
        %dma_wait3A_166 = arith.constant 0 : i32
        %dma_wait3A_167 = tpu.memref_slice %arg4[%dma_wait3A_158, %dma_wait3A_164, %dma_wait3A_159, %dma_wait3A_165, %dma_wait3A_166] : memref<50x8x32x8x128xf32, #tpu.memory_space<hbm>> -> memref<1x8x1x8x128xf32, #tpu.memory_space<hbm>>
        %dma_wait3A_168 = tpu.memref_squeeze %dma_wait3A_167 : memref<1x8x1x8x128xf32, #tpu.memory_space<hbm>> -> memref<8x8x128xf32, #tpu.memory_space<hbm>>
        %dma_wait3A_169 = arith.constant 0 : i32
        %dma_wait3A_170 = arith.constant 0 : i32
        %dma_wait3A_171 = arith.constant 0 : i32
        %dma_wait3A_172 = tpu.memref_slice %arg4[%dma_wait3A_158, %dma_wait3A_169, %dma_wait3A_159, %dma_wait3A_170, %dma_wait3A_171] : memref<50x8x32x8x128xf32, #tpu.memory_space<hbm>> -> memref<1x8x1x8x128xf32, #tpu.memory_space<hbm>>
        %dma_wait3A_173 = tpu.memref_squeeze %dma_wait3A_172 : memref<1x8x1x8x128xf32, #tpu.memory_space<hbm>> -> memref<8x8x128xf32, #tpu.memory_space<hbm>>
        %dma_wait3A_174 = arith.constant 0 : i32
        %dma_wait3A_175 = arith.constant 0 : i32
        %dma_wait3A_176 = arith.constant 0 : i32
        %dma_wait3A_177 = tpu.memref_slice %arg8[%dma_wait3A_174, %dma_wait3A_175, %dma_wait3A_176] : memref<8x8x128xf32, #tpu.memory_space<vmem>> -> memref<8x8x128xf32, #tpu.memory_space<vmem>>
        tpu.wait_dma2 semaphore(%arg12 : memref<!tpu.dma_semaphore, #tpu.memory_space<semaphore_mem>>) src(%dma_wait3A_177 : memref<8x8x128xf32, #tpu.memory_space<vmem>>) dst(%dma_wait3A_173 : memref<8x8x128xf32, #tpu.memory_space<hbm>>)
      } else {
      }
      %parallel_loop3A = arith.constant 0 : i32
      %parallel_loop3A_98 = arith.constant 16 : i32
      %parallel_loop3A_99 = arith.constant 1 : i32
      scf.for %parallel_loop3A_158 = %parallel_loop3A to %parallel_loop3A_98 step %parallel_loop3A_99  : i32 {
        %parallel_loop3A_159 = vector.broadcast %parallel_loop3A_158 : i32 to vector<16xi32>
        %parallel_loop3A_160 = arith.addi %iota3A, %parallel_loop3A_159 : vector<16xi32>
        %parallel_loop3A_161 = arith.constant 15 : i32
        %parallel_loop3A_162 = vector.broadcast %parallel_loop3A_161 : i32 to vector<16xi32>
        %parallel_loop3A_163 = arith.andi %parallel_loop3A_160, %parallel_loop3A_162 : vector<16xi32>
        %parallel_loop3A_164 = arith.constant 0 : i32
        %parallel_loop3A_165 = vector.broadcast %parallel_loop3A_164 : i32 to vector<16xi32>
        %parallel_loop3A_166 = arith.addi %parallel_loop3A_163, %parallel_loop3A_165 : vector<16xi32>
        %parallel_loop3A_167 = arith.constant 3 : i32
        %parallel_loop3A_168 = vector.broadcast %parallel_loop3A_167 : i32 to vector<16xi32>
        %parallel_loop3A_169 = arith.shrsi %parallel_loop3A_166, %parallel_loop3A_168 : vector<16xi32>
        %parallel_loop3A_170 = arith.constant 7 : i32
        %parallel_loop3A_171 = vector.broadcast %parallel_loop3A_170 : i32 to vector<16xi32>
        %parallel_loop3A_172 = arith.andi %parallel_loop3A_166, %parallel_loop3A_171 : vector<16xi32>
        %parallel_loop3A_173 = tpu.vector_load_idx %arg6[%add3A_11, %parallel_loop3A_166] : memref<128x64xf32, #tpu.memory_space<vmem>>[vector<16xi32>, vector<16xi32>], vector<16xf32>,
        tpu.vector_store_idx %arg8[%parallel_loop3A_169, %parallel_loop3A_172, %add3A_11], %parallel_loop3A_173 : memref<8x8x128xf32, #tpu.memory_space<vmem>>[vector<16xi32>, vector<16xi32>, vector<16xi32>], vector<16xf32>,
        %parallel_loop3A_174 = tpu.vector_load_idx %arg6[%add3A_14, %parallel_loop3A_166] : memref<128x64xf32, #tpu.memory_space<vmem>>[vector<16xi32>, vector<16xi32>], vector<16xf32>,
        tpu.vector_store_idx %arg8[%parallel_loop3A_169, %parallel_loop3A_172, %add3A_14], %parallel_loop3A_174 : memref<8x8x128xf32, #tpu.memory_space<vmem>>[vector<16xi32>, vector<16xi32>, vector<16xi32>], vector<16xf32>,
        %parallel_loop3A_175 = tpu.vector_load_idx %arg6[%add3A_17, %parallel_loop3A_166] : memref<128x64xf32, #tpu.memory_space<vmem>>[vector<16xi32>, vector<16xi32>], vector<16xf32>,
        tpu.vector_store_idx %arg8[%parallel_loop3A_169, %parallel_loop3A_172, %add3A_17], %parallel_loop3A_175 : memref<8x8x128xf32, #tpu.memory_space<vmem>>[vector<16xi32>, vector<16xi32>, vector<16xi32>], vector<16xf32>,
        %parallel_loop3A_176 = tpu.vector_load_idx %arg6[%add3A_20, %parallel_loop3A_166] : memref<128x64xf32, #tpu.memory_space<vmem>>[vector<16xi32>, vector<16xi32>], vector<16xf32>,
        tpu.vector_store_idx %arg8[%parallel_loop3A_169, %parallel_loop3A_172, %add3A_20], %parallel_loop3A_176 : memref<8x8x128xf32, #tpu.memory_space<vmem>>[vector<16xi32>, vector<16xi32>, vector<16xi32>], vector<16xf32>,
        %parallel_loop3A_177 = tpu.vector_load_idx %arg6[%add3A_23, %parallel_loop3A_166] : memref<128x64xf32, #tpu.memory_space<vmem>>[vector<16xi32>, vector<16xi32>], vector<16xf32>,
        tpu.vector_store_idx %arg8[%parallel_loop3A_169, %parallel_loop3A_172, %add3A_23], %parallel_loop3A_177 : memref<8x8x128xf32, #tpu.memory_space<vmem>>[vector<16xi32>, vector<16xi32>, vector<16xi32>], vector<16xf32>,
        %parallel_loop3A_178 = tpu.vector_load_idx %arg6[%add3A_26, %parallel_loop3A_166] : memref<128x64xf32, #tpu.memory_space<vmem>>[vector<16xi32>, vector<16xi32>], vector<16xf32>,
        tpu.vector_store_idx %arg8[%parallel_loop3A_169, %parallel_loop3A_172, %add3A_26], %parallel_loop3A_178 : memref<8x8x128xf32, #tpu.memory_space<vmem>>[vector<16xi32>, vector<16xi32>, vector<16xi32>], vector<16xf32>,
        %parallel_loop3A_179 = tpu.vector_load_idx %arg6[%add3A_29, %parallel_loop3A_166] : memref<128x64xf32, #tpu.memory_space<vmem>>[vector<16xi32>, vector<16xi32>], vector<16xf32>,
        tpu.vector_store_idx %arg8[%parallel_loop3A_169, %parallel_loop3A_172, %add3A_29], %parallel_loop3A_179 : memref<8x8x128xf32, #tpu.memory_space<vmem>>[vector<16xi32>, vector<16xi32>, vector<16xi32>], vector<16xf32>,
        %parallel_loop3A_180 = tpu.vector_load_idx %arg6[%add3A_32, %parallel_loop3A_166] : memref<128x64xf32, #tpu.memory_space<vmem>>[vector<16xi32>, vector<16xi32>], vector<16xf32>,
        tpu.vector_store_idx %arg8[%parallel_loop3A_169, %parallel_loop3A_172, %add3A_32], %parallel_loop3A_180 : memref<8x8x128xf32, #tpu.memory_space<vmem>>[vector<16xi32>, vector<16xi32>, vector<16xi32>], vector<16xf32>,
        %parallel_loop3A_181 = arith.constant 16 : i32
        %parallel_loop3A_182 = vector.broadcast %parallel_loop3A_181 : i32 to vector<16xi32>
        %parallel_loop3A_183 = arith.addi %parallel_loop3A_163, %parallel_loop3A_182 : vector<16xi32>
        %parallel_loop3A_184 = arith.constant 3 : i32
        %parallel_loop3A_185 = vector.broadcast %parallel_loop3A_184 : i32 to vector<16xi32>
        %parallel_loop3A_186 = arith.shrsi %parallel_loop3A_183, %parallel_loop3A_185 : vector<16xi32>
        %parallel_loop3A_187 = arith.constant 7 : i32
        %parallel_loop3A_188 = vector.broadcast %parallel_loop3A_187 : i32 to vector<16xi32>
        %parallel_loop3A_189 = arith.andi %parallel_loop3A_183, %parallel_loop3A_188 : vector<16xi32>
        %parallel_loop3A_190 = tpu.vector_load_idx %arg6[%add3A_11, %parallel_loop3A_183] : memref<128x64xf32, #tpu.memory_space<vmem>>[vector<16xi32>, vector<16xi32>], vector<16xf32>,
        tpu.vector_store_idx %arg8[%parallel_loop3A_186, %parallel_loop3A_189, %add3A_11], %parallel_loop3A_190 : memref<8x8x128xf32, #tpu.memory_space<vmem>>[vector<16xi32>, vector<16xi32>, vector<16xi32>], vector<16xf32>,
        %parallel_loop3A_191 = tpu.vector_load_idx %arg6[%add3A_14, %parallel_loop3A_183] : memref<128x64xf32, #tpu.memory_space<vmem>>[vector<16xi32>, vector<16xi32>], vector<16xf32>,
        tpu.vector_store_idx %arg8[%parallel_loop3A_186, %parallel_loop3A_189, %add3A_14], %parallel_loop3A_191 : memref<8x8x128xf32, #tpu.memory_space<vmem>>[vector<16xi32>, vector<16xi32>, vector<16xi32>], vector<16xf32>,
        %parallel_loop3A_192 = tpu.vector_load_idx %arg6[%add3A_17, %parallel_loop3A_183] : memref<128x64xf32, #tpu.memory_space<vmem>>[vector<16xi32>, vector<16xi32>], vector<16xf32>,
        tpu.vector_store_idx %arg8[%parallel_loop3A_186, %parallel_loop3A_189, %add3A_17], %parallel_loop3A_192 : memref<8x8x128xf32, #tpu.memory_space<vmem>>[vector<16xi32>, vector<16xi32>, vector<16xi32>], vector<16xf32>,
        %parallel_loop3A_193 = tpu.vector_load_idx %arg6[%add3A_20, %parallel_loop3A_183] : memref<128x64xf32, #tpu.memory_space<vmem>>[vector<16xi32>, vector<16xi32>], vector<16xf32>,
        tpu.vector_store_idx %arg8[%parallel_loop3A_186, %parallel_loop3A_189, %add3A_20], %parallel_loop3A_193 : memref<8x8x128xf32, #tpu.memory_space<vmem>>[vector<16xi32>, vector<16xi32>, vector<16xi32>], vector<16xf32>,
        %parallel_loop3A_194 = tpu.vector_load_idx %arg6[%add3A_23, %parallel_loop3A_183] : memref<128x64xf32, #tpu.memory_space<vmem>>[vector<16xi32>, vector<16xi32>], vector<16xf32>,
        tpu.vector_store_idx %arg8[%parallel_loop3A_186, %parallel_loop3A_189, %add3A_23], %parallel_loop3A_194 : memref<8x8x128xf32, #tpu.memory_space<vmem>>[vector<16xi32>, vector<16xi32>, vector<16xi32>], vector<16xf32>,
        %parallel_loop3A_195 = tpu.vector_load_idx %arg6[%add3A_26, %parallel_loop3A_183] : memref<128x64xf32, #tpu.memory_space<vmem>>[vector<16xi32>, vector<16xi32>], vector<16xf32>,
        tpu.vector_store_idx %arg8[%parallel_loop3A_186, %parallel_loop3A_189, %add3A_26], %parallel_loop3A_195 : memref<8x8x128xf32, #tpu.memory_space<vmem>>[vector<16xi32>, vector<16xi32>, vector<16xi32>], vector<16xf32>,
        %parallel_loop3A_196 = tpu.vector_load_idx %arg6[%add3A_29, %parallel_loop3A_183] : memref<128x64xf32, #tpu.memory_space<vmem>>[vector<16xi32>, vector<16xi32>], vector<16xf32>,
        tpu.vector_store_idx %arg8[%parallel_loop3A_186, %parallel_loop3A_189, %add3A_29], %parallel_loop3A_196 : memref<8x8x128xf32, #tpu.memory_space<vmem>>[vector<16xi32>, vector<16xi32>, vector<16xi32>], vector<16xf32>,
        %parallel_loop3A_197 = tpu.vector_load_idx %arg6[%add3A_32, %parallel_loop3A_183] : memref<128x64xf32, #tpu.memory_space<vmem>>[vector<16xi32>, vector<16xi32>], vector<16xf32>,
        tpu.vector_store_idx %arg8[%parallel_loop3A_186, %parallel_loop3A_189, %add3A_32], %parallel_loop3A_197 : memref<8x8x128xf32, #tpu.memory_space<vmem>>[vector<16xi32>, vector<16xi32>, vector<16xi32>], vector<16xf32>,
        %parallel_loop3A_198 = arith.constant 32 : i32
        %parallel_loop3A_199 = vector.broadcast %parallel_loop3A_198 : i32 to vector<16xi32>
        %parallel_loop3A_200 = arith.addi %parallel_loop3A_163, %parallel_loop3A_199 : vector<16xi32>
        %parallel_loop3A_201 = arith.constant 3 : i32
        %parallel_loop3A_202 = vector.broadcast %parallel_loop3A_201 : i32 to vector<16xi32>
        %parallel_loop3A_203 = arith.shrsi %parallel_loop3A_200, %parallel_loop3A_202 : vector<16xi32>
        %parallel_loop3A_204 = arith.constant 7 : i32
        %parallel_loop3A_205 = vector.broadcast %parallel_loop3A_204 : i32 to vector<16xi32>
        %parallel_loop3A_206 = arith.andi %parallel_loop3A_200, %parallel_loop3A_205 : vector<16xi32>
        %parallel_loop3A_207 = tpu.vector_load_idx %arg6[%add3A_11, %parallel_loop3A_200] : memref<128x64xf32, #tpu.memory_space<vmem>>[vector<16xi32>, vector<16xi32>], vector<16xf32>,
        tpu.vector_store_idx %arg8[%parallel_loop3A_203, %parallel_loop3A_206, %add3A_11], %parallel_loop3A_207 : memref<8x8x128xf32, #tpu.memory_space<vmem>>[vector<16xi32>, vector<16xi32>, vector<16xi32>], vector<16xf32>,
        %parallel_loop3A_208 = tpu.vector_load_idx %arg6[%add3A_14, %parallel_loop3A_200] : memref<128x64xf32, #tpu.memory_space<vmem>>[vector<16xi32>, vector<16xi32>], vector<16xf32>,
        tpu.vector_store_idx %arg8[%parallel_loop3A_203, %parallel_loop3A_206, %add3A_14], %parallel_loop3A_208 : memref<8x8x128xf32, #tpu.memory_space<vmem>>[vector<16xi32>, vector<16xi32>, vector<16xi32>], vector<16xf32>,
        %parallel_loop3A_209 = tpu.vector_load_idx %arg6[%add3A_17, %parallel_loop3A_200] : memref<128x64xf32, #tpu.memory_space<vmem>>[vector<16xi32>, vector<16xi32>], vector<16xf32>,
        tpu.vector_store_idx %arg8[%parallel_loop3A_203, %parallel_loop3A_206, %add3A_17], %parallel_loop3A_209 : memref<8x8x128xf32, #tpu.memory_space<vmem>>[vector<16xi32>, vector<16xi32>, vector<16xi32>], vector<16xf32>,
        %parallel_loop3A_210 = tpu.vector_load_idx %arg6[%add3A_20, %parallel_loop3A_200] : memref<128x64xf32, #tpu.memory_space<vmem>>[vector<16xi32>, vector<16xi32>], vector<16xf32>,
        tpu.vector_store_idx %arg8[%parallel_loop3A_203, %parallel_loop3A_206, %add3A_20], %parallel_loop3A_210 : memref<8x8x128xf32, #tpu.memory_space<vmem>>[vector<16xi32>, vector<16xi32>, vector<16xi32>], vector<16xf32>,
        %parallel_loop3A_211 = tpu.vector_load_idx %arg6[%add3A_23, %parallel_loop3A_200] : memref<128x64xf32, #tpu.memory_space<vmem>>[vector<16xi32>, vector<16xi32>], vector<16xf32>,
        tpu.vector_store_idx %arg8[%parallel_loop3A_203, %parallel_loop3A_206, %add3A_23], %parallel_loop3A_211 : memref<8x8x128xf32, #tpu.memory_space<vmem>>[vector<16xi32>, vector<16xi32>, vector<16xi32>], vector<16xf32>,
        %parallel_loop3A_212 = tpu.vector_load_idx %arg6[%add3A_26, %parallel_loop3A_200] : memref<128x64xf32, #tpu.memory_space<vmem>>[vector<16xi32>, vector<16xi32>], vector<16xf32>,
        tpu.vector_store_idx %arg8[%parallel_loop3A_203, %parallel_loop3A_206, %add3A_26], %parallel_loop3A_212 : memref<8x8x128xf32, #tpu.memory_space<vmem>>[vector<16xi32>, vector<16xi32>, vector<16xi32>], vector<16xf32>,
        %parallel_loop3A_213 = tpu.vector_load_idx %arg6[%add3A_29, %parallel_loop3A_200] : memref<128x64xf32, #tpu.memory_space<vmem>>[vector<16xi32>, vector<16xi32>], vector<16xf32>,
        tpu.vector_store_idx %arg8[%parallel_loop3A_203, %parallel_loop3A_206, %add3A_29], %parallel_loop3A_213 : memref<8x8x128xf32, #tpu.memory_space<vmem>>[vector<16xi32>, vector<16xi32>, vector<16xi32>], vector<16xf32>,
        %parallel_loop3A_214 = tpu.vector_load_idx %arg6[%add3A_32, %parallel_loop3A_200] : memref<128x64xf32, #tpu.memory_space<vmem>>[vector<16xi32>, vector<16xi32>], vector<16xf32>,
        tpu.vector_store_idx %arg8[%parallel_loop3A_203, %parallel_loop3A_206, %add3A_32], %parallel_loop3A_214 : memref<8x8x128xf32, #tpu.memory_space<vmem>>[vector<16xi32>, vector<16xi32>, vector<16xi32>], vector<16xf32>,
        %parallel_loop3A_215 = arith.constant 48 : i32
        %parallel_loop3A_216 = vector.broadcast %parallel_loop3A_215 : i32 to vector<16xi32>
        %parallel_loop3A_217 = arith.addi %parallel_loop3A_163, %parallel_loop3A_216 : vector<16xi32>
        %parallel_loop3A_218 = arith.constant 3 : i32
        %parallel_loop3A_219 = vector.broadcast %parallel_loop3A_218 : i32 to vector<16xi32>
        %parallel_loop3A_220 = arith.shrsi %parallel_loop3A_217, %parallel_loop3A_219 : vector<16xi32>
        %parallel_loop3A_221 = arith.constant 7 : i32
        %parallel_loop3A_222 = vector.broadcast %parallel_loop3A_221 : i32 to vector<16xi32>
        %parallel_loop3A_223 = arith.andi %parallel_loop3A_217, %parallel_loop3A_222 : vector<16xi32>
        %parallel_loop3A_224 = tpu.vector_load_idx %arg6[%add3A_11, %parallel_loop3A_217] : memref<128x64xf32, #tpu.memory_space<vmem>>[vector<16xi32>, vector<16xi32>], vector<16xf32>,
        tpu.vector_store_idx %arg8[%parallel_loop3A_220, %parallel_loop3A_223, %add3A_11], %parallel_loop3A_224 : memref<8x8x128xf32, #tpu.memory_space<vmem>>[vector<16xi32>, vector<16xi32>, vector<16xi32>], vector<16xf32>,
        %parallel_loop3A_225 = tpu.vector_load_idx %arg6[%add3A_14, %parallel_loop3A_217] : memref<128x64xf32, #tpu.memory_space<vmem>>[vector<16xi32>, vector<16xi32>], vector<16xf32>,
        tpu.vector_store_idx %arg8[%parallel_loop3A_220, %parallel_loop3A_223, %add3A_14], %parallel_loop3A_225 : memref<8x8x128xf32, #tpu.memory_space<vmem>>[vector<16xi32>, vector<16xi32>, vector<16xi32>], vector<16xf32>,
        %parallel_loop3A_226 = tpu.vector_load_idx %arg6[%add3A_17, %parallel_loop3A_217] : memref<128x64xf32, #tpu.memory_space<vmem>>[vector<16xi32>, vector<16xi32>], vector<16xf32>,
        tpu.vector_store_idx %arg8[%parallel_loop3A_220, %parallel_loop3A_223, %add3A_17], %parallel_loop3A_226 : memref<8x8x128xf32, #tpu.memory_space<vmem>>[vector<16xi32>, vector<16xi32>, vector<16xi32>], vector<16xf32>,
        %parallel_loop3A_227 = tpu.vector_load_idx %arg6[%add3A_20, %parallel_loop3A_217] : memref<128x64xf32, #tpu.memory_space<vmem>>[vector<16xi32>, vector<16xi32>], vector<16xf32>,
        tpu.vector_store_idx %arg8[%parallel_loop3A_220, %parallel_loop3A_223, %add3A_20], %parallel_loop3A_227 : memref<8x8x128xf32, #tpu.memory_space<vmem>>[vector<16xi32>, vector<16xi32>, vector<16xi32>], vector<16xf32>,
        %parallel_loop3A_228 = tpu.vector_load_idx %arg6[%add3A_23, %parallel_loop3A_217] : memref<128x64xf32, #tpu.memory_space<vmem>>[vector<16xi32>, vector<16xi32>], vector<16xf32>,
        tpu.vector_store_idx %arg8[%parallel_loop3A_220, %parallel_loop3A_223, %add3A_23], %parallel_loop3A_228 : memref<8x8x128xf32, #tpu.memory_space<vmem>>[vector<16xi32>, vector<16xi32>, vector<16xi32>], vector<16xf32>,
        %parallel_loop3A_229 = tpu.vector_load_idx %arg6[%add3A_26, %parallel_loop3A_217] : memref<128x64xf32, #tpu.memory_space<vmem>>[vector<16xi32>, vector<16xi32>], vector<16xf32>,
        tpu.vector_store_idx %arg8[%parallel_loop3A_220, %parallel_loop3A_223, %add3A_26], %parallel_loop3A_229 : memref<8x8x128xf32, #tpu.memory_space<vmem>>[vector<16xi32>, vector<16xi32>, vector<16xi32>], vector<16xf32>,
        %parallel_loop3A_230 = tpu.vector_load_idx %arg6[%add3A_29, %parallel_loop3A_217] : memref<128x64xf32, #tpu.memory_space<vmem>>[vector<16xi32>, vector<16xi32>], vector<16xf32>,
        tpu.vector_store_idx %arg8[%parallel_loop3A_220, %parallel_loop3A_223, %add3A_29], %parallel_loop3A_230 : memref<8x8x128xf32, #tpu.memory_space<vmem>>[vector<16xi32>, vector<16xi32>, vector<16xi32>], vector<16xf32>,
        %parallel_loop3A_231 = tpu.vector_load_idx %arg6[%add3A_32, %parallel_loop3A_217] : memref<128x64xf32, #tpu.memory_space<vmem>>[vector<16xi32>, vector<16xi32>], vector<16xf32>,
        tpu.vector_store_idx %arg8[%parallel_loop3A_220, %parallel_loop3A_223, %add3A_32], %parallel_loop3A_231 : memref<8x8x128xf32, #tpu.memory_space<vmem>>[vector<16xi32>, vector<16xi32>, vector<16xi32>], vector<16xf32>,
      } {sc.loop_unroll_factor = 2 : i64, sc.parallel_access}
      %dma_start3A_100 = arith.constant 0 : i32
      %dma_start3A_101 = arith.constant 0 : i32
      %dma_start3A_102 = arith.constant 0 : i32
      %dma_start3A_103 = tpu.memref_slice %arg8[%dma_start3A_100, %dma_start3A_101, %dma_start3A_102] : memref<8x8x128xf32, #tpu.memory_space<vmem>> -> memref<8x8x128xf32, #tpu.memory_space<vmem>>
      %dma_start3A_104 = arith.constant 0 : i32
      %dma_start3A_105 = arith.constant 0 : i32
      %dma_start3A_106 = arith.constant 0 : i32
      %dma_start3A_107 = tpu.memref_slice %arg4[%add3A_81, %dma_start3A_104, %add3A, %dma_start3A_105, %dma_start3A_106] : memref<50x8x32x8x128xf32, #tpu.memory_space<hbm>> -> memref<1x8x1x8x128xf32, #tpu.memory_space<hbm>>
      %dma_start3A_108 = tpu.memref_squeeze %dma_start3A_107 : memref<1x8x1x8x128xf32, #tpu.memory_space<hbm>> -> memref<8x8x128xf32, #tpu.memory_space<hbm>>
      %dma_start3A_109 = arith.constant 0 : i32
      %dma_start3A_110 = arith.constant 0 : i32
      %dma_start3A_111 = arith.constant 0 : i32
      %dma_start3A_112 = tpu.memref_slice %arg4[%add3A_81, %dma_start3A_109, %add3A, %dma_start3A_110, %dma_start3A_111] : memref<50x8x32x8x128xf32, #tpu.memory_space<hbm>> -> memref<1x8x1x8x128xf32, #tpu.memory_space<hbm>>
      %dma_start3A_113 = tpu.memref_squeeze %dma_start3A_112 : memref<1x8x1x8x128xf32, #tpu.memory_space<hbm>> -> memref<8x8x128xf32, #tpu.memory_space<hbm>>
      %dma_start3A_114 = arith.constant 0 : i32
      %dma_start3A_115 = arith.constant 0 : i32
      %dma_start3A_116 = arith.constant 0 : i32
      %dma_start3A_117 = tpu.memref_slice %arg8[%dma_start3A_114, %dma_start3A_115, %dma_start3A_116] : memref<8x8x128xf32, #tpu.memory_space<vmem>> -> memref<8x8x128xf32, #tpu.memory_space<vmem>>
      tpu.enqueue_dma source(%dma_start3A_117 : memref<8x8x128xf32, #tpu.memory_space<vmem>>) target(%dma_start3A_113 : memref<8x8x128xf32, #tpu.memory_space<hbm>>) target_semaphore(%arg12 : memref<!tpu.dma_semaphore, #tpu.memory_space<semaphore_mem>>)
      %mul3A_118 = arith.constant 2 : i32
      %mul3A_119 = arith.muli %mul3A_118, %scan3A_77 : i32
      %add3A_120 = arith.constant 1 : i32
      %add3A_121 = arith.addi %mul3A_119, %add3A_120 : i32
      %lt3A = arith.constant 24 : i32
      %lt3A_122 = arith.cmpi slt, %scan3A_77, %lt3A : i32
      %convert_element_type3A_123 = arith.extui %lt3A_122 : i1 to i32
      %cond3A_124 = arith.constant 0 : i32
      %cond3A_125 = arith.cmpi ne, %convert_element_type3A_123, %cond3A_124 : i32
      scf.if %cond3A_125 {
        %add3A_158 = arith.constant 1 : i32
        %add3A_159 = arith.addi %add3A_121, %add3A_158 : i32
        %dma_start3A_160 = arith.constant 0 : i32
        %dma_start3A_161 = tpu.memref_slice %arg5[%add3A_159, %dma_start3A_160] : memref<50x128xi32, #tpu.memory_space<vmem>> -> memref<1x128xi32, #tpu.memory_space<vmem>>
        %dma_start3A_162 = tpu.memref_squeeze %dma_start3A_161 : memref<1x128xi32, #tpu.memory_space<vmem>> -> memref<128xi32, #tpu.memory_space<vmem>>
        %dma_start3A_163 = arith.constant 0 : i32
        %dma_start3A_164 = arith.constant 0 : i32
        %dma_start3A_165 = tpu.memref_slice %arg3[%dma_start3A_163, %dma_start3A_164] : memref<100000x64xf32, #tpu.memory_space<hbm>> -> memref<100000x64xf32, #tpu.memory_space<hbm>>
        tpu.enqueue_indirect_dma source(%dma_start3A_165 : memref<100000x64xf32, #tpu.memory_space<hbm>>) target(%arg6 : memref<128x64xf32, #tpu.memory_space<vmem>>) offsets(%dma_start3A_162 : memref<128xi32, #tpu.memory_space<vmem>>) semaphore(%arg10 : memref<!tpu.dma_semaphore, #tpu.memory_space<semaphore_mem>>)
      } else {
      }
      %dma_wait3A_126 = arith.constant 0 : i32
      %dma_wait3A_127 = arith.constant 0 : i32
      %dma_wait3A_128 = tpu.memref_slice %arg3[%dma_wait3A_126, %dma_wait3A_127] : memref<100000x64xf32, #tpu.memory_space<hbm>> -> memref<128x64xf32, #tpu.memory_space<hbm>>
      %dma_wait3A_129 = arith.constant 0 : i32
      %dma_wait3A_130 = arith.constant 0 : i32
      %dma_wait3A_131 = tpu.memref_slice %arg3[%dma_wait3A_129, %dma_wait3A_130] : memref<100000x64xf32, #tpu.memory_space<hbm>> -> memref<128x64xf32, #tpu.memory_space<hbm>>
      tpu.wait_dma2 semaphore(%arg11 : memref<!tpu.dma_semaphore, #tpu.memory_space<semaphore_mem>>) src(%dma_wait3A_131 : memref<128x64xf32, #tpu.memory_space<hbm>>) dst(%arg7 : memref<128x64xf32, #tpu.memory_space<vmem>>)
      %ge3A_132 = arith.constant 1 : i32
      %ge3A_133 = arith.cmpi sge, %scan3A_77, %ge3A_132 : i32
      %convert_element_type3A_134 = arith.extui %ge3A_133 : i1 to i32
      %cond3A_135 = arith.constant 0 : i32
      %cond3A_136 = arith.cmpi ne, %convert_element_type3A_134, %cond3A_135 : i32
      scf.if %cond3A_136 {
        %dma_wait3A_158 = arith.constant 0 : i32
        %dma_wait3A_159 = arith.constant 0 : i32
        %dma_wait3A_160 = arith.constant 0 : i32
        %dma_wait3A_161 = arith.constant 0 : i32
        %dma_wait3A_162 = arith.constant 0 : i32
        %dma_wait3A_163 = tpu.memref_slice %arg9[%dma_wait3A_160, %dma_wait3A_161, %dma_wait3A_162] : memref<8x8x128xf32, #tpu.memory_space<vmem>> -> memref<8x8x128xf32, #tpu.memory_space<vmem>>
        %dma_wait3A_164 = arith.constant 0 : i32
        %dma_wait3A_165 = arith.constant 0 : i32
        %dma_wait3A_166 = arith.constant 0 : i32
        %dma_wait3A_167 = tpu.memref_slice %arg4[%dma_wait3A_158, %dma_wait3A_164, %dma_wait3A_159, %dma_wait3A_165, %dma_wait3A_166] : memref<50x8x32x8x128xf32, #tpu.memory_space<hbm>> -> memref<1x8x1x8x128xf32, #tpu.memory_space<hbm>>
        %dma_wait3A_168 = tpu.memref_squeeze %dma_wait3A_167 : memref<1x8x1x8x128xf32, #tpu.memory_space<hbm>> -> memref<8x8x128xf32, #tpu.memory_space<hbm>>
        %dma_wait3A_169 = arith.constant 0 : i32
        %dma_wait3A_170 = arith.constant 0 : i32
        %dma_wait3A_171 = arith.constant 0 : i32
        %dma_wait3A_172 = tpu.memref_slice %arg4[%dma_wait3A_158, %dma_wait3A_169, %dma_wait3A_159, %dma_wait3A_170, %dma_wait3A_171] : memref<50x8x32x8x128xf32, #tpu.memory_space<hbm>> -> memref<1x8x1x8x128xf32, #tpu.memory_space<hbm>>
        %dma_wait3A_173 = tpu.memref_squeeze %dma_wait3A_172 : memref<1x8x1x8x128xf32, #tpu.memory_space<hbm>> -> memref<8x8x128xf32, #tpu.memory_space<hbm>>
        %dma_wait3A_174 = arith.constant 0 : i32
        %dma_wait3A_175 = arith.constant 0 : i32
        %dma_wait3A_176 = arith.constant 0 : i32
        %dma_wait3A_177 = tpu.memref_slice %arg9[%dma_wait3A_174, %dma_wait3A_175, %dma_wait3A_176] : memref<8x8x128xf32, #tpu.memory_space<vmem>> -> memref<8x8x128xf32, #tpu.memory_space<vmem>>
        tpu.wait_dma2 semaphore(%arg13 : memref<!tpu.dma_semaphore, #tpu.memory_space<semaphore_mem>>) src(%dma_wait3A_177 : memref<8x8x128xf32, #tpu.memory_space<vmem>>) dst(%dma_wait3A_173 : memref<8x8x128xf32, #tpu.memory_space<hbm>>)
      } else {
      }
      %parallel_loop3A_137 = arith.constant 0 : i32
      %parallel_loop3A_138 = arith.constant 16 : i32
      %parallel_loop3A_139 = arith.constant 1 : i32
      scf.for %parallel_loop3A_158 = %parallel_loop3A_137 to %parallel_loop3A_138 step %parallel_loop3A_139  : i32 {
        %parallel_loop3A_159 = vector.broadcast %parallel_loop3A_158 : i32 to vector<16xi32>
        %parallel_loop3A_160 = arith.addi %iota3A, %parallel_loop3A_159 : vector<16xi32>
        %parallel_loop3A_161 = arith.constant 15 : i32
        %parallel_loop3A_162 = vector.broadcast %parallel_loop3A_161 : i32 to vector<16xi32>
        %parallel_loop3A_163 = arith.andi %parallel_loop3A_160, %parallel_loop3A_162 : vector<16xi32>
        %parallel_loop3A_164 = arith.constant 0 : i32
        %parallel_loop3A_165 = vector.broadcast %parallel_loop3A_164 : i32 to vector<16xi32>
        %parallel_loop3A_166 = arith.addi %parallel_loop3A_163, %parallel_loop3A_165 : vector<16xi32>
        %parallel_loop3A_167 = arith.constant 3 : i32
        %parallel_loop3A_168 = vector.broadcast %parallel_loop3A_167 : i32 to vector<16xi32>
        %parallel_loop3A_169 = arith.shrsi %parallel_loop3A_166, %parallel_loop3A_168 : vector<16xi32>
        %parallel_loop3A_170 = arith.constant 7 : i32
        %parallel_loop3A_171 = vector.broadcast %parallel_loop3A_170 : i32 to vector<16xi32>
        %parallel_loop3A_172 = arith.andi %parallel_loop3A_166, %parallel_loop3A_171 : vector<16xi32>
        %parallel_loop3A_173 = tpu.vector_load_idx %arg7[%add3A_11, %parallel_loop3A_166] : memref<128x64xf32, #tpu.memory_space<vmem>>[vector<16xi32>, vector<16xi32>], vector<16xf32>,
        tpu.vector_store_idx %arg9[%parallel_loop3A_169, %parallel_loop3A_172, %add3A_11], %parallel_loop3A_173 : memref<8x8x128xf32, #tpu.memory_space<vmem>>[vector<16xi32>, vector<16xi32>, vector<16xi32>], vector<16xf32>,
        %parallel_loop3A_174 = tpu.vector_load_idx %arg7[%add3A_14, %parallel_loop3A_166] : memref<128x64xf32, #tpu.memory_space<vmem>>[vector<16xi32>, vector<16xi32>], vector<16xf32>,
        tpu.vector_store_idx %arg9[%parallel_loop3A_169, %parallel_loop3A_172, %add3A_14], %parallel_loop3A_174 : memref<8x8x128xf32, #tpu.memory_space<vmem>>[vector<16xi32>, vector<16xi32>, vector<16xi32>], vector<16xf32>,
        %parallel_loop3A_175 = tpu.vector_load_idx %arg7[%add3A_17, %parallel_loop3A_166] : memref<128x64xf32, #tpu.memory_space<vmem>>[vector<16xi32>, vector<16xi32>], vector<16xf32>,
        tpu.vector_store_idx %arg9[%parallel_loop3A_169, %parallel_loop3A_172, %add3A_17], %parallel_loop3A_175 : memref<8x8x128xf32, #tpu.memory_space<vmem>>[vector<16xi32>, vector<16xi32>, vector<16xi32>], vector<16xf32>,
        %parallel_loop3A_176 = tpu.vector_load_idx %arg7[%add3A_20, %parallel_loop3A_166] : memref<128x64xf32, #tpu.memory_space<vmem>>[vector<16xi32>, vector<16xi32>], vector<16xf32>,
        tpu.vector_store_idx %arg9[%parallel_loop3A_169, %parallel_loop3A_172, %add3A_20], %parallel_loop3A_176 : memref<8x8x128xf32, #tpu.memory_space<vmem>>[vector<16xi32>, vector<16xi32>, vector<16xi32>], vector<16xf32>,
        %parallel_loop3A_177 = tpu.vector_load_idx %arg7[%add3A_23, %parallel_loop3A_166] : memref<128x64xf32, #tpu.memory_space<vmem>>[vector<16xi32>, vector<16xi32>], vector<16xf32>,
        tpu.vector_store_idx %arg9[%parallel_loop3A_169, %parallel_loop3A_172, %add3A_23], %parallel_loop3A_177 : memref<8x8x128xf32, #tpu.memory_space<vmem>>[vector<16xi32>, vector<16xi32>, vector<16xi32>], vector<16xf32>,
        %parallel_loop3A_178 = tpu.vector_load_idx %arg7[%add3A_26, %parallel_loop3A_166] : memref<128x64xf32, #tpu.memory_space<vmem>>[vector<16xi32>, vector<16xi32>], vector<16xf32>,
        tpu.vector_store_idx %arg9[%parallel_loop3A_169, %parallel_loop3A_172, %add3A_26], %parallel_loop3A_178 : memref<8x8x128xf32, #tpu.memory_space<vmem>>[vector<16xi32>, vector<16xi32>, vector<16xi32>], vector<16xf32>,
        %parallel_loop3A_179 = tpu.vector_load_idx %arg7[%add3A_29, %parallel_loop3A_166] : memref<128x64xf32, #tpu.memory_space<vmem>>[vector<16xi32>, vector<16xi32>], vector<16xf32>,
        tpu.vector_store_idx %arg9[%parallel_loop3A_169, %parallel_loop3A_172, %add3A_29], %parallel_loop3A_179 : memref<8x8x128xf32, #tpu.memory_space<vmem>>[vector<16xi32>, vector<16xi32>, vector<16xi32>], vector<16xf32>,
        %parallel_loop3A_180 = tpu.vector_load_idx %arg7[%add3A_32, %parallel_loop3A_166] : memref<128x64xf32, #tpu.memory_space<vmem>>[vector<16xi32>, vector<16xi32>], vector<16xf32>,
        tpu.vector_store_idx %arg9[%parallel_loop3A_169, %parallel_loop3A_172, %add3A_32], %parallel_loop3A_180 : memref<8x8x128xf32, #tpu.memory_space<vmem>>[vector<16xi32>, vector<16xi32>, vector<16xi32>], vector<16xf32>,
        %parallel_loop3A_181 = arith.constant 16 : i32
        %parallel_loop3A_182 = vector.broadcast %parallel_loop3A_181 : i32 to vector<16xi32>
        %parallel_loop3A_183 = arith.addi %parallel_loop3A_163, %parallel_loop3A_182 : vector<16xi32>
        %parallel_loop3A_184 = arith.constant 3 : i32
        %parallel_loop3A_185 = vector.broadcast %parallel_loop3A_184 : i32 to vector<16xi32>
        %parallel_loop3A_186 = arith.shrsi %parallel_loop3A_183, %parallel_loop3A_185 : vector<16xi32>
        %parallel_loop3A_187 = arith.constant 7 : i32
        %parallel_loop3A_188 = vector.broadcast %parallel_loop3A_187 : i32 to vector<16xi32>
        %parallel_loop3A_189 = arith.andi %parallel_loop3A_183, %parallel_loop3A_188 : vector<16xi32>
        %parallel_loop3A_190 = tpu.vector_load_idx %arg7[%add3A_11, %parallel_loop3A_183] : memref<128x64xf32, #tpu.memory_space<vmem>>[vector<16xi32>, vector<16xi32>], vector<16xf32>,
        tpu.vector_store_idx %arg9[%parallel_loop3A_186, %parallel_loop3A_189, %add3A_11], %parallel_loop3A_190 : memref<8x8x128xf32, #tpu.memory_space<vmem>>[vector<16xi32>, vector<16xi32>, vector<16xi32>], vector<16xf32>,
        %parallel_loop3A_191 = tpu.vector_load_idx %arg7[%add3A_14, %parallel_loop3A_183] : memref<128x64xf32, #tpu.memory_space<vmem>>[vector<16xi32>, vector<16xi32>], vector<16xf32>,
        tpu.vector_store_idx %arg9[%parallel_loop3A_186, %parallel_loop3A_189, %add3A_14], %parallel_loop3A_191 : memref<8x8x128xf32, #tpu.memory_space<vmem>>[vector<16xi32>, vector<16xi32>, vector<16xi32>], vector<16xf32>,
        %parallel_loop3A_192 = tpu.vector_load_idx %arg7[%add3A_17, %parallel_loop3A_183] : memref<128x64xf32, #tpu.memory_space<vmem>>[vector<16xi32>, vector<16xi32>], vector<16xf32>,
        tpu.vector_store_idx %arg9[%parallel_loop3A_186, %parallel_loop3A_189, %add3A_17], %parallel_loop3A_192 : memref<8x8x128xf32, #tpu.memory_space<vmem>>[vector<16xi32>, vector<16xi32>, vector<16xi32>], vector<16xf32>,
        %parallel_loop3A_193 = tpu.vector_load_idx %arg7[%add3A_20, %parallel_loop3A_183] : memref<128x64xf32, #tpu.memory_space<vmem>>[vector<16xi32>, vector<16xi32>], vector<16xf32>,
        tpu.vector_store_idx %arg9[%parallel_loop3A_186, %parallel_loop3A_189, %add3A_20], %parallel_loop3A_193 : memref<8x8x128xf32, #tpu.memory_space<vmem>>[vector<16xi32>, vector<16xi32>, vector<16xi32>], vector<16xf32>,
        %parallel_loop3A_194 = tpu.vector_load_idx %arg7[%add3A_23, %parallel_loop3A_183] : memref<128x64xf32, #tpu.memory_space<vmem>>[vector<16xi32>, vector<16xi32>], vector<16xf32>,
        tpu.vector_store_idx %arg9[%parallel_loop3A_186, %parallel_loop3A_189, %add3A_23], %parallel_loop3A_194 : memref<8x8x128xf32, #tpu.memory_space<vmem>>[vector<16xi32>, vector<16xi32>, vector<16xi32>], vector<16xf32>,
        %parallel_loop3A_195 = tpu.vector_load_idx %arg7[%add3A_26, %parallel_loop3A_183] : memref<128x64xf32, #tpu.memory_space<vmem>>[vector<16xi32>, vector<16xi32>], vector<16xf32>,
        tpu.vector_store_idx %arg9[%parallel_loop3A_186, %parallel_loop3A_189, %add3A_26], %parallel_loop3A_195 : memref<8x8x128xf32, #tpu.memory_space<vmem>>[vector<16xi32>, vector<16xi32>, vector<16xi32>], vector<16xf32>,
        %parallel_loop3A_196 = tpu.vector_load_idx %arg7[%add3A_29, %parallel_loop3A_183] : memref<128x64xf32, #tpu.memory_space<vmem>>[vector<16xi32>, vector<16xi32>], vector<16xf32>,
        tpu.vector_store_idx %arg9[%parallel_loop3A_186, %parallel_loop3A_189, %add3A_29], %parallel_loop3A_196 : memref<8x8x128xf32, #tpu.memory_space<vmem>>[vector<16xi32>, vector<16xi32>, vector<16xi32>], vector<16xf32>,
        %parallel_loop3A_197 = tpu.vector_load_idx %arg7[%add3A_32, %parallel_loop3A_183] : memref<128x64xf32, #tpu.memory_space<vmem>>[vector<16xi32>, vector<16xi32>], vector<16xf32>,
        tpu.vector_store_idx %arg9[%parallel_loop3A_186, %parallel_loop3A_189, %add3A_32], %parallel_loop3A_197 : memref<8x8x128xf32, #tpu.memory_space<vmem>>[vector<16xi32>, vector<16xi32>, vector<16xi32>], vector<16xf32>,
        %parallel_loop3A_198 = arith.constant 32 : i32
        %parallel_loop3A_199 = vector.broadcast %parallel_loop3A_198 : i32 to vector<16xi32>
        %parallel_loop3A_200 = arith.addi %parallel_loop3A_163, %parallel_loop3A_199 : vector<16xi32>
        %parallel_loop3A_201 = arith.constant 3 : i32
        %parallel_loop3A_202 = vector.broadcast %parallel_loop3A_201 : i32 to vector<16xi32>
        %parallel_loop3A_203 = arith.shrsi %parallel_loop3A_200, %parallel_loop3A_202 : vector<16xi32>
        %parallel_loop3A_204 = arith.constant 7 : i32
        %parallel_loop3A_205 = vector.broadcast %parallel_loop3A_204 : i32 to vector<16xi32>
        %parallel_loop3A_206 = arith.andi %parallel_loop3A_200, %parallel_loop3A_205 : vector<16xi32>
        %parallel_loop3A_207 = tpu.vector_load_idx %arg7[%add3A_11, %parallel_loop3A_200] : memref<128x64xf32, #tpu.memory_space<vmem>>[vector<16xi32>, vector<16xi32>], vector<16xf32>,
        tpu.vector_store_idx %arg9[%parallel_loop3A_203, %parallel_loop3A_206, %add3A_11], %parallel_loop3A_207 : memref<8x8x128xf32, #tpu.memory_space<vmem>>[vector<16xi32>, vector<16xi32>, vector<16xi32>], vector<16xf32>,
        %parallel_loop3A_208 = tpu.vector_load_idx %arg7[%add3A_14, %parallel_loop3A_200] : memref<128x64xf32, #tpu.memory_space<vmem>>[vector<16xi32>, vector<16xi32>], vector<16xf32>,
        tpu.vector_store_idx %arg9[%parallel_loop3A_203, %parallel_loop3A_206, %add3A_14], %parallel_loop3A_208 : memref<8x8x128xf32, #tpu.memory_space<vmem>>[vector<16xi32>, vector<16xi32>, vector<16xi32>], vector<16xf32>,
        %parallel_loop3A_209 = tpu.vector_load_idx %arg7[%add3A_17, %parallel_loop3A_200] : memref<128x64xf32, #tpu.memory_space<vmem>>[vector<16xi32>, vector<16xi32>], vector<16xf32>,
        tpu.vector_store_idx %arg9[%parallel_loop3A_203, %parallel_loop3A_206, %add3A_17], %parallel_loop3A_209 : memref<8x8x128xf32, #tpu.memory_space<vmem>>[vector<16xi32>, vector<16xi32>, vector<16xi32>], vector<16xf32>,
        %parallel_loop3A_210 = tpu.vector_load_idx %arg7[%add3A_20, %parallel_loop3A_200] : memref<128x64xf32, #tpu.memory_space<vmem>>[vector<16xi32>, vector<16xi32>], vector<16xf32>,
        tpu.vector_store_idx %arg9[%parallel_loop3A_203, %parallel_loop3A_206, %add3A_20], %parallel_loop3A_210 : memref<8x8x128xf32, #tpu.memory_space<vmem>>[vector<16xi32>, vector<16xi32>, vector<16xi32>], vector<16xf32>,
        %parallel_loop3A_211 = tpu.vector_load_idx %arg7[%add3A_23, %parallel_loop3A_200] : memref<128x64xf32, #tpu.memory_space<vmem>>[vector<16xi32>, vector<16xi32>], vector<16xf32>,
        tpu.vector_store_idx %arg9[%parallel_loop3A_203, %parallel_loop3A_206, %add3A_23], %parallel_loop3A_211 : memref<8x8x128xf32, #tpu.memory_space<vmem>>[vector<16xi32>, vector<16xi32>, vector<16xi32>], vector<16xf32>,
        %parallel_loop3A_212 = tpu.vector_load_idx %arg7[%add3A_26, %parallel_loop3A_200] : memref<128x64xf32, #tpu.memory_space<vmem>>[vector<16xi32>, vector<16xi32>], vector<16xf32>,
        tpu.vector_store_idx %arg9[%parallel_loop3A_203, %parallel_loop3A_206, %add3A_26], %parallel_loop3A_212 : memref<8x8x128xf32, #tpu.memory_space<vmem>>[vector<16xi32>, vector<16xi32>, vector<16xi32>], vector<16xf32>,
        %parallel_loop3A_213 = tpu.vector_load_idx %arg7[%add3A_29, %parallel_loop3A_200] : memref<128x64xf32, #tpu.memory_space<vmem>>[vector<16xi32>, vector<16xi32>], vector<16xf32>,
        tpu.vector_store_idx %arg9[%parallel_loop3A_203, %parallel_loop3A_206, %add3A_29], %parallel_loop3A_213 : memref<8x8x128xf32, #tpu.memory_space<vmem>>[vector<16xi32>, vector<16xi32>, vector<16xi32>], vector<16xf32>,
        %parallel_loop3A_214 = tpu.vector_load_idx %arg7[%add3A_32, %parallel_loop3A_200] : memref<128x64xf32, #tpu.memory_space<vmem>>[vector<16xi32>, vector<16xi32>], vector<16xf32>,
        tpu.vector_store_idx %arg9[%parallel_loop3A_203, %parallel_loop3A_206, %add3A_32], %parallel_loop3A_214 : memref<8x8x128xf32, #tpu.memory_space<vmem>>[vector<16xi32>, vector<16xi32>, vector<16xi32>], vector<16xf32>,
        %parallel_loop3A_215 = arith.constant 48 : i32
        %parallel_loop3A_216 = vector.broadcast %parallel_loop3A_215 : i32 to vector<16xi32>
        %parallel_loop3A_217 = arith.addi %parallel_loop3A_163, %parallel_loop3A_216 : vector<16xi32>
        %parallel_loop3A_218 = arith.constant 3 : i32
        %parallel_loop3A_219 = vector.broadcast %parallel_loop3A_218 : i32 to vector<16xi32>
        %parallel_loop3A_220 = arith.shrsi %parallel_loop3A_217, %parallel_loop3A_219 : vector<16xi32>
        %parallel_loop3A_221 = arith.constant 7 : i32
        %parallel_loop3A_222 = vector.broadcast %parallel_loop3A_221 : i32 to vector<16xi32>
        %parallel_loop3A_223 = arith.andi %parallel_loop3A_217, %parallel_loop3A_222 : vector<16xi32>
        %parallel_loop3A_224 = tpu.vector_load_idx %arg7[%add3A_11, %parallel_loop3A_217] : memref<128x64xf32, #tpu.memory_space<vmem>>[vector<16xi32>, vector<16xi32>], vector<16xf32>,
        tpu.vector_store_idx %arg9[%parallel_loop3A_220, %parallel_loop3A_223, %add3A_11], %parallel_loop3A_224 : memref<8x8x128xf32, #tpu.memory_space<vmem>>[vector<16xi32>, vector<16xi32>, vector<16xi32>], vector<16xf32>,
        %parallel_loop3A_225 = tpu.vector_load_idx %arg7[%add3A_14, %parallel_loop3A_217] : memref<128x64xf32, #tpu.memory_space<vmem>>[vector<16xi32>, vector<16xi32>], vector<16xf32>,
        tpu.vector_store_idx %arg9[%parallel_loop3A_220, %parallel_loop3A_223, %add3A_14], %parallel_loop3A_225 : memref<8x8x128xf32, #tpu.memory_space<vmem>>[vector<16xi32>, vector<16xi32>, vector<16xi32>], vector<16xf32>,
        %parallel_loop3A_226 = tpu.vector_load_idx %arg7[%add3A_17, %parallel_loop3A_217] : memref<128x64xf32, #tpu.memory_space<vmem>>[vector<16xi32>, vector<16xi32>], vector<16xf32>,
        tpu.vector_store_idx %arg9[%parallel_loop3A_220, %parallel_loop3A_223, %add3A_17], %parallel_loop3A_226 : memref<8x8x128xf32, #tpu.memory_space<vmem>>[vector<16xi32>, vector<16xi32>, vector<16xi32>], vector<16xf32>,
        %parallel_loop3A_227 = tpu.vector_load_idx %arg7[%add3A_20, %parallel_loop3A_217] : memref<128x64xf32, #tpu.memory_space<vmem>>[vector<16xi32>, vector<16xi32>], vector<16xf32>,
        tpu.vector_store_idx %arg9[%parallel_loop3A_220, %parallel_loop3A_223, %add3A_20], %parallel_loop3A_227 : memref<8x8x128xf32, #tpu.memory_space<vmem>>[vector<16xi32>, vector<16xi32>, vector<16xi32>], vector<16xf32>,
        %parallel_loop3A_228 = tpu.vector_load_idx %arg7[%add3A_23, %parallel_loop3A_217] : memref<128x64xf32, #tpu.memory_space<vmem>>[vector<16xi32>, vector<16xi32>], vector<16xf32>,
        tpu.vector_store_idx %arg9[%parallel_loop3A_220, %parallel_loop3A_223, %add3A_23], %parallel_loop3A_228 : memref<8x8x128xf32, #tpu.memory_space<vmem>>[vector<16xi32>, vector<16xi32>, vector<16xi32>], vector<16xf32>,
        %parallel_loop3A_229 = tpu.vector_load_idx %arg7[%add3A_26, %parallel_loop3A_217] : memref<128x64xf32, #tpu.memory_space<vmem>>[vector<16xi32>, vector<16xi32>], vector<16xf32>,
        tpu.vector_store_idx %arg9[%parallel_loop3A_220, %parallel_loop3A_223, %add3A_26], %parallel_loop3A_229 : memref<8x8x128xf32, #tpu.memory_space<vmem>>[vector<16xi32>, vector<16xi32>, vector<16xi32>], vector<16xf32>,
        %parallel_loop3A_230 = tpu.vector_load_idx %arg7[%add3A_29, %parallel_loop3A_217] : memref<128x64xf32, #tpu.memory_space<vmem>>[vector<16xi32>, vector<16xi32>], vector<16xf32>,
        tpu.vector_store_idx %arg9[%parallel_loop3A_220, %parallel_loop3A_223, %add3A_29], %parallel_loop3A_230 : memref<8x8x128xf32, #tpu.memory_space<vmem>>[vector<16xi32>, vector<16xi32>, vector<16xi32>], vector<16xf32>,
        %parallel_loop3A_231 = tpu.vector_load_idx %arg7[%add3A_32, %parallel_loop3A_217] : memref<128x64xf32, #tpu.memory_space<vmem>>[vector<16xi32>, vector<16xi32>], vector<16xf32>,
        tpu.vector_store_idx %arg9[%parallel_loop3A_220, %parallel_loop3A_223, %add3A_32], %parallel_loop3A_231 : memref<8x8x128xf32, #tpu.memory_space<vmem>>[vector<16xi32>, vector<16xi32>, vector<16xi32>], vector<16xf32>,
      } {sc.loop_unroll_factor = 2 : i64, sc.parallel_access}
      %dma_start3A_140 = arith.constant 0 : i32
      %dma_start3A_141 = arith.constant 0 : i32
      %dma_start3A_142 = arith.constant 0 : i32
      %dma_start3A_143 = tpu.memref_slice %arg9[%dma_start3A_140, %dma_start3A_141, %dma_start3A_142] : memref<8x8x128xf32, #tpu.memory_space<vmem>> -> memref<8x8x128xf32, #tpu.memory_space<vmem>>
      %dma_start3A_144 = arith.constant 0 : i32
      %dma_start3A_145 = arith.constant 0 : i32
      %dma_start3A_146 = arith.constant 0 : i32
      %dma_start3A_147 = tpu.memref_slice %arg4[%add3A_121, %dma_start3A_144, %add3A, %dma_start3A_145, %dma_start3A_146] : memref<50x8x32x8x128xf32, #tpu.memory_space<hbm>> -> memref<1x8x1x8x128xf32, #tpu.memory_space<hbm>>
      %dma_start3A_148 = tpu.memref_squeeze %dma_start3A_147 : memref<1x8x1x8x128xf32, #tpu.memory_space<hbm>> -> memref<8x8x128xf32, #tpu.memory_space<hbm>>
      %dma_start3A_149 = arith.constant 0 : i32
      %dma_start3A_150 = arith.constant 0 : i32
      %dma_start3A_151 = arith.constant 0 : i32
      %dma_start3A_152 = tpu.memref_slice %arg4[%add3A_121, %dma_start3A_149, %add3A, %dma_start3A_150, %dma_start3A_151] : memref<50x8x32x8x128xf32, #tpu.memory_space<hbm>> -> memref<1x8x1x8x128xf32, #tpu.memory_space<hbm>>
      %dma_start3A_153 = tpu.memref_squeeze %dma_start3A_152 : memref<1x8x1x8x128xf32, #tpu.memory_space<hbm>> -> memref<8x8x128xf32, #tpu.memory_space<hbm>>
      %dma_start3A_154 = arith.constant 0 : i32
      %dma_start3A_155 = arith.constant 0 : i32
      %dma_start3A_156 = arith.constant 0 : i32
      %dma_start3A_157 = tpu.memref_slice %arg9[%dma_start3A_154, %dma_start3A_155, %dma_start3A_156] : memref<8x8x128xf32, #tpu.memory_space<vmem>> -> memref<8x8x128xf32, #tpu.memory_space<vmem>>
      tpu.enqueue_dma source(%dma_start3A_157 : memref<8x8x128xf32, #tpu.memory_space<vmem>>) target(%dma_start3A_153 : memref<8x8x128xf32, #tpu.memory_space<hbm>>) target_semaphore(%arg13 : memref<!tpu.dma_semaphore, #tpu.memory_space<semaphore_mem>>)
    }
    %scan3A_37 = arith.constant 25 : i32
    %dma_wait3A = arith.constant 0 : i32
    %dma_wait3A_38 = arith.constant 0 : i32
    %dma_wait3A_39 = arith.constant 0 : i32
    %dma_wait3A_40 = arith.constant 0 : i32
    %dma_wait3A_41 = arith.constant 0 : i32
    %dma_wait3A_42 = tpu.memref_slice %arg8[%dma_wait3A_39, %dma_wait3A_40, %dma_wait3A_41] : memref<8x8x128xf32, #tpu.memory_space<vmem>> -> memref<8x8x128xf32, #tpu.memory_space<vmem>>
    %dma_wait3A_43 = arith.constant 0 : i32
    %dma_wait3A_44 = arith.constant 0 : i32
    %dma_wait3A_45 = arith.constant 0 : i32
    %dma_wait3A_46 = tpu.memref_slice %arg4[%dma_wait3A, %dma_wait3A_43, %dma_wait3A_38, %dma_wait3A_44, %dma_wait3A_45] : memref<50x8x32x8x128xf32, #tpu.memory_space<hbm>> -> memref<1x8x1x8x128xf32, #tpu.memory_space<hbm>>
    %dma_wait3A_47 = tpu.memref_squeeze %dma_wait3A_46 : memref<1x8x1x8x128xf32, #tpu.memory_space<hbm>> -> memref<8x8x128xf32, #tpu.memory_space<hbm>>
    %dma_wait3A_48 = arith.constant 0 : i32
    %dma_wait3A_49 = arith.constant 0 : i32
    %dma_wait3A_50 = arith.constant 0 : i32
    %dma_wait3A_51 = tpu.memref_slice %arg4[%dma_wait3A, %dma_wait3A_48, %dma_wait3A_38, %dma_wait3A_49, %dma_wait3A_50] : memref<50x8x32x8x128xf32, #tpu.memory_space<hbm>> -> memref<1x8x1x8x128xf32, #tpu.memory_space<hbm>>
    %dma_wait3A_52 = tpu.memref_squeeze %dma_wait3A_51 : memref<1x8x1x8x128xf32, #tpu.memory_space<hbm>> -> memref<8x8x128xf32, #tpu.memory_space<hbm>>
    %dma_wait3A_53 = arith.constant 0 : i32
    %dma_wait3A_54 = arith.constant 0 : i32
    %dma_wait3A_55 = arith.constant 0 : i32
    %dma_wait3A_56 = tpu.memref_slice %arg8[%dma_wait3A_53, %dma_wait3A_54, %dma_wait3A_55] : memref<8x8x128xf32, #tpu.memory_space<vmem>> -> memref<8x8x128xf32, #tpu.memory_space<vmem>>
    tpu.wait_dma2 semaphore(%arg12 : memref<!tpu.dma_semaphore, #tpu.memory_space<semaphore_mem>>) src(%dma_wait3A_56 : memref<8x8x128xf32, #tpu.memory_space<vmem>>) dst(%dma_wait3A_52 : memref<8x8x128xf32, #tpu.memory_space<hbm>>)
    %dma_wait3A_57 = arith.constant 0 : i32
    %dma_wait3A_58 = arith.constant 0 : i32
    %dma_wait3A_59 = arith.constant 0 : i32
    %dma_wait3A_60 = arith.constant 0 : i32
    %dma_wait3A_61 = arith.constant 0 : i32
    %dma_wait3A_62 = tpu.memref_slice %arg9[%dma_wait3A_59, %dma_wait3A_60, %dma_wait3A_61] : memref<8x8x128xf32, #tpu.memory_space<vmem>> -> memref<8x8x128xf32, #tpu.memory_space<vmem>>
    %dma_wait3A_63 = arith.constant 0 : i32
    %dma_wait3A_64 = arith.constant 0 : i32
    %dma_wait3A_65 = arith.constant 0 : i32
    %dma_wait3A_66 = tpu.memref_slice %arg4[%dma_wait3A_57, %dma_wait3A_63, %dma_wait3A_58, %dma_wait3A_64, %dma_wait3A_65] : memref<50x8x32x8x128xf32, #tpu.memory_space<hbm>> -> memref<1x8x1x8x128xf32, #tpu.memory_space<hbm>>
    %dma_wait3A_67 = tpu.memref_squeeze %dma_wait3A_66 : memref<1x8x1x8x128xf32, #tpu.memory_space<hbm>> -> memref<8x8x128xf32, #tpu.memory_space<hbm>>
    %dma_wait3A_68 = arith.constant 0 : i32
    %dma_wait3A_69 = arith.constant 0 : i32
    %dma_wait3A_70 = arith.constant 0 : i32
    %dma_wait3A_71 = tpu.memref_slice %arg4[%dma_wait3A_57, %dma_wait3A_68, %dma_wait3A_58, %dma_wait3A_69, %dma_wait3A_70] : memref<50x8x32x8x128xf32, #tpu.memory_space<hbm>> -> memref<1x8x1x8x128xf32, #tpu.memory_space<hbm>>
    %dma_wait3A_72 = tpu.memref_squeeze %dma_wait3A_71 : memref<1x8x1x8x128xf32, #tpu.memory_space<hbm>> -> memref<8x8x128xf32, #tpu.memory_space<hbm>>
    %dma_wait3A_73 = arith.constant 0 : i32
    %dma_wait3A_74 = arith.constant 0 : i32
    %dma_wait3A_75 = arith.constant 0 : i32
    %dma_wait3A_76 = tpu.memref_slice %arg9[%dma_wait3A_73, %dma_wait3A_74, %dma_wait3A_75] : memref<8x8x128xf32, #tpu.memory_space<vmem>> -> memref<8x8x128xf32, #tpu.memory_space<vmem>>
    tpu.wait_dma2 semaphore(%arg13 : memref<!tpu.dma_semaphore, #tpu.memory_space<semaphore_mem>>) src(%dma_wait3A_76 : memref<8x8x128xf32, #tpu.memory_space<vmem>>) dst(%dma_wait3A_72 : memref<8x8x128xf32, #tpu.memory_space<hbm>>)
    return
  }
}

</mosaic_0001>

<sc_bundles>
// kernel: kernel.3.cloned.1.call-start
scs
__scs_entry_jumppad:
0x0: {  	(pc) =	sbr.rel $0x88, $3  }
0x1: {  	(tag) =	ssettag $0x0;
	lr =	simm.s32 $0x1  }
0x2: {  	[smem:$0x3F9F] =	sst lr;
	_ =	strace $0xD0000000  }
0x3: {  	_ = 	snop  }
0x4: {  	_ = 	snop  }
0x5: {  	_ = 	snop  }
0x6: {  	_ = 	snop  }
0x7: {  	_ = 	snop  }
__scs_overlays_trampoline_lowered:
0x8: {  	[smem:$0x3FAE] =	sst s0  }
0x9: {  	[smem:$0x3FAF] =	sst s1  }
0xa: {  	[smem:$0x3FB0] =	sst s2  }
0xb: {  	[smem:$0x3FB1] =	sst s3  }
0xc: {  	[smem:$0x3FB2] =	sst s4  }
0xd: {  	[smem:$0x3FB3] =	sst s5  }
0xe: {  	[smem:$0x3FB4] =	sst s6  }
0xf: {  	[smem:$0x3FB5] =	sst s7  }
0x10: {  	[smem:$0x3FB6] =	sst s8  }
0x11: {  	[smem:$0x3FB7] =	sst s9;
	s0 =	simm.s32 @!p0 $0x0  }
0x12: {  	s1 =	sld [smem:$0x3F9D];
	s0 =	simm.s32 @p0 $0x1  }
0x13: {  	[smem:$0x3FB8] =	sst s0;
	s0 =	simm.s32 @!p1 $0x0  }
0x14: {  	s2 =	sld [smem:$0x3F9C];
	s0 =	simm.s32 @p1 $0x1  }
0x15: {  	[smem:$0x3FB9] =	sst s0;
	s0 =	simm.s32 @!p2 $0x0  }
0x16: {  	s3 =	sld [smem:$0x3FDB];
	s0 =	simm.s32 @p2 $0x1  }
0x17: {  	s4 =	simm.s32 $0x1BF5;
	[smem:$0x3FBB] =	sst s0  }
0x18: {  	s0 =	sld [smem:$0x3F9E];
	_ =	swait.ge [sflag:s4], $0x0  }
0x19: {  	s7 =	sld [smem:$0x3F9F]  }
0x1a: {  	s8 =	sadd.s32 $0xFFFFE003, lr  }
0x1b: {  	s9 =	sadd.s32 $0xFFFFFEF7, lr;
	s5 =	simm.s32 $0xFFFFFFFF;
	p2 =	slt.u32 s8, $0xFFFFF086  }
0x1c: {  	p1 =	slt.u32 s9, $0xF7A;
	s5 =	simm.s32 @!p2 $0x0  }
0x1d: {  	s5 =	simm.s32 @p1 $0x1;
	p0 =	seq.s32 s7, s2  }
0x1e: {  	s7 =	smul.u32 @!p0 $0xF7A, s2;
	p2 =	seq.s32 @!p0 s5, $0x0  }
0x1f: {  	s9 =	smul.u32 $0xF7A, s1;
	s8 =	simm.s32 @!p0 $0x1BF5;
	p2 =	por !p2, p0  }
0x20: {  	[sflag:s8] =	ssyncset.s32 @!p0 $0xFFFFF086;
	s6 =	sadd.s32 @!p0 s3, s7;
	s7 =	simm.s32 @!p0 $0x108  }
0x21: {  	s3 =	sadd.s32 s3, s9;
	s6 =	sadd.s32 @!p0 $0x88, s6;
	s7 =	simm.s32 @p2 $0x1082  }
0x22: {  	[simem:s7], [sflag:s8] =	dma.local @!p0 [hbm:s6], $0xF7A  }
0x23: {  	s9 =	sor.u32 $0xD0000000, s2;
	s6 =	simm.s32 $0x108;
	_ =	swait.ge @!p0 [sflag:s8], $0x0  }
0x24: {  	s3 =	sadd.s32 $0x88, s3;
	s6 =	simm.s32 @!p1 $0x1082;
	[sflag:s4] =	ssyncset.s32 $0xFFFFF086  }
0x25: {  	[simem:s6], [sflag:s4] =	dma.local [hbm:s3], $0xF7A  }
0x26: {  	[smem:$0x3F9F] =	sst s1;
	(tag) =	ssettag s2;
	_ =	strace s9  }
0x27: {  	s1 =	sld [smem:$0x3FAF]  }
0x28: {  	s2 =	sld [smem:$0x3FB0]  }
0x29: {  	s4 =	sld [smem:$0x3FB2]  }
0x2a: {  	p0 =	seq.s32 s5, $0x0;
	s5 =	sld [smem:$0x3FB3]  }
0x2b: {  	s6 =	sld [smem:$0x3FB4]  }
0x2c: {  	s7 =	sld [smem:$0x3FB5]  }
0x2d: {  	s3 =	simm.s32 $0x108;
	s8 =	sld [smem:$0x3FB6]  }
0x2e: {  	s3 =	simm.s32 @!p0 $0x1082;
	s9 =	sld [smem:$0x3FB7]  }
0x2f: {  	lr =	sadd.s32 s0, s3;
	s0 =	sld [smem:$0x3FAE]  }
0x30: {  	s3 =	sld [smem:$0x3FB1]  }
0x31: {  	[smem:$0x3FBA] =	sst s10  }
0x32: {  	s10 =	sld [smem:$0x3FB8];
	_ =	sdelay $0x3  }
0x33: {  	p0 =	seq.s32 s10, $0x1;
	s10 =	sld [smem:$0x3FBA];
	_ =	sdelay $0x3  }
0x34: {  	[smem:$0x3FBA] =	sst s10  }
0x35: {  	s10 =	sld [smem:$0x3FB9];
	_ =	sdelay $0x3  }
0x36: {  	p1 =	seq.s32 s10, $0x1;
	s10 =	sld [smem:$0x3FBA];
	_ =	sdelay $0x3  }
0x37: {  	[smem:$0x3FBA] =	sst s10  }
0x38: {  	s10 =	sld [smem:$0x3FBB]  }
0x39: {  	_ = 	snop;
	(pc) =	sbr.ind lr, $3  }
0x3a: {  	_ = 	snop  }
0x3b: {  	_ = 	snop  }
0x3c: {  	p2 =	seq.s32 s10, $0x1;
	s10 =	sld [smem:$0x3FBA]  }
0x3d: {  	_ =	shalt  }
0x3e: {  	_ =	shalt  }
0x3f: {  	_ =	shalt  }
0x40: {  	_ =	shalt  }
0x41: {  	_ =	shalt  }
0x42: {  	_ =	shalt  }
0x43: {  	_ =	shalt  }
0x44: {  	_ =	shalt  }
0x45: {  	_ =	shalt  }
0x46: {  	_ =	shalt  }
0x47: {  	_ =	shalt  }
0x48: {  	_ =	shalt  }
0x49: {  	_ =	shalt  }
0x4a: {  	_ =	shalt  }
0x4b: {  	_ =	shalt  }
0x4c: {  	_ =	shalt  }
0x4d: {  	_ =	shalt  }
0x4e: {  	_ =	shalt  }
0x4f: {  	_ =	shalt  }
0x50: {  	_ =	shalt  }
0x51: {  	_ =	shalt  }
0x52: {  	_ =	shalt  }
0x53: {  	_ =	shalt  }
0x54: {  	_ =	shalt  }
0x55: {  	_ =	shalt  }
0x56: {  	_ =	shalt  }
0x57: {  	_ =	shalt  }
0x58: {  	_ =	shalt  }
0x59: {  	_ =	shalt  }
0x5a: {  	_ =	shalt  }
0x5b: {  	_ =	shalt  }
0x5c: {  	_ =	shalt  }
0x5d: {  	_ =	shalt  }
0x5e: {  	_ =	shalt  }
0x5f: {  	_ =	shalt  }
0x60: {  	_ =	shalt  }
0x61: {  	_ =	shalt  }
0x62: {  	_ =	shalt  }
0x63: {  	_ =	shalt  }
0x64: {  	_ =	shalt  }
0x65: {  	_ =	shalt  }
0x66: {  	_ =	shalt  }
0x67: {  	_ =	shalt  }
0x68: {  	_ =	shalt  }
0x69: {  	_ =	shalt  }
0x6a: {  	_ =	shalt  }
0x6b: {  	_ =	shalt  }
0x6c: {  	_ =	shalt  }
0x6d: {  	_ =	shalt  }
0x6e: {  	_ =	shalt  }
0x6f: {  	_ =	shalt  }
0x70: {  	_ =	shalt  }
0x71: {  	_ =	shalt  }
0x72: {  	_ =	shalt  }
0x73: {  	_ =	shalt  }
0x74: {  	_ =	shalt  }
0x75: {  	_ =	shalt  }
0x76: {  	_ =	shalt  }
0x77: {  	_ =	shalt  }
0x78: {  	_ =	shalt  }
0x79: {  	_ =	shalt  }
0x7a: {  	_ =	shalt  }
0x7b: {  	_ =	shalt  }
0x7c: {  	_ =	shalt  }
0x7d: {  	_ =	shalt  }
0x7e: {  	_ =	shalt  }
0x7f: {  	_ =	shalt  }
0x80: {  	_ =	shalt  }
0x81: {  	_ =	shalt  }
0x82: {  	_ =	shalt  }
0x83: {  	_ =	shalt  }
0x84: {  	_ =	shalt  }
0x85: {  	_ =	shalt  }
0x86: {  	_ =	shalt  }
0x87: {  	_ =	shalt  }
.Lfunc_end0:
.L_simem_size_0:
called_computation_lowered:
.L_overlay_start_0:
0x88: {  	s2 =	sld [smem:$0x3FD9]  }
0x89: {  	s3 =	sld [smem:$0x3FFE];
	_ =	sdelay $0x1  }
0x8a: {  	s1 =	srdreg.scid  }
0x8b: {  	s0 =	sand.u32 $0x1, s1  }
0x8c: {  	s17 =	sshll.u32 s0, $0xA;
	s2 =	sadd.s32 s3, s2  }
0x8d: {  	s2 =	sadd.s32 s2, s17  }
0x8e: {  	[smem:$0x3FC6] =	sst s2  }
0x8f: {  	_ = 	snop  }
0x90: {  	s2 =	sld [smem:$0x3FD0];
	(tm) =	ssettm $0x1  }
0x91: {  	s18 =	sld [smem:$0x3FFB];
	_ =	sdelay $0x3  }
0x92: {  	_ =	strace s18  }
0x93: {  	s3 =	sld [smem:$0x3FFC];
	_ =	sdelay $0x3  }
0x94: {  	_ =	strace s3  }
0x95: {  	s3 =	sld [smem:$0x3FFD];
	_ =	sdelay $0x3  }
0x96: {  	_ =	strace s3  }
0x97: {  	_ =	strace $0x8FFFFFFF  }
0x98: {  	s19 =	sld [smem:$0x3FDB];
	_ =	sdelay $0x1  }
0x99: {  	s4 =	simm.s32 $_scs_section_size  }
0x9a: {  	s5 =	simm.s32 $_size__tile_overlayer_lowered;
	s6 =	simm.s32 $_tile_overlayer_lowered  }
0x9b: {  	s22 =	simm.s32 $0x1BFF;
	s21 =	sshll.u32 s6, $0x1;
	s3 =	sadd.s32 s4, s19  }
0x9c: {  	s7 =	simm.s32 $0x0;
	s20 =	sshll.u32 s5, $0x1;
	s5 =	sadd.s32 s21, s3  }
0x9d: {  	[timem:s7], [sflag:s22] =	dma.local [hbm:s5], s20  }
0x9e: {  	_ =	swait.ge [sflag:s22], s20  }
0x9f: {  	s4 =	ssub.s32 $0x0, s20;
	[sflag:s22] =	ssyncset.done $0x0  }
0xa0: {  	[sflag:s22] =	ssyncadd.s32 s4;
	_ =	sdelay $0x1  }
0xa1: {  	s23 =	simm.s32 $0x1B8B  }
0xa2: {  	_ =	swait.ge [sflag:s23], $0x1  }
0xa3: {  	[sflag:s23] =	ssyncset.done $0x0  }
0xa4: {  	s25 =	simm.s32 $0x1B8E;
	s24 =	sld [smem:$0x3FFE];
	[sflag:s23] =	ssyncadd.s32 $0xFFFFFFFF  }
0xa5: {  	s26 =	simm.s32 $execute0_lowered;
	[smem:$0x3FD2] =	sst s25  }
0xa6: {  	s5 =	sshll.u32 s26, $0x1;
	_ =	strace $0x80000046;
	[dreg:$0x1] =	wrdreg $0xFFFFFFFF  }
0xa7: {  	s28 =	simm.s32 $_size_execute0_lowered;
	s3 =	sadd.s32 s3, s5;
	[dreg:$0x0] =	wrdreg $0x0  }
0xa8: {  	s5 =	sshll.u32 s28, $0x1;
	[dreg:$0x2] =	wrdreg s3  }
0xa9: {  	[dreg:$0x3] =	wrdreg s5  }
0xaa: {  	[dreg:$0x4] =	wrdreg $0xC0  }
0xab: {  	_ =	task [dreg:s7], $0x5FFFF  }
0xac: {  	[dreg:$0x1] =	wrdreg $0xFFFFFFFF  }
0xad: {  	[dreg:$0x0] =	wrdreg $0x60  }
0xae: {  	[dreg:$0x2] =	wrdreg s24  }
0xaf: {  	[dreg:$0x3] =	wrdreg s2  }
0xb0: {  	[dreg:$0x4] =	wrdreg $0x9  }
0xb1: {  	_ =	task.clear_ibuf [dreg:s7], $0x5FFFF;
	_ =	strace $0x90000046  }
0xb2: {  	s29 =	simm.s32 $0x9;
	_ =	strace $0x80000048  }
0xb3: {  	_ =	swait.ge [sflag:s29], $0x1  }
0xb4: {  	[sflag:s29] =	ssyncadd.s32 $0xFFFFFFFF  }
0xb5: {  	_ =	strace $0x90000048  }
0xb6: {  	_ =	sfence  }
0xb7: {  	s30 =	sld [smem:$0x0];
	_ =	sdelay $0x2  }
0xb8: {  	s31 =	sshll.u32 s1, $0xD;
	s1 =	sshrl.u32 s1, $0x2  }
0xb9: {  	s3 =	sand.u32 $0x4000, s31;
	s1 =	sadd.s32 s1, s30  }
0xba: {  	s0 =	sor.u32 s3, s0;
	s1 =	sshll.u32 s1, $0x11  }
0xbb: {  	s0 =	sor.u32 s1, s0  }
0xbc: {  	s0 =	sadd.s32 $0x8F2B, s0  }
0xbd: {  	[sflag:s0] =	ssyncadd.remote.s32 $0x1  }
0xbe: {  	_ =	sfence.sel $0xFFFF  }
0xbf: {  	[dreg:$0x0] =	wrdreg $0xFFFFFFFF;
	(pc) =	sbr.abs _section_cstart, $3  }
0xc0: {  	[dreg:$0x1] =	wrdreg $0xFFFFFFFF  }
0xc1: {  	_ =	task.clear_ibuf [dreg:s7], $0x2FFFF;
	_ =	strace $0x9FFFFFFF  }
0xc2: {  	(tm) =	ssettm $0x7FFFFFFF  }
0xc3: {  	_ =	shalt  }
tec
execute0_lowered:
.L_overlay_start_1:
0x0: {  	(tag) =	ssettag $0x1  }
0x1: {  	s4 =	rddreg [dreg:$0x0]  }
0x2: {  	s2 =	rddreg [dreg:$0x1]  }
0x3: {  	s0 =	rddreg [dreg:$0x2];
	s5 =	srdreg.scid  }
0x4: {  	s1 =	stileid.u32;
	s3 =	simm.s32 $0x0;
	s9 =	simm.s32 $0x1000  }
0x5: {  	s10 =	simm.s32 $0x5;
	s11 =	simm.s32 $0x1900;
	s12 =	simm.s32 $0x3900  }
0x6: {  	s13 =	simm.s32 $0x1;
	s14 =	simm.s32 $0x5900;
	s15 =	simm.s32 $0x400  }
0x7: {  	s16 =	simm.s32 $0x8000;
	s17 =	simm.s32 $0x2;
	s18 =	simm.s32 $0x4  }
0x8: {  	v0 =	vlaneseq.u32;
	s19 =	simm.s32 $0x7900;
	s20 =	simm.s32 $0x3;
	s21 =	simm.s32 $0x0  }
0x9: {  	s5 =	sand.u32 $0x1, s5;
	s6 =	sshll.u32 s1, $0x1;
	[smem:$0x7FF] =	sst s3;
	v1 =	vmul.u32 $0x40, v0;
	v3 =	vor.u32 $0x10, v0;
	v5 =	vor.u32 $0x20, v0  }
0xa: {  	v7 =	vor.u32 $0x30, v0;
	v9 =	vor.u32 $0x40, v0;
	v11 =	vor.u32 $0x50, v0;
	s6 =	sor.u32 s5, s6;
	_ =	strace $0x80000047;
	s5 =	ssub.s32 $0x2, s5  }
0xb: {  	v13 =	vor.u32 $0x60, v0;
	v15 =	vor.u32 $0x70, v0;
	s7 =	sshll.u32 s6, $0x4;
	s8 =	sshrl.u32 s5, $0x1;
	s6 =	sshll.u32 s6, $0xA;
	v2 =	vor.u32 $0x400, v1  }
0xc: {  	v4 =	vor.u32 $0x800, v1;
	v6 =	vor.u32 $0xC00, v1;
	v8 =	vor.u32 $0x1000, v1;
	s7 =	sadd.s32 s7, s4;
	s4 =	sadd.s32 $0x6800, s4;
	s8 =	ssub.s32 s5, s8  }
0xd: {  	v10 =	vor.u32 $0x1400, v1;
	v12 =	vor.u32 $0x1800, v1;
	v14 =	vor.u32 $0x1C00, v1;
	s5 =	sadd.s32 $0x400, s7;
	s7 =	smax.u32 s8, $0x1;
	s8 =	simm.s32 $0x80  }
.LBB2_1:
0xe: {  	[tilespmem:s3], [sflag:$0x5] =	stream.strided.gather [hbm4b:s5+s8], $0x1900, s9, s8, $0x38;
	[tilespmem:$0x9900] =	vst v63  }
0xf: {  	_ =	swait.ge [sflag:s10], $0x1900  }
0x10: {  	[sflag:s10] =	ssyncset.done $0x0  }
0x11: {  	s22 =	simm.s32 $0x0;
	[sflag:s10] =	ssyncadd.s32 $0xFFFFE700  }
0x12: {  	[tilespmem:s11], [sflag:$0x1] =	stream.indirect.gather [hbm4b:s4+s8], $0x40, s3, s8, $0xb8;
	[tilespmem:$0x9900] =	vst v63  }
.LBB2_2:
0x13: {  	s23 =	sshllo.u32 s22, $0x1  }
0x14: {  	s24 =	sshll.u32 s23, $0x7  }
0x15: {  	s31 =	simm.s32 $0x0;
	s24 =	sand.u32 $0x3FFFFF80, s24  }
0x16: {  	v26 =	vadd.s32 s31, v0;
	[tilespmem:s12], [sflag:$0x2] =	stream.indirect.gather [hbm4b:s4+s8], $0x40, s24, s8, $0xb8;
	[tilespmem:$0x9900] =	vst v63  }
0x17: {  	s25 =	simm.s32 $0x1;
	v18 =	vand.u32 $0xF, v26;
	_ =	swait.ge [sflag:s13], $0x2000  }
0x18: {  	p0 =	seq.s32 s22, $0x0;
	v25 =	vadd.s32 s25, v0;
	v16 =	vor.u32 v1, v18;
	[sflag:s13] =	ssyncset.done $0x0  }
0x19: {  	v17 =	vand.u32 $0xF, v25;
	s24 =	simm.s32 @!p0 $0x3;
	[sflag:s13] =	ssyncadd.s32 $0xFFFFE000  }
0x1a: {  	v19 =	vor.u32 v1, v17;
	_ =	swait.ge @!p0 [sflag:s24], $0x2000  }
0x1b: {  	v20 =	vshll.u32 v26, $0x7;
	[sflag:s24] =	ssyncset.done @!p0 $0x0  }
0x1c: {  	v21 =	vand.u32 $0x780, v20;
	[sflag:s24] =	ssyncadd.s32 @!p0 $0xFFFFE000  }
0x1d: {  	v22 =	vshll.u32 v25, $0x7;
	v23 =	vor.u32 v0, v21;
	v16 =	vld.idx.msk [tilespmem:v16+s11+$0x0], $0xffff  }
0x1e: {  	v24 =	vand.u32 $0x780, v22;
	v27 =	vor.u32 v2, v18  }
0x1f: {  	v28 =	vor.u32 v0, v24;
	v19 =	vld.idx.msk [tilespmem:v19+s11+$0x0], $0xffff  }
0x20: {  	v29 =	vor.u32 v2, v17;
	_ =	sdelay $0x1  }
0x21: {  	[tilespmem:v23+s14+$0x0] =	vst.idx.msk $0xffff, v16  }
0x22: {  	v23 =	vor.u32 v3, v21;
	v16 =	vld.idx.msk [tilespmem:v27+s11+$0x0], $0xffff  }
0x23: {  	[tilespmem:v28+s14+$0x0] =	vst.idx.msk $0xffff, v19;
	v19 =	vor.u32 v4, v18  }
0x24: {  	v28 =	vor.u32 v3, v24;
	v27 =	vld.idx.msk [tilespmem:v29+s11+$0x0], $0xffff  }
0x25: {  	v29 =	vor.u32 v4, v17;
	_ =	sdelay $0x1  }
0x26: {  	[tilespmem:v23+s14+$0x0] =	vst.idx.msk $0xffff, v16  }
0x27: {  	v16 =	vld.idx.msk [tilespmem:v19+s11+$0x0], $0xffff;
	v19 =	vor.u32 v5, v21  }
0x28: {  	[tilespmem:v28+s14+$0x0] =	vst.idx.msk $0xffff, v27;
	v23 =	vor.u32 v6, v18  }
0x29: {  	v28 =	vor.u32 v5, v24;
	v27 =	vld.idx.msk [tilespmem:v29+s11+$0x0], $0xffff  }
0x2a: {  	v29 =	vor.u32 v6, v17;
	_ =	sdelay $0x1  }
0x2b: {  	[tilespmem:v19+s14+$0x0] =	vst.idx.msk $0xffff, v16  }
0x2c: {  	v16 =	vor.u32 v7, v21;
	v19 =	vld.idx.msk [tilespmem:v23+s11+$0x0], $0xffff  }
0x2d: {  	[tilespmem:v28+s14+$0x0] =	vst.idx.msk $0xffff, v27;
	v23 =	vor.u32 v8, v18  }
0x2e: {  	v28 =	vor.u32 v7, v24;
	v27 =	vld.idx.msk [tilespmem:v29+s11+$0x0], $0xffff  }
0x2f: {  	v29 =	vor.u32 v8, v17;
	_ =	sdelay $0x1  }
0x30: {  	[tilespmem:v16+s14+$0x0] =	vst.idx.msk $0xffff, v19  }
0x31: {  	v19 =	vor.u32 v9, v21;
	v16 =	vld.idx.msk [tilespmem:v23+s11+$0x0], $0xffff  }
0x32: {  	[tilespmem:v28+s14+$0x0] =	vst.idx.msk $0xffff, v27;
	v23 =	vor.u32 v10, v18  }
0x33: {  	v28 =	vor.u32 v9, v24;
	v27 =	vld.idx.msk [tilespmem:v29+s11+$0x0], $0xffff  }
0x34: {  	v29 =	vor.u32 v10, v17;
	_ =	sdelay $0x1  }
0x35: {  	[tilespmem:v19+s14+$0x0] =	vst.idx.msk $0xffff, v16  }
0x36: {  	v19 =	vor.u32 v11, v21;
	v16 =	vld.idx.msk [tilespmem:v23+s11+$0x0], $0xffff  }
0x37: {  	[tilespmem:v28+s14+$0x0] =	vst.idx.msk $0xffff, v27;
	v23 =	vor.u32 v12, v18  }
0x38: {  	v28 =	vor.u32 v11, v24;
	v27 =	vld.idx.msk [tilespmem:v29+s11+$0x0], $0xffff  }
0x39: {  	v29 =	vor.u32 v12, v17;
	_ =	sdelay $0x1  }
0x3a: {  	[tilespmem:v19+s14+$0x0] =	vst.idx.msk $0xffff, v16  }
0x3b: {  	v19 =	vor.u32 v13, v21;
	v16 =	vld.idx.msk [tilespmem:v23+s11+$0x0], $0xffff  }
0x3c: {  	[tilespmem:v28+s14+$0x0] =	vst.idx.msk $0xffff, v27;
	v23 =	vor.u32 v14, v18  }
0x3d: {  	v28 =	vor.u32 v13, v24;
	v27 =	vld.idx.msk [tilespmem:v29+s11+$0x0], $0xffff  }
0x3e: {  	v29 =	vor.u32 v14, v17;
	_ =	sdelay $0x1  }
0x3f: {  	v30 =	vor.u32 $0x10, v26;
	[tilespmem:v19+s14+$0x0] =	vst.idx.msk $0xffff, v16  }
0x40: {  	v31 =	vand.u32 $0x1F, v30;
	v19 =	vor.u32 v15, v21;
	v16 =	vld.idx.msk [tilespmem:v23+s11+$0x0], $0xffff  }
0x41: {  	[tilespmem:v28+s14+$0x0] =	vst.idx.msk $0xffff, v27;
	v21 =	vor.u32 $0x10, v25;
	v23 =	vor.u32 v1, v31  }
0x42: {  	v24 =	vor.u32 v15, v24;
	v27 =	vld.idx.msk [tilespmem:v29+s11+$0x0], $0xffff;
	v32 =	vand.u32 $0x1F, v21  }
0x43: {  	v28 =	vshll.u32 v30, $0x7;
	v33 =	vor.u32 v1, v32  }
0x44: {  	v29 =	vand.u32 $0x380, v20;
	v20 =	vand.u32 $0xC00, v28  }
0x45: {  	v21 =	vshll.u32 v21, $0x7;
	v34 =	vor.u32 v29, v20;
	[tilespmem:v19+s14+$0x0] =	vst.idx.msk $0xffff, v16  }
0x46: {  	v28 =	vand.u32 $0x380, v22;
	v16 =	vand.u32 $0xC00, v21;
	v19 =	vor.u32 v0, v34;
	v20 =	vld.idx.msk [tilespmem:v23+s11+$0x0], $0xffff  }
0x47: {  	[tilespmem:v24+s14+$0x0] =	vst.idx.msk $0xffff, v27;
	v24 =	vor.u32 v28, v16;
	v16 =	vor.u32 v2, v31  }
0x48: {  	v21 =	vld.idx.msk [tilespmem:v33+s11+$0x0], $0xffff;
	v22 =	vor.u32 v0, v24  }
0x49: {  	v23 =	vor.u32 v2, v32;
	_ =	sdelay $0x1  }
0x4a: {  	[tilespmem:v19+s14+$0x0] =	vst.idx.msk $0xffff, v20  }
0x4b: {  	v51 =	vor.u32 v3, v34;
	v20 =	vld.idx.msk [tilespmem:v16+s11+$0x0], $0xffff  }
0x4c: {  	s26 =	simm.s32 $0x2;
	[tilespmem:v22+s14+$0x0] =	vst.idx.msk $0xffff, v21;
	v21 =	vor.u32 v4, v31  }
0x4d: {  	s28 =	simm.s32 $0x3;
	v35 =	vor.u32 v3, v24;
	v22 =	vadd.s32 s26, v0;
	v23 =	vld.idx.msk [tilespmem:v23+s11+$0x0], $0xffff  }
0x4e: {  	v36 =	vor.u32 v4, v32;
	v16 =	vadd.s32 s28, v0;
	v30 =	vand.u32 $0xF, v22  }
0x4f: {  	v27 =	vand.u32 $0xF, v16;
	v37 =	vor.u32 v1, v30  }
0x50: {  	v52 =	vor.u32 v1, v27;
	[tilespmem:v51+s14+$0x0] =	vst.idx.msk $0xffff, v20  }
0x51: {  	v39 =	vor.u32 v5, v34;
	v38 =	vld.idx.msk [tilespmem:v21+s11+$0x0], $0xffff  }
0x52: {  	v53 =	vor.u32 v6, v31;
	v19 =	vshll.u32 v22, $0x7;
	[tilespmem:v35+s14+$0x0] =	vst.idx.msk $0xffff, v23  }
0x53: {  	v40 =	vor.u32 v5, v24;
	v20 =	vshll.u32 v16, $0x7;
	v21 =	vand.u32 $0x780, v19;
	v36 =	vld.idx.msk [tilespmem:v36+s11+$0x0], $0xffff  }
0x54: {  	v42 =	vor.u32 v6, v32;
	v23 =	vand.u32 $0x780, v20;
	v37 =	vld.idx.msk [tilespmem:v37+s11+$0x0], $0xffff;
	v41 =	vor.u32 v0, v21  }
0x55: {  	v43 =	vor.u32 v2, v30;
	v33 =	vld.idx.msk [tilespmem:v52+s11+$0x0], $0xffff;
	v44 =	vor.u32 v0, v23  }
0x56: {  	v54 =	vor.u32 v2, v27;
	[tilespmem:v39+s14+$0x0] =	vst.idx.msk $0xffff, v38  }
0x57: {  	v55 =	vor.u32 v7, v34;
	v35 =	vld.idx.msk [tilespmem:v53+s11+$0x0], $0xffff  }
0x58: {  	v56 =	vor.u32 v8, v31;
	[tilespmem:v40+s14+$0x0] =	vst.idx.msk $0xffff, v36  }
0x59: {  	v58 =	vor.u32 v7, v24;
	[tilespmem:v41+s14+$0x0] =	vst.idx.msk $0xffff, v37;
	v57 =	vld.idx.msk [tilespmem:v42+s11+$0x0], $0xffff  }
0x5a: {  	v60 =	vor.u32 v8, v32;
	v59 =	vor.u32 v3, v21;
	[tilespmem:v44+s14+$0x0] =	vst.idx.msk $0xffff, v33;
	v41 =	vld.idx.msk [tilespmem:v43+s11+$0x0], $0xffff  }
0x5b: {  	v45 =	vor.u32 v4, v30;
	v61 =	vor.u32 v3, v23;
	v33 =	vld.idx.msk [tilespmem:v54+s11+$0x0], $0xffff  }
0x5c: {  	v62 =	vor.u32 v4, v27;
	[tilespmem:v55+s14+$0x0] =	vst.idx.msk $0xffff, v35  }
0x5d: {  	v63 =	vor.u32 v9, v34;
	v36 =	vld.idx.msk [tilespmem:v56+s11+$0x0], $0xffff  }
0x5e: {  	v48 =	vor.u32 v10, v31;
	[tilespmem:v58+s14+$0x0] =	vst.idx.msk $0xffff, v57  }
0x5f: {  	v49 =	vor.u32 v9, v24;
	[tilespmem:v59+s14+$0x0] =	vst.idx.msk $0xffff, v41;
	v40 =	vld.idx.msk [tilespmem:v60+s11+$0x0], $0xffff  }
0x60: {  	v51 =	vor.u32 v10, v32;
	v50 =	vor.u32 v5, v21;
	[tilespmem:v61+s14+$0x0] =	vst.idx.msk $0xffff, v33;
	v42 =	vld.idx.msk [tilespmem:v45+s11+$0x0], $0xffff  }
0x61: {  	v52 =	vor.u32 v6, v30;
	v53 =	vor.u32 v5, v23;
	v33 =	vld.idx.msk [tilespmem:v62+s11+$0x0], $0xffff  }
0x62: {  	v54 =	vor.u32 v6, v27;
	[tilespmem:v63+s14+$0x0] =	vst.idx.msk $0xffff, v36  }
0x63: {  	v55 =	vor.u32 v11, v34;
	v37 =	vld.idx.msk [tilespmem:v48+s11+$0x0], $0xffff  }
0x64: {  	v56 =	vor.u32 v12, v31;
	[tilespmem:v49+s14+$0x0] =	vst.idx.msk $0xffff, v40  }
0x65: {  	v57 =	vor.u32 v11, v24;
	[tilespmem:v50+s14+$0x0] =	vst.idx.msk $0xffff, v42;
	v40 =	vld.idx.msk [tilespmem:v51+s11+$0x0], $0xffff  }
0x66: {  	v58 =	vor.u32 v7, v21;
	v59 =	vor.u32 v12, v32;
	[tilespmem:v53+s14+$0x0] =	vst.idx.msk $0xffff, v33;
	v43 =	vld.idx.msk [tilespmem:v52+s11+$0x0], $0xffff  }
0x67: {  	v61 =	vor.u32 v7, v23;
	v60 =	vor.u32 v8, v30;
	v33 =	vld.idx.msk [tilespmem:v54+s11+$0x0], $0xffff  }
0x68: {  	v62 =	vor.u32 v8, v27;
	[tilespmem:v55+s14+$0x0] =	vst.idx.msk $0xffff, v37  }
0x69: {  	v63 =	vor.u32 v13, v34;
	v37 =	vld.idx.msk [tilespmem:v56+s11+$0x0], $0xffff  }
0x6a: {  	v31 =	vor.u32 v14, v31;
	[tilespmem:v57+s14+$0x0] =	vst.idx.msk $0xffff, v40  }
0x6b: {  	v18 =	vor.u32 $0x20, v18;
	v49 =	vor.u32 v13, v24;
	[tilespmem:v58+s14+$0x0] =	vst.idx.msk $0xffff, v43;
	v48 =	vld.idx.msk [tilespmem:v59+s11+$0x0], $0xffff  }
0x6c: {  	v32 =	vor.u32 v14, v32;
	v50 =	vor.u32 v9, v21;
	[tilespmem:v61+s14+$0x0] =	vst.idx.msk $0xffff, v33;
	v42 =	vld.idx.msk [tilespmem:v60+s11+$0x0], $0xffff  }
0x6d: {  	v17 =	vor.u32 $0x20, v17;
	v53 =	vor.u32 v9, v23;
	v51 =	vor.u32 v10, v30;
	v35 =	vld.idx.msk [tilespmem:v62+s11+$0x0], $0xffff  }
0x6e: {  	v52 =	vand.u32 $0x7, v26;
	v54 =	vand.u32 $0x28, v18;
	v55 =	vor.u32 v10, v27;
	[tilespmem:v63+s14+$0x0] =	vst.idx.msk $0xffff, v37  }
0x6f: {  	v24 =	vor.u32 v15, v24;
	v40 =	vor.u32 v52, v54;
	v56 =	vor.u32 v15, v34;
	v31 =	vld.idx.msk [tilespmem:v31+s11+$0x0], $0xffff  }
0x70: {  	v57 =	vand.u32 $0x7, v25;
	v58 =	vand.u32 $0x28, v17;
	v59 =	vor.u32 v1, v40;
	[tilespmem:v49+s14+$0x0] =	vst.idx.msk $0xffff, v48  }
0x71: {  	v18 =	vshll.u32 v18, $0x7;
	v43 =	vor.u32 v57, v58;
	[tilespmem:v50+s14+$0x0] =	vst.idx.msk $0xffff, v42;
	v32 =	vld.idx.msk [tilespmem:v32+s11+$0x0], $0xffff  }
0x72: {  	v61 =	vor.u32 v11, v21;
	v62 =	vor.u32 v1, v43;
	[tilespmem:v53+s14+$0x0] =	vst.idx.msk $0xffff, v35;
	v60 =	vld.idx.msk [tilespmem:v51+s11+$0x0], $0xffff  }
0x73: {  	v47 =	vor.u32 v11, v23;
	v18 =	vand.u32 $0x1400, v18;
	v63 =	vor.u32 v12, v30;
	v35 =	vld.idx.msk [tilespmem:v55+s11+$0x0], $0xffff  }
0x74: {  	v17 =	vshll.u32 v17, $0x7;
	v42 =	vor.u32 v29, v18;
	v18 =	vor.u32 v12, v27;
	[tilespmem:v56+s14+$0x0] =	vst.idx.msk $0xffff, v31  }
0x75: {  	v17 =	vand.u32 $0x1400, v17;
	v48 =	vor.u32 v0, v42;
	v33 =	vld.idx.msk [tilespmem:v59+s11+$0x0], $0xffff  }
0x76: {  	v31 =	vor.u32 v28, v17;
	v17 =	vor.u32 v2, v40;
	[tilespmem:v24+s14+$0x0] =	vst.idx.msk $0xffff, v32  }
0x77: {  	[tilespmem:v61+s14+$0x0] =	vst.idx.msk $0xffff, v60;
	v49 =	vor.u32 v0, v31;
	v24 =	vld.idx.msk [tilespmem:v62+s11+$0x0], $0xffff  }
0x78: {  	v50 =	vor.u32 v13, v21;
	v51 =	vor.u32 v2, v43;
	[tilespmem:v47+s14+$0x0] =	vst.idx.msk $0xffff, v35;
	v34 =	vld.idx.msk [tilespmem:v63+s11+$0x0], $0xffff  }
0x79: {  	v52 =	vor.u32 v14, v30;
	v53 =	vor.u32 v13, v23;
	v18 =	vld.idx.msk [tilespmem:v18+s11+$0x0], $0xffff  }
0x7a: {  	v54 =	vor.u32 v14, v27;
	[tilespmem:v48+s14+$0x0] =	vst.idx.msk $0xffff, v33  }
0x7b: {  	v21 =	vor.u32 v15, v21;
	v57 =	vor.u32 v3, v42;
	v56 =	vld.idx.msk [tilespmem:v17+s11+$0x0], $0xffff  }
0x7c: {  	v23 =	vor.u32 v15, v23;
	[tilespmem:v49+s14+$0x0] =	vst.idx.msk $0xffff, v24;
	v24 =	vor.u32 v4, v40  }
0x7d: {  	v55 =	vor.u32 $0x10, v22;
	v59 =	vor.u32 v3, v31;
	[tilespmem:v50+s14+$0x0] =	vst.idx.msk $0xffff, v34;
	v32 =	vld.idx.msk [tilespmem:v51+s11+$0x0], $0xffff  }
0x7e: {  	v35 =	vand.u32 $0x1F, v55;
	v60 =	vor.u32 $0x10, v16;
	[tilespmem:v53+s14+$0x0] =	vst.idx.msk $0xffff, v18;
	v18 =	vor.u32 v4, v43;
	v34 =	vld.idx.msk [tilespmem:v52+s11+$0x0], $0xffff  }
0x7f: {  	v38 =	vshll.u32 v55, $0x7;
	v58 =	vor.u32 v1, v35;
	v39 =	vand.u32 $0x1F, v60;
	v46 =	vld.idx.msk [tilespmem:v54+s11+$0x0], $0xffff  }
0x80: {  	v61 =	vor.u32 v1, v39;
	v17 =	vand.u32 $0x380, v19;
	v19 =	vand.u32 $0xC00, v38;
	[tilespmem:v57+s14+$0x0] =	vst.idx.msk $0xffff, v56  }
0x81: {  	v33 =	vor.u32 v17, v19;
	v19 =	vld.idx.msk [tilespmem:v24+s11+$0x0], $0xffff;
	v24 =	vor.u32 v5, v42  }
0x82: {  	v63 =	vor.u32 v6, v40;
	v36 =	vshll.u32 v60, $0x7;
	v48 =	vor.u32 v5, v31;
	[tilespmem:v59+s14+$0x0] =	vst.idx.msk $0xffff, v32  }
0x83: {  	v50 =	vor.u32 v6, v43;
	[tilespmem:v21+s14+$0x0] =	vst.idx.msk $0xffff, v34;
	v21 =	vld.idx.msk [tilespmem:v18+s11+$0x0], $0xffff;
	v18 =	vand.u32 $0x380, v20;
	v20 =	vand.u32 $0xC00, v36  }
0x84: {  	v62 =	vor.u32 v0, v33;
	[tilespmem:v23+s14+$0x0] =	vst.idx.msk $0xffff, v46;
	v49 =	vld.idx.msk [tilespmem:v58+s11+$0x0], $0xffff;
	v38 =	vor.u32 v18, v20  }
0x85: {  	v44 =	vld.idx.msk [tilespmem:v61+s11+$0x0], $0xffff;
	v20 =	vor.u32 v2, v35;
	v51 =	vor.u32 v0, v38  }
0x86: {  	s29 =	simm.s32 $0x4;
	[tilespmem:v24+s14+$0x0] =	vst.idx.msk $0xffff, v19;
	v24 =	vor.u32 v2, v39  }
0x87: {  	v52 =	vor.u32 v7, v42;
	v19 =	vadd.s32 s29, v0;
	v41 =	vld.idx.msk [tilespmem:v63+s11+$0x0], $0xffff  }
0x88: {  	v23 =	vand.u32 $0xF, v19;
	[tilespmem:v48+s14+$0x0] =	vst.idx.msk $0xffff, v21;
	v21 =	vor.u32 v8, v40  }
0x89: {  	v55 =	vor.u32 v7, v31;
	[tilespmem:v62+s14+$0x0] =	vst.idx.msk $0xffff, v49;
	v53 =	vor.u32 v1, v23;
	v54 =	vld.idx.msk [tilespmem:v50+s11+$0x0], $0xffff  }
0x8a: {  	v47 =	vor.u32 v3, v33;
	v56 =	vor.u32 v8, v43;
	v20 =	vld.idx.msk [tilespmem:v20+s11+$0x0], $0xffff;
	[tilespmem:v51+s14+$0x0] =	vst.idx.msk $0xffff, v44  }
0x8b: {  	v57 =	vor.u32 v4, v35;
	v49 =	vor.u32 v3, v38;
	v48 =	vld.idx.msk [tilespmem:v24+s11+$0x0], $0xffff  }
0x8c: {  	s30 =	simm.s32 $0x5;
	v59 =	vor.u32 v10, v40;
	v58 =	vor.u32 v4, v39;
	v32 =	vshll.u32 v19, $0x7;
	[tilespmem:v52+s14+$0x0] =	vst.idx.msk $0xffff, v41  }
0x8d: {  	v50 =	vor.u32 v9, v42;
	v36 =	vand.u32 $0x780, v32;
	v46 =	vld.idx.msk [tilespmem:v21+s11+$0x0], $0xffff;
	v21 =	vadd.s32 s30, v0  }
0x8e: {  	v51 =	vld.idx.msk [tilespmem:v53+s11+$0x0], $0xffff;
	[tilespmem:v55+s14+$0x0] =	vst.idx.msk $0xffff, v54;
	v54 =	vor.u32 v0, v36;
	v24 =	vand.u32 $0xF, v21  }
0x8f: {  	v61 =	vor.u32 v9, v31;
	[tilespmem:v47+s14+$0x0] =	vst.idx.msk $0xffff, v20;
	v20 =	vld.idx.msk [tilespmem:v56+s11+$0x0], $0xffff;
	v60 =	vor.u32 v1, v24  }
0x90: {  	v62 =	vor.u32 v10, v43;
	v52 =	vor.u32 v5, v33;
	v45 =	vld.idx.msk [tilespmem:v57+s11+$0x0], $0xffff;
	[tilespmem:v49+s14+$0x0] =	vst.idx.msk $0xffff, v48  }
0x91: {  	v63 =	vor.u32 v6, v35;
	v53 =	vor.u32 v5, v38;
	v56 =	vor.u32 v11, v42;
	v41 =	vld.idx.msk [tilespmem:v58+s11+$0x0], $0xffff  }
0x92: {  	v34 =	vshll.u32 v21, $0x7;
	v57 =	vor.u32 v12, v40;
	[tilespmem:v50+s14+$0x0] =	vst.idx.msk $0xffff, v46;
	v46 =	vor.u32 v6, v39  }
0x93: {  	v26 =	vor.u32 $0x30, v26;
	v37 =	vand.u32 $0x780, v34;
	v50 =	vor.u32 v2, v23;
	[tilespmem:v54+s14+$0x0] =	vst.idx.msk $0xffff, v51;
	v55 =	vld.idx.msk [tilespmem:v59+s11+$0x0], $0xffff  }
0x94: {  	v40 =	vor.u32 v14, v40;
	[tilespmem:v61+s14+$0x0] =	vst.idx.msk $0xffff, v20;
	v44 =	vld.idx.msk [tilespmem:v60+s11+$0x0], $0xffff;
	v60 =	vor.u32 v0, v37  }
0x95: {  	[tilespmem:v52+s14+$0x0] =	vst.idx.msk $0xffff, v45;
	v61 =	vor.u32 v2, v24;
	v45 =	vld.idx.msk [tilespmem:v62+s11+$0x0], $0xffff;
	v62 =	vor.u32 v11, v31  }
0x96: {  	v58 =	vor.u32 v7, v33;
	v54 =	vor.u32 v3, v36;
	v49 =	vld.idx.msk [tilespmem:v63+s11+$0x0], $0xffff;
	[tilespmem:v53+s14+$0x0] =	vst.idx.msk $0xffff, v41  }
0x97: {  	v52 =	vor.u32 v8, v23;
	v63 =	vor.u32 v8, v35;
	v53 =	vor.u32 v7, v38;
	v46 =	vld.idx.msk [tilespmem:v46+s11+$0x0], $0xffff  }
0x98: {  	v59 =	vor.u32 v9, v33;
	v41 =	vor.u32 v12, v43;
	v50 =	vld.idx.msk [tilespmem:v50+s11+$0x0], $0xffff;
	[tilespmem:v56+s14+$0x0] =	vst.idx.msk $0xffff, v55  }
0x99: {  	v43 =	vor.u32 v14, v43;
	[tilespmem:v60+s14+$0x0] =	vst.idx.msk $0xffff, v44;
	v44 =	vor.u32 v8, v39;
	v47 =	vld.idx.msk [tilespmem:v57+s11+$0x0], $0xffff  }
0x9a: {  	v60 =	vor.u32 v4, v23;
	[tilespmem:v62+s14+$0x0] =	vst.idx.msk $0xffff, v45;
	v48 =	vld.idx.msk [tilespmem:v61+s11+$0x0], $0xffff;
	v61 =	vor.u32 v13, v42  }
0x9b: {  	v25 =	vor.u32 $0x30, v25;
	v62 =	vor.u32 v3, v37;
	[tilespmem:v58+s14+$0x0] =	vst.idx.msk $0xffff, v49;
	v57 =	vor.u32 v4, v24  }
0x9c: {  	v58 =	vor.u32 v11, v33;
	v51 =	vld.idx.msk [tilespmem:v63+s11+$0x0], $0xffff;
	v63 =	vor.u32 v13, v31;
	[tilespmem:v53+s14+$0x0] =	vst.idx.msk $0xffff, v46  }
0x9d: {  	v42 =	vor.u32 v15, v42;
	v49 =	vld.idx.msk [tilespmem:v41+s11+$0x0], $0xffff;
	v41 =	vand.u32 $0x3F, v26;
	v26 =	vshll.u32 v26, $0x7;
	[tilespmem:v54+s14+$0x0] =	vst.idx.msk $0xffff, v50  }
0x9e: {  	v46 =	vor.u32 v6, v23;
	v50 =	vor.u32 v10, v35;
	v56 =	vor.u32 v1, v41;
	v44 =	vld.idx.msk [tilespmem:v44+s11+$0x0], $0xffff  }
0x9f: {  	v55 =	vor.u32 v10, v41;
	v53 =	vld.idx.msk [tilespmem:v60+s11+$0x0], $0xffff;
	v60 =	vor.u32 v9, v38;
	[tilespmem:v61+s14+$0x0] =	vst.idx.msk $0xffff, v47  }
0xa0: {  	v26 =	vand.u32 $0x1C00, v26;
	v61 =	vor.u32 v5, v36;
	[tilespmem:v62+s14+$0x0] =	vst.idx.msk $0xffff, v48;
	v62 =	vor.u32 v10, v39  }
0xa1: {  	v30 =	vor.u32 $0x20, v30;
	v29 =	vor.u32 v29, v26;
	v26 =	vand.u32 $0x7, v22;
	[tilespmem:v59+s14+$0x0] =	vst.idx.msk $0xffff, v51;
	v40 =	vld.idx.msk [tilespmem:v40+s11+$0x0], $0xffff  }
0xa2: {  	v47 =	vor.u32 v2, v41;
	v48 =	vld.idx.msk [tilespmem:v57+s11+$0x0], $0xffff;
	[tilespmem:v63+s14+$0x0] =	vst.idx.msk $0xffff, v49;
	v63 =	vor.u32 v5, v37  }
0xa3: {  	v51 =	vor.u32 v6, v24;
	v59 =	vand.u32 $0x28, v30;
	v57 =	vor.u32 v15, v31;
	v43 =	vld.idx.msk [tilespmem:v43+s11+$0x0], $0xffff  }
0xa4: {  	s31 =	simm.s32 $0x6;
	v31 =	vand.u32 $0x3F, v25;
	v25 =	vshll.u32 v25, $0x7;
	v26 =	vor.u32 v26, v59;
	v50 =	vld.idx.msk [tilespmem:v50+s11+$0x0], $0xffff;
	[tilespmem:v60+s14+$0x0] =	vst.idx.msk $0xffff, v44  }
0xa5: {  	v20 =	vadd.s32 s31, v0;
	v25 =	vand.u32 $0x1C00, v25;
	v60 =	vor.u32 v1, v31;
	[tilespmem:v61+s14+$0x0] =	vst.idx.msk $0xffff, v53;
	v45 =	vld.idx.msk [tilespmem:v62+s11+$0x0], $0xffff  }
0xa6: {  	v61 =	vor.u32 v12, v35;
	v62 =	vor.u32 v11, v38;
	v46 =	vld.idx.msk [tilespmem:v46+s11+$0x0], $0xffff;
	[tilespmem:v42+s14+$0x0] =	vst.idx.msk $0xffff, v40  }
0xa7: {  	v53 =	vor.u32 v7, v36;
	[tilespmem:v63+s14+$0x0] =	vst.idx.msk $0xffff, v48;
	v63 =	vor.u32 v12, v39;
	v42 =	vld.idx.msk [tilespmem:v56+s11+$0x0], $0xffff  }
0xa8: {  	v59 =	vor.u32 v11, v36;
	v25 =	vor.u32 v28, v25;
	v49 =	vld.idx.msk [tilespmem:v51+s11+$0x0], $0xffff;
	v51 =	vor.u32 v0, v29  }
0xa9: {  	v30 =	vshll.u32 v30, $0x7;
	v28 =	vor.u32 v8, v24;
	[tilespmem:v57+s14+$0x0] =	vst.idx.msk $0xffff, v43;
	v43 =	vor.u32 v7, v37  }
0xaa: {  	v35 =	vor.u32 v14, v35;
	[tilespmem:v58+s14+$0x0] =	vst.idx.msk $0xffff, v50;
	v44 =	vld.idx.msk [tilespmem:v60+s11+$0x0], $0xffff;
	v60 =	vor.u32 v0, v25  }
0xab: {  	v54 =	vld.idx.msk [tilespmem:v61+s11+$0x0], $0xffff;
	v61 =	vor.u32 v13, v33;
	[tilespmem:v62+s14+$0x0] =	vst.idx.msk $0xffff, v45;
	v62 =	vor.u32 v2, v31  }
0xac: {  	v39 =	vor.u32 v14, v39;
	[tilespmem:v53+s14+$0x0] =	vst.idx.msk $0xffff, v46;
	v40 =	vld.idx.msk [tilespmem:v63+s11+$0x0], $0xffff;
	v63 =	vor.u32 v13, v38  }
0xad: {  	v56 =	vor.u32 v15, v33;
	v52 =	vld.idx.msk [tilespmem:v52+s11+$0x0], $0xffff;
	[tilespmem:v51+s14+$0x0] =	vst.idx.msk $0xffff, v42;
	v51 =	vor.u32 v9, v36  }
0xae: {  	v46 =	vor.u32 v10, v23;
	[tilespmem:v43+s14+$0x0] =	vst.idx.msk $0xffff, v49;
	v43 =	vld.idx.msk [tilespmem:v47+s11+$0x0], $0xffff;
	v47 =	vor.u32 v3, v29  }
0xaf: {  	v49 =	vor.u32 v4, v41;
	v28 =	vld.idx.msk [tilespmem:v28+s11+$0x0], $0xffff;
	[tilespmem:v60+s14+$0x0] =	vst.idx.msk $0xffff, v44;
	v44 =	vor.u32 v9, v37  }
0xb0: {  	v57 =	vor.u32 v1, v26;
	v60 =	vor.u32 v10, v24;
	[tilespmem:v61+s14+$0x0] =	vst.idx.msk $0xffff, v54;
	v45 =	vld.idx.msk [tilespmem:v62+s11+$0x0], $0xffff  }
0xb1: {  	v30 =	vand.u32 $0x1400, v30;
	v61 =	vor.u32 v3, v25;
	v62 =	vor.u32 $0x20, v27;
	v35 =	vld.idx.msk [tilespmem:v35+s11+$0x0], $0xffff;
	[tilespmem:v63+s14+$0x0] =	vst.idx.msk $0xffff, v40  }
0xb2: {  	v27 =	vand.u32 $0x7, v16;
	v63 =	vor.u32 v4, v31;
	v58 =	vand.u32 $0x28, v62;
	[tilespmem:v51+s14+$0x0] =	vst.idx.msk $0xffff, v52;
	v39 =	vld.idx.msk [tilespmem:v39+s11+$0x0], $0xffff  }
0xb3: {  	v38 =	vor.u32 v15, v38;
	v27 =	vor.u32 v27, v58;
	v46 =	vld.idx.msk [tilespmem:v46+s11+$0x0], $0xffff;
	[tilespmem:v47+s14+$0x0] =	vst.idx.msk $0xffff, v43  }
0xb4: {  	v30 =	vor.u32 v17, v30;
	[tilespmem:v44+s14+$0x0] =	vst.idx.msk $0xffff, v28;
	v28 =	vor.u32 v1, v27;
	v44 =	vld.idx.msk [tilespmem:v49+s11+$0x0], $0xffff  }
0xb5: {  	v50 =	vor.u32 v12, v23;
	v53 =	vor.u32 v15, v37;
	v47 =	vld.idx.msk [tilespmem:v60+s11+$0x0], $0xffff;
	v60 =	vor.u32 v5, v29  }
0xb6: {  	v42 =	vor.u32 v6, v41;
	v40 =	vshll.u32 v62, $0x7;
	[tilespmem:v61+s14+$0x0] =	vst.idx.msk $0xffff, v45;
	v61 =	vor.u32 v11, v37  }
0xb7: {  	v62 =	vor.u32 v5, v25;
	v52 =	vor.u32 v12, v24;
	[tilespmem:v56+s14+$0x0] =	vst.idx.msk $0xffff, v35;
	v35 =	vld.idx.msk [tilespmem:v63+s11+$0x0], $0xffff  }
0xb8: {  	v33 =	vand.u32 $0xF, v20;
	v58 =	vor.u32 v6, v31;
	v51 =	vld.idx.msk [tilespmem:v57+s11+$0x0], $0xffff;
	[tilespmem:v38+s14+$0x0] =	vst.idx.msk $0xffff, v39;
	v57 =	vand.u32 $0x1400, v40  }
0xb9: {  	v63 =	vor.u32 v0, v30;
	[tilespmem:v59+s14+$0x0] =	vst.idx.msk $0xffff, v46;
	v43 =	vld.idx.msk [tilespmem:v28+s11+$0x0], $0xffff;
	v28 =	vor.u32 v18, v57  }
0xba: {  	v59 =	vor.u32 v2, v26;
	v38 =	vld.idx.msk [tilespmem:v50+s11+$0x0], $0xffff;
	v50 =	vor.u32 v0, v28;
	[tilespmem:v60+s14+$0x0] =	vst.idx.msk $0xffff, v44  }
0xbb: {  	v60 =	vor.u32 v13, v36;
	[tilespmem:v61+s14+$0x0] =	vst.idx.msk $0xffff, v47;
	v47 =	vor.u32 v1, v33;
	v42 =	vld.idx.msk [tilespmem:v42+s11+$0x0], $0xffff  }
0xbc: {  	v54 =	vor.u32 v14, v24;
	v61 =	vor.u32 v2, v27;
	v49 =	vld.idx.msk [tilespmem:v52+s11+$0x0], $0xffff;
	v52 =	vor.u32 v7, v29  }
0xbd: {  	v48 =	vor.u32 $0x10, v19;
	v46 =	vor.u32 v14, v23;
	[tilespmem:v62+s14+$0x0] =	vst.idx.msk $0xffff, v35;
	v62 =	vor.u32 v13, v37  }
0xbe: {  	v56 =	vor.u32 v7, v25;
	[tilespmem:v63+s14+$0x0] =	vst.idx.msk $0xffff, v51;
	v63 =	vor.u32 v8, v41;
	v39 =	vld.idx.msk [tilespmem:v58+s11+$0x0], $0xffff  }
0xbf: {  	v32 =	vand.u32 $0x380, v32;
	v57 =	vor.u32 v3, v30;
	v35 =	vand.u32 $0x1F, v48;
	v40 =	vld.idx.msk [tilespmem:v59+s11+$0x0], $0xffff;
	[tilespmem:v50+s14+$0x0] =	vst.idx.msk $0xffff, v43  }
0xc0: {  	v44 =	vor.u32 v2, v35;
	v43 =	vor.u32 v8, v31;
	[tilespmem:v60+s14+$0x0] =	vst.idx.msk $0xffff, v38;
	v59 =	vld.idx.msk [tilespmem:v47+s11+$0x0], $0xffff  }
0xc1: {  	v60 =	vor.u32 v4, v26;
	v45 =	vld.idx.msk [tilespmem:v61+s11+$0x0], $0xffff;
	v61 =	vor.u32 v3, v28;
	[tilespmem:v52+s14+$0x0] =	vst.idx.msk $0xffff, v42  }
0xc2: {  	v42 =	vld.idx.msk [tilespmem:v46+s11+$0x0], $0xffff;
	v46 =	vor.u32 v15, v36;
	[tilespmem:v62+s14+$0x0] =	vst.idx.msk $0xffff, v49;
	v49 =	vor.u32 v4, v27  }
0xc3: {  	v50 =	vor.u32 v1, v35;
	v52 =	vor.u32 v9, v29;
	v51 =	vld.idx.msk [tilespmem:v63+s11+$0x0], $0xffff;
	v63 =	vor.u32 $0x10, v21  }
0xc4: {  	v62 =	vshll.u32 v48, $0x7;
	v48 =	vor.u32 v5, v28;
	[tilespmem:v56+s14+$0x0] =	vst.idx.msk $0xffff, v39;
	v39 =	vld.idx.msk [tilespmem:v54+s11+$0x0], $0xffff;
	v37 =	vand.u32 $0x1F, v63  }
0xc5: {  	v56 =	vor.u32 v9, v25;
	[tilespmem:v57+s14+$0x0] =	vst.idx.msk $0xffff, v40;
	v54 =	vor.u32 v1, v37;
	v43 =	vld.idx.msk [tilespmem:v43+s11+$0x0], $0xffff  }
0xc6: {  	v36 =	vand.u32 $0xC00, v62;
	v62 =	vor.u32 v6, v26;
	v63 =	vshll.u32 v63, $0x7;
	v57 =	vld.idx.msk [tilespmem:v60+s11+$0x0], $0xffff;
	[tilespmem:v61+s14+$0x0] =	vst.idx.msk $0xffff, v45  }
0xc7: {  	v60 =	vor.u32 v5, v30;
	v61 =	vor.u32 v10, v31;
	[tilespmem:v46+s14+$0x0] =	vst.idx.msk $0xffff, v42;
	v49 =	vld.idx.msk [tilespmem:v49+s11+$0x0], $0xffff  }
0xc8: {  	v34 =	vand.u32 $0x380, v34;
	v36 =	vor.u32 v32, v36;
	v38 =	vand.u32 $0xC00, v63;
	v50 =	vld.idx.msk [tilespmem:v50+s11+$0x0], $0xffff;
	[tilespmem:v52+s14+$0x0] =	vst.idx.msk $0xffff, v51  }
0xc9: {  	v42 =	vor.u32 v0, v36;
	[tilespmem:v53+s14+$0x0] =	vst.idx.msk $0xffff, v39;
	v51 =	vor.u32 v6, v27;
	v53 =	vld.idx.msk [tilespmem:v55+s11+$0x0], $0xffff  }
0xca: {  	v58 =	vor.u32 v11, v25;
	v38 =	vor.u32 v34, v38;
	v55 =	vld.idx.msk [tilespmem:v54+s11+$0x0], $0xffff;
	v54 =	vor.u32 v11, v29  }
0xcb: {  	v40 =	vshll.u32 v20, $0x7;
	[tilespmem:v56+s14+$0x0] =	vst.idx.msk $0xffff, v43;
	v43 =	vor.u32 v0, v38;
	v56 =	vor.u32 v12, v41  }
0xcc: {  	v39 =	vand.u32 $0x780, v40;
	[tilespmem:v60+s14+$0x0] =	vst.idx.msk $0xffff, v57;
	v57 =	vor.u32 v2, v37;
	v45 =	vld.idx.msk [tilespmem:v61+s11+$0x0], $0xffff  }
0xcd: {  	v60 =	vor.u32 v7, v30;
	v46 =	vld.idx.msk [tilespmem:v62+s11+$0x0], $0xffff;
	[tilespmem:v48+s14+$0x0] =	vst.idx.msk $0xffff, v49;
	v49 =	vor.u32 v12, v31  }
0xce: {  	v61 =	vor.u32 v0, v39;
	v62 =	vor.u32 v8, v26;
	[tilespmem:v42+s14+$0x0] =	vst.idx.msk $0xffff, v50;
	v50 =	vld.idx.msk [tilespmem:v51+s11+$0x0], $0xffff  }
0xcf: {  	v42 =	vor.u32 v8, v27;
	v52 =	vld.idx.msk [tilespmem:v44+s11+$0x0], $0xffff;
	[tilespmem:v54+s14+$0x0] =	vst.idx.msk $0xffff, v53  }
0xd0: {  	v48 =	vor.u32 v13, v29;
	v51 =	vor.u32 v7, v28;
	[tilespmem:v43+s14+$0x0] =	vst.idx.msk $0xffff, v55;
	v47 =	vld.idx.msk [tilespmem:v56+s11+$0x0], $0xffff  }
0xd1: {  	v54 =	vor.u32 v3, v36;
	v55 =	vor.u32 v4, v35;
	v53 =	vld.idx.msk [tilespmem:v57+s11+$0x0], $0xffff;
	[tilespmem:v58+s14+$0x0] =	vst.idx.msk $0xffff, v45  }
0xd2: {  	v56 =	vor.u32 v3, v38;
	v43 =	vor.u32 v14, v41;
	[tilespmem:v60+s14+$0x0] =	vst.idx.msk $0xffff, v46;
	v44 =	vld.idx.msk [tilespmem:v49+s11+$0x0], $0xffff  }
0xd3: {  	s25 =	simm.s32 $0x7;
	s24 =	simm.s32 $0x8;
	[tilespmem:v61+s14+$0x0] =	vst.idx.msk $0xffff, v59;
	v59 =	vor.u32 v4, v37;
	v46 =	vor.u32 v13, v25;
	v45 =	vld.idx.msk [tilespmem:v62+s11+$0x0], $0xffff  }
.LBB2_3:
0xd4: {  	v49 =	vadd.s32 s25, v0;
	v57 =	vor.u32 v9, v30;
	v31 =	vor.u32 v14, v31  }
0xd5: {  	p1 =	slt.u32 s24, $0xE;
	[tilespmem:v51+s14+$0x0] =	vst.idx.msk $0xffff, v50;
	v50 =	vmovc v23;
	v23 =	vmovc v33;
	v33 =	vmov v17;
	v17 =	vmov v32;
	v32 =	vmov v18  }
0xd6: {  	v51 =	vor.u32 v10, v26;
	v18 =	vmov v34;
	v41 =	vand.u32 $0xF, v49;
	[tilespmem:v54+s14+$0x0] =	vst.idx.msk $0xffff, v52;
	v42 =	vld.idx.msk [tilespmem:v42+s11+$0x0], $0xffff  }
0xd7: {  	v52 =	vor.u32 v1, v41;
	v54 =	vld.idx.msk [tilespmem:v55+s11+$0x0], $0xffff;
	v55 =	vor.u32 v9, v28;
	[tilespmem:v48+s14+$0x0] =	vst.idx.msk $0xffff, v47  }
0xd8: {  	v47 =	vor.u32 v5, v36;
	v48 =	vor.u32 v10, v27;
	[tilespmem:v56+s14+$0x0] =	vst.idx.msk $0xffff, v53;
	v43 =	vld.idx.msk [tilespmem:v43+s11+$0x0], $0xffff  }
0xd9: {  	v29 =	vor.u32 v15, v29;
	v53 =	vor.u32 v6, v35;
	v56 =	vld.idx.msk [tilespmem:v59+s11+$0x0], $0xffff;
	[tilespmem:v46+s14+$0x0] =	vst.idx.msk $0xffff, v44  }
0xda: {  	v58 =	vor.u32 v5, v38;
	v46 =	vor.u32 v2, v23;
	[tilespmem:v57+s14+$0x0] =	vst.idx.msk $0xffff, v45;
	v31 =	vld.idx.msk [tilespmem:v31+s11+$0x0], $0xffff  }
0xdb: {  	v25 =	vor.u32 v15, v25;
	v34 =	vshll.u32 v49, $0x7;
	v45 =	vor.u32 v6, v37;
	v51 =	vld.idx.msk [tilespmem:v51+s11+$0x0], $0xffff  }
0xdc: {  	v44 =	vand.u32 $0x780, v34;
	v57 =	vor.u32 v11, v30;
	v52 =	vld.idx.msk [tilespmem:v52+s11+$0x0], $0xffff;
	[tilespmem:v55+s14+$0x0] =	vst.idx.msk $0xffff, v42  }
0xdd: {  	v55 =	vor.u32 v0, v44;
	[tilespmem:v47+s14+$0x0] =	vst.idx.msk $0xffff, v54;
	v47 =	vor.u32 v12, v26;
	v48 =	vld.idx.msk [tilespmem:v48+s11+$0x0], $0xffff  }
0xde: {  	v59 =	vor.u32 v11, v28;
	v54 =	vor.u32 v2, v41;
	v53 =	vld.idx.msk [tilespmem:v53+s11+$0x0], $0xffff;
	[tilespmem:v29+s14+$0x0] =	vst.idx.msk $0xffff, v43  }
0xdf: {  	v29 =	vor.u32 v7, v36;
	v43 =	vor.u32 v12, v27;
	[tilespmem:v58+s14+$0x0] =	vst.idx.msk $0xffff, v56  }
0xe0: {  	v42 =	vadd.s32 s24, v0;
	v56 =	vor.u32 v8, v35;
	v58 =	vld.idx.msk [tilespmem:v45+s11+$0x0], $0xffff;
	[tilespmem:v25+s14+$0x0] =	vst.idx.msk $0xffff, v31  }
0xe1: {  	v22 =	vor.u32 $0x30, v22;
	v45 =	vand.u32 $0x7, v19;
	v31 =	vor.u32 v7, v38;
	v25 =	vld.idx.msk [tilespmem:v46+s11+$0x0], $0xffff;
	[tilespmem:v57+s14+$0x0] =	vst.idx.msk $0xffff, v51  }
0xe2: {  	v46 =	vor.u32 v3, v39;
	v51 =	vor.u32 v8, v37;
	[tilespmem:v55+s14+$0x0] =	vst.idx.msk $0xffff, v52;
	v47 =	vld.idx.msk [tilespmem:v47+s11+$0x0], $0xffff  }
0xe3: {  	v52 =	vor.u32 v4, v23;
	v55 =	vor.u32 v13, v30;
	v54 =	vld.idx.msk [tilespmem:v54+s11+$0x0], $0xffff;
	[tilespmem:v59+s14+$0x0] =	vst.idx.msk $0xffff, v48  }
0xe4: {  	v26 =	vor.u32 v14, v26;
	v48 =	vor.u32 v3, v44;
	[tilespmem:v29+s14+$0x0] =	vst.idx.msk $0xffff, v53;
	v29 =	vld.idx.msk [tilespmem:v43+s11+$0x0], $0xffff  }
0xe5: {  	v57 =	vor.u32 v4, v41;
	v59 =	vor.u32 v13, v28;
	v53 =	vor.u32 v8, v23;
	v56 =	vld.idx.msk [tilespmem:v56+s11+$0x0], $0xffff  }
0xe6: {  	v60 =	vor.u32 v9, v36;
	v27 =	vor.u32 v14, v27;
	v43 =	vand.u32 $0x3F, v22;
	[tilespmem:v31+s14+$0x0] =	vst.idx.msk $0xffff, v58  }
0xe7: {  	v31 =	vor.u32 v10, v35;
	[tilespmem:v46+s14+$0x0] =	vst.idx.msk $0xffff, v25;
	v25 =	vor.u32 v6, v23;
	v46 =	vld.idx.msk [tilespmem:v51+s11+$0x0], $0xffff  }
0xe8: {  	v51 =	vld.idx.msk [tilespmem:v52+s11+$0x0], $0xffff;
	v52 =	vor.u32 v9, v38;
	[tilespmem:v55+s14+$0x0] =	vst.idx.msk $0xffff, v47;
	v47 =	vor.u32 v2, v43  }
0xe9: {  	v55 =	vor.u32 v5, v39;
	[tilespmem:v48+s14+$0x0] =	vst.idx.msk $0xffff, v54;
	v48 =	vor.u32 v10, v37;
	v26 =	vld.idx.msk [tilespmem:v26+s11+$0x0], $0xffff  }
0xea: {  	v30 =	vor.u32 v15, v30;
	v54 =	vld.idx.msk [tilespmem:v57+s11+$0x0], $0xffff;
	v57 =	vor.u32 v1, v43;
	[tilespmem:v59+s14+$0x0] =	vst.idx.msk $0xffff, v29  }
0xeb: {  	v22 =	vshll.u32 v22, $0x7;
	v58 =	vor.u32 v5, v44;
	[tilespmem:v60+s14+$0x0] =	vst.idx.msk $0xffff, v56;
	v27 =	vld.idx.msk [tilespmem:v27+s11+$0x0], $0xffff;
	v56 =	vor.u32 $0x30, v16  }
0xec: {  	v28 =	vor.u32 v15, v28;
	v59 =	vor.u32 v6, v41;
	v16 =	vmovc v21;
	v60 =	vld.idx.msk [tilespmem:v31+s11+$0x0], $0xffff;
	v31 =	vand.u32 $0x3F, v56  }
0xed: {  	v22 =	vand.u32 $0x1C00, v22;
	v21 =	vor.u32 v11, v36;
	[tilespmem:v52+s14+$0x0] =	vst.idx.msk $0xffff, v46;
	v46 =	vor.u32 v1, v31  }
0xee: {  	v52 =	vor.u32 v12, v35;
	[tilespmem:v55+s14+$0x0] =	vst.idx.msk $0xffff, v51;
	v51 =	vor.u32 v7, v39;
	v48 =	vld.idx.msk [tilespmem:v48+s11+$0x0], $0xffff  }
0xef: {  	v61 =	vor.u32 v11, v38;
	v29 =	vor.u32 v33, v22;
	v55 =	vld.idx.msk [tilespmem:v25+s11+$0x0], $0xffff;
	[tilespmem:v30+s14+$0x0] =	vst.idx.msk $0xffff, v26  }
0xf0: {  	v22 =	vor.u32 $0x10, v20;
	v26 =	vor.u32 v12, v37;
	v25 =	vshll.u32 v56, $0x7;
	[tilespmem:v58+s14+$0x0] =	vst.idx.msk $0xffff, v54;
	v30 =	vld.idx.msk [tilespmem:v57+s11+$0x0], $0xffff  }
0xf1: {  	v33 =	vand.u32 $0xF, v42;
	v56 =	vor.u32 v0, v29;
	v25 =	vand.u32 $0x1C00, v25;
	v54 =	vld.idx.msk [tilespmem:v59+s11+$0x0], $0xffff;
	[tilespmem:v28+s14+$0x0] =	vst.idx.msk $0xffff, v27  }
0xf2: {  	v27 =	vor.u32 v7, v44;
	v25 =	vor.u32 v32, v25;
	[tilespmem:v21+s14+$0x0] =	vst.idx.msk $0xffff, v60;
	v21 =	vld.idx.msk [tilespmem:v46+s11+$0x0], $0xffff  }
0xf3: {  	v28 =	vor.u32 v8, v41;
	v46 =	vor.u32 v12, v23;
	v32 =	vld.idx.msk [tilespmem:v52+s11+$0x0], $0xffff;
	v52 =	vor.u32 v0, v25  }
0xf4: {  	v50 =	vor.u32 $0x20, v50;
	v57 =	vor.u32 v13, v36;
	[tilespmem:v61+s14+$0x0] =	vst.idx.msk $0xffff, v48;
	v48 =	vor.u32 v2, v31  }
0xf5: {  	v35 =	vor.u32 v14, v35;
	[tilespmem:v51+s14+$0x0] =	vst.idx.msk $0xffff, v55;
	v51 =	vor.u32 v10, v23;
	v55 =	vld.idx.msk [tilespmem:v26+s11+$0x0], $0xffff  }
0xf6: {  	v58 =	vor.u32 v13, v38;
	v53 =	vld.idx.msk [tilespmem:v53+s11+$0x0], $0xffff;
	[tilespmem:v56+s14+$0x0] =	vst.idx.msk $0xffff, v30;
	v56 =	vor.u32 v6, v43  }
0xf7: {  	v30 =	vor.u32 v9, v39;
	[tilespmem:v27+s14+$0x0] =	vst.idx.msk $0xffff, v54;
	v27 =	vor.u32 v14, v37;
	v37 =	vld.idx.msk [tilespmem:v47+s11+$0x0], $0xffff  }
0xf8: {  	v47 =	vor.u32 v3, v29;
	v54 =	vor.u32 v4, v43;
	v28 =	vld.idx.msk [tilespmem:v28+s11+$0x0], $0xffff;
	[tilespmem:v52+s14+$0x0] =	vst.idx.msk $0xffff, v21  }
0xf9: {  	v26 =	vand.u32 $0x28, v50;
	v50 =	vshll.u32 v50, $0x7;
	v21 =	vor.u32 v9, v44;
	[tilespmem:v57+s14+$0x0] =	vst.idx.msk $0xffff, v32;
	v48 =	vld.idx.msk [tilespmem:v48+s11+$0x0], $0xffff  }
0xfa: {  	v26 =	vor.u32 v45, v26;
	v45 =	vor.u32 v3, v25;
	v52 =	vor.u32 v10, v41;
	v35 =	vld.idx.msk [tilespmem:v35+s11+$0x0], $0xffff  }
0xfb: {  	v24 =	vor.u32 $0x20, v24;
	v36 =	vor.u32 v15, v36;
	[tilespmem:v58+s14+$0x0] =	vst.idx.msk $0xffff, v55;
	v55 =	vor.u32 v4, v31  }
0xfc: {  	[tilespmem:v30+s14+$0x0] =	vst.idx.msk $0xffff, v53;
	v53 =	vor.u32 v1, v26;
	v30 =	vand.u32 $0x7, v16;
	v57 =	vld.idx.msk [tilespmem:v27+s11+$0x0], $0xffff;
	v27 =	vand.u32 $0x28, v24  }
0xfd: {  	v38 =	vor.u32 v15, v38;
	v51 =	vld.idx.msk [tilespmem:v51+s11+$0x0], $0xffff;
	v27 =	vor.u32 v30, v27;
	[tilespmem:v47+s14+$0x0] =	vst.idx.msk $0xffff, v37  }
0xfe: {  	v37 =	vor.u32 v11, v39;
	[tilespmem:v21+s14+$0x0] =	vst.idx.msk $0xffff, v28;
	v28 =	vor.u32 v1, v27;
	v47 =	vld.idx.msk [tilespmem:v54+s11+$0x0], $0xffff  }
0xff: {  	v32 =	vand.u32 $0x380, v40;
	v54 =	vand.u32 $0x1400, v50;
	v50 =	vor.u32 v5, v29;
	v40 =	vld.idx.msk [tilespmem:v52+s11+$0x0], $0xffff;
	[tilespmem:v45+s14+$0x0] =	vst.idx.msk $0xffff, v48  }
0x100: {  	v45 =	vor.u32 v11, v44;
	v30 =	vor.u32 v17, v54;
	[tilespmem:v36+s14+$0x0] =	vst.idx.msk $0xffff, v35;
	v35 =	vld.idx.msk [tilespmem:v55+s11+$0x0], $0xffff  }
0x101: {  	v24 =	vshll.u32 v24, $0x7;
	v21 =	vmovc v49;
	v52 =	vor.u32 v5, v25;
	v36 =	vor.u32 v12, v41;
	v48 =	vld.idx.msk [tilespmem:v53+s11+$0x0], $0xffff  }
0x102: {  	v24 =	vand.u32 $0x1400, v24;
	v49 =	vor.u32 v0, v30;
	[tilespmem:v38+s14+$0x0] =	vst.idx.msk $0xffff, v57;
	v38 =	vor.u32 v6, v31  }
0x103: {  	[tilespmem:v37+s14+$0x0] =	vst.idx.msk $0xffff, v51;
	v37 =	vor.u32 v2, v26;
	v51 =	vld.idx.msk [tilespmem:v28+s11+$0x0], $0xffff;
	v28 =	vor.u32 v18, v24  }
0x104: {  	v24 =	vld.idx.msk [tilespmem:v46+s11+$0x0], $0xffff;
	v46 =	vor.u32 v14, v23;
	v53 =	vor.u32 v0, v28;
	[tilespmem:v50+s14+$0x0] =	vst.idx.msk $0xffff, v47  }
0x105: {  	v47 =	vor.u32 v13, v39;
	[tilespmem:v45+s14+$0x0] =	vst.idx.msk $0xffff, v40;
	v40 =	vor.u32 v2, v27;
	v45 =	vld.idx.msk [tilespmem:v56+s11+$0x0], $0xffff  }
0x106: {  	v54 =	vor.u32 v7, v29;
	v50 =	vor.u32 v1, v33;
	v36 =	vld.idx.msk [tilespmem:v36+s11+$0x0], $0xffff;
	[tilespmem:v52+s14+$0x0] =	vst.idx.msk $0xffff, v35  }
0x107: {  	v52 =	vor.u32 v13, v44;
	[tilespmem:v49+s14+$0x0] =	vst.idx.msk $0xffff, v48;
	v48 =	vor.u32 v8, v43;
	v38 =	vld.idx.msk [tilespmem:v38+s11+$0x0], $0xffff  }
0x108: {  	v56 =	vor.u32 v10, v43;
	v49 =	vor.u32 v14, v41;
	v55 =	vld.idx.msk [tilespmem:v37+s11+$0x0], $0xffff;
	v37 =	vor.u32 v7, v25  }
0x109: {  	v57 =	vor.u32 v3, v30;
	v35 =	vand.u32 $0x1F, v22;
	[tilespmem:v53+s14+$0x0] =	vst.idx.msk $0xffff, v51;
	v51 =	vor.u32 v8, v31  }
0x10a: {  	[tilespmem:v47+s14+$0x0] =	vst.idx.msk $0xffff, v24;
	v47 =	vor.u32 v2, v35;
	v24 =	vor.u32 v4, v26;
	v40 =	vld.idx.msk [tilespmem:v40+s11+$0x0], $0xffff  }
0x10b: {  	v58 =	vor.u32 v3, v28;
	v53 =	vor.u32 v1, v35;
	v46 =	vld.idx.msk [tilespmem:v46+s11+$0x0], $0xffff;
	[tilespmem:v54+s14+$0x0] =	vst.idx.msk $0xffff, v45  }
0x10c: {  	v39 =	vor.u32 v15, v39;
	v45 =	vor.u32 v4, v27;
	[tilespmem:v52+s14+$0x0] =	vst.idx.msk $0xffff, v36;
	v48 =	vld.idx.msk [tilespmem:v48+s11+$0x0], $0xffff  }
0x10d: {  	v22 =	vshll.u32 v22, $0x7;
	v54 =	vor.u32 v9, v29;
	v52 =	vor.u32 $0x10, v21;
	v49 =	vld.idx.msk [tilespmem:v49+s11+$0x0], $0xffff;
	[tilespmem:v37+s14+$0x0] =	vst.idx.msk $0xffff, v38  }
0x10e: {  	v22 =	vand.u32 $0xC00, v22;
	v38 =	vor.u32 v15, v44;
	v37 =	vand.u32 $0x1F, v52;
	[tilespmem:v57+s14+$0x0] =	vst.idx.msk $0xffff, v55;
	v44 =	vld.idx.msk [tilespmem:v51+s11+$0x0], $0xffff  }
0x10f: {  	v36 =	vor.u32 v32, v22;
	v22 =	vor.u32 v1, v37;
	v55 =	vor.u32 v9, v25;
	v51 =	vld.idx.msk [tilespmem:v24+s11+$0x0], $0xffff  }
0x110: {  	v57 =	vor.u32 v5, v30;
	v24 =	vmov v41;
	[tilespmem:v58+s14+$0x0] =	vst.idx.msk $0xffff, v40;
	v58 =	vor.u32 v10, v31  }
0x111: {  	v41 =	vor.u32 v0, v36;
	[tilespmem:v39+s14+$0x0] =	vst.idx.msk $0xffff, v46;
	v46 =	vor.u32 v6, v26;
	v45 =	vld.idx.msk [tilespmem:v45+s11+$0x0], $0xffff  }
0x112: {  	v40 =	vshll.u32 v42, $0x7;
	v39 =	vshll.u32 v52, $0x7;
	v52 =	vor.u32 v5, v28;
	v53 =	vld.idx.msk [tilespmem:v53+s11+$0x0], $0xffff;
	[tilespmem:v54+s14+$0x0] =	vst.idx.msk $0xffff, v48  }
0x113: {  	v34 =	vand.u32 $0x380, v34;
	v48 =	vor.u32 v6, v27;
	[tilespmem:v38+s14+$0x0] =	vst.idx.msk $0xffff, v49;
	v38 =	vand.u32 $0xC00, v39;
	v49 =	vld.idx.msk [tilespmem:v56+s11+$0x0], $0xffff  }
0x114: {  	v54 =	vor.u32 v11, v29;
	v56 =	vld.idx.msk [tilespmem:v22+s11+$0x0], $0xffff;
	v38 =	vor.u32 v34, v38;
	[tilespmem:v55+s14+$0x0] =	vst.idx.msk $0xffff, v44  }
0x115: {  	v55 =	vor.u32 v12, v43;
	v44 =	vor.u32 v0, v38;
	[tilespmem:v57+s14+$0x0] =	vst.idx.msk $0xffff, v51;
	v57 =	vld.idx.msk [tilespmem:v58+s11+$0x0], $0xffff  }
0x116: {  	v59 =	vor.u32 v11, v25;
	v39 =	vand.u32 $0x780, v40;
	v22 =	vmovc v19;
	v58 =	vor.u32 v2, v37;
	v46 =	vld.idx.msk [tilespmem:v46+s11+$0x0], $0xffff  }
0x117: {  	v61 =	vor.u32 v7, v30;
	v60 =	vld.idx.msk [tilespmem:v50+s11+$0x0], $0xffff;
	[tilespmem:v52+s14+$0x0] =	vst.idx.msk $0xffff, v45;
	v45 =	vor.u32 v12, v31  }
0x118: {  	v62 =	vor.u32 v0, v39;
	[tilespmem:v41+s14+$0x0] =	vst.idx.msk $0xffff, v53;
	v41 =	vor.u32 v8, v26;
	v50 =	vld.idx.msk [tilespmem:v48+s11+$0x0], $0xffff  }
.Ltmp0:
0x119: {  	v19 =	vmov v20;
	v20 =	vmov v42;
	v51 =	vor.u32 v7, v28;
	v52 =	vld.idx.msk [tilespmem:v47+s11+$0x0], $0xffff;
	[tilespmem:v54+s14+$0x0] =	vst.idx.msk $0xffff, v49;
	(pc) =	sbr.rel @p1 .LBB2_3-.Ltmp0, $4  }
0x11a: {  	v42 =	vor.u32 v8, v27;
	v54 =	vor.u32 v3, v36;
	[tilespmem:v44+s14+$0x0] =	vst.idx.msk $0xffff, v56;
	v47 =	vld.idx.msk [tilespmem:v55+s11+$0x0], $0xffff  }
0x11b: {  	v48 =	vor.u32 v13, v29;
	v55 =	vor.u32 v4, v35;
	v53 =	vld.idx.msk [tilespmem:v58+s11+$0x0], $0xffff;
	[tilespmem:v59+s14+$0x0] =	vst.idx.msk $0xffff, v57  }
0x11c: {  	v43 =	vor.u32 v14, v43;
	v56 =	vor.u32 v3, v38;
	[tilespmem:v61+s14+$0x0] =	vst.idx.msk $0xffff, v46;
	v44 =	vld.idx.msk [tilespmem:v45+s11+$0x0], $0xffff  }
0x11d: {  	s25 =	sadd.s32 $0x1, s24;
	s24 =	sadd.s32 $0x2, s24;
	v59 =	vor.u32 v4, v37;
	v46 =	vor.u32 v13, v25;
	[tilespmem:v62+s14+$0x0] =	vst.idx.msk $0xffff, v60;
	v45 =	vld.idx.msk [tilespmem:v41+s11+$0x0], $0xffff  }
0x11e: {  	v41 =	vadd.s32 s25, v0  }
0x11f: {  	v60 =	vand.u32 $0xF, v41  }
0x120: {  	v57 =	vor.u32 v1, v60;
	_ =	sdelay $0x2  }
0x121: {  	[tilespmem:$0x1FFD0] =	vst v41;
	v41 =	vshll.u32 v41, $0x7  }
0x122: {  	v61 =	vor.u32 v2, v33;
	[tilespmem:$0x1FFA0] =	vst v41;
	v58 =	vand.u32 $0x780, v41  }
0x123: {  	v62 =	vor.u32 v0, v58;
	v57 =	vld.idx.msk [tilespmem:v57+s11+$0x0], $0xffff  }
0x124: {  	v63 =	vor.u32 v2, v60;
	_ =	sdelay $0x2  }
0x125: {  	v41 =	vor.u32 v3, v39;
	v61 =	vld.idx.msk [tilespmem:v61+s11+$0x0], $0xffff  }
0x126: {  	[tilespmem:v62+s14+$0x0] =	vst.idx.msk $0xffff, v57;
	v57 =	vor.u32 v4, v33  }
0x127: {  	v62 =	vld.idx.msk [tilespmem:v63+s11+$0x0], $0xffff;
	v63 =	vor.u32 v3, v58  }
0x128: {  	v49 =	vor.u32 v4, v60;
	_ =	sdelay $0x1  }
0x129: {  	[tilespmem:v41+s14+$0x0] =	vst.idx.msk $0xffff, v61  }
0x12a: {  	v41 =	vld.idx.msk [tilespmem:v57+s11+$0x0], $0xffff;
	v57 =	vor.u32 v5, v39  }
0x12b: {  	v61 =	vor.u32 v6, v33;
	[tilespmem:v63+s14+$0x0] =	vst.idx.msk $0xffff, v62  }
0x12c: {  	v62 =	vor.u32 v5, v58;
	v49 =	vld.idx.msk [tilespmem:v49+s11+$0x0], $0xffff;
	_ =	sdelay $0x2  }
0x12d: {  	v63 =	vor.u32 v6, v60;
	[tilespmem:v57+s14+$0x0] =	vst.idx.msk $0xffff, v41  }
0x12e: {  	v41 =	vor.u32 v7, v39;
	v57 =	vld.idx.msk [tilespmem:v61+s11+$0x0], $0xffff  }
0x12f: {  	[tilespmem:v62+s14+$0x0] =	vst.idx.msk $0xffff, v49;
	v49 =	vor.u32 v8, v33;
	_ =	sdelay $0x2  }
0x130: {  	v62 =	vor.u32 v7, v58;
	v61 =	vld.idx.msk [tilespmem:v63+s11+$0x0], $0xffff  }
0x131: {  	v63 =	vor.u32 v8, v60;
	[tilespmem:v41+s14+$0x0] =	vst.idx.msk $0xffff, v57  }
0x132: {  	v41 =	vld.idx.msk [tilespmem:v49+s11+$0x0], $0xffff;
	v49 =	vor.u32 v9, v39  }
0x133: {  	v57 =	vor.u32 v10, v33;
	_ =	sdelay $0x1  }
0x134: {  	[tilespmem:v62+s14+$0x0] =	vst.idx.msk $0xffff, v61  }
0x135: {  	v62 =	vor.u32 v9, v58;
	v61 =	vld.idx.msk [tilespmem:v63+s11+$0x0], $0xffff  }
0x136: {  	v63 =	vor.u32 v10, v60;
	[tilespmem:v49+s14+$0x0] =	vst.idx.msk $0xffff, v41  }
0x137: {  	v49 =	vor.u32 v11, v39;
	v41 =	vld.idx.msk [tilespmem:v57+s11+$0x0], $0xffff  }
0x138: {  	v57 =	vor.u32 v12, v33;
	_ =	sdelay $0x1  }
0x139: {  	[tilespmem:v62+s14+$0x0] =	vst.idx.msk $0xffff, v61  }
0x13a: {  	v61 =	vld.idx.msk [tilespmem:v63+s11+$0x0], $0xffff;
	[tilespmem:$0x1FFC0] =	vst v60  }
0x13b: {  	[tilespmem:v49+s14+$0x0] =	vst.idx.msk $0xffff, v41  }
0x13c: {  	v41 =	vld.idx.msk [tilespmem:v57+s11+$0x0], $0xffff  }
0x13d: {  	v62 =	vor.u32 v11, v58  }
0x13e: {  	v63 =	vor.u32 v12, v60;
	_ =	sdelay $0x2  }
0x13f: {  	[tilespmem:$0x1FF80] =	vst v41  }
0x140: {  	[tilespmem:v62+s14+$0x0] =	vst.idx.msk $0xffff, v61  }
0x141: {  	v61 =	vld.idx.msk [tilespmem:v63+s11+$0x0], $0xffff  }
0x142: {  	v49 =	vor.u32 v13, v39;
	v63 =	vor.u32 v14, v60;
	v60 =	vld [tilespmem:$0x1FF80]  }
0x143: {  	v57 =	vor.u32 v14, v33;
	_ =	sdelay $0x3  }
0x144: {  	[tilespmem:v49+s14+$0x0] =	vst.idx.msk $0xffff, v60  }
0x145: {  	v57 =	vld.idx.msk [tilespmem:v57+s11+$0x0], $0xffff  }
0x146: {  	v62 =	vor.u32 v13, v58;
	_ =	sdelay $0x3  }
0x147: {  	[tilespmem:$0x1FF90] =	vst v57  }
0x148: {  	[tilespmem:v62+s14+$0x0] =	vst.idx.msk $0xffff, v61  }
0x149: {  	v57 =	vld [tilespmem:$0x1FFD0];
	_ =	sdelay $0x4  }
0x14a: {  	v61 =	vor.u32 $0x10, v57  }
0x14b: {  	v60 =	vor.u32 v15, v39;
	v39 =	vand.u32 $0x1F, v61  }
0x14c: {  	v41 =	vor.u32 $0x10, v20;
	v63 =	vld.idx.msk [tilespmem:v63+s11+$0x0], $0xffff;
	v57 =	vor.u32 v15, v58;
	v58 =	vor.u32 v1, v39  }
0x14d: {  	v49 =	vand.u32 $0x1F, v41;
	[tilespmem:$0x1FFB0] =	vst v58;
	v58 =	vshll.u32 v41, $0x7;
	v41 =	vand.u32 $0x380, v40;
	v40 =	vld [tilespmem:$0x1FF90];
	_ =	sdelay $0x3  }
0x14e: {  	[tilespmem:$0x1FFE0] =	vst v41  }
0x14f: {  	[tilespmem:v60+s14+$0x0] =	vst.idx.msk $0xffff, v40  }
0x150: {  	v40 =	vld [tilespmem:$0x1FFA0];
	_ =	sdelay $0x4  }
0x151: {  	v40 =	vand.u32 $0x380, v40  }
0x152: {  	[tilespmem:$0x1FFF0] =	vst v40  }
0x153: {  	[tilespmem:v57+s14+$0x0] =	vst.idx.msk $0xffff, v63  }
0x154: {  	v63 =	vld [tilespmem:$0x1FFB0]  }
0x155: {  	v62 =	vor.u32 v1, v49;
	_ =	sdelay $0x2  }
0x156: {  	v58 =	vand.u32 $0xC00, v58  }
0x157: {  	v61 =	vshll.u32 v61, $0x7;
	v58 =	vor.u32 v41, v58  }
0x158: {  	v41 =	vand.u32 $0xC00, v61;
	v61 =	vor.u32 v0, v58;
	v62 =	vld.idx.msk [tilespmem:v62+s11+$0x0], $0xffff  }
0x159: {  	v60 =	vor.u32 v2, v49;
	v57 =	vor.u32 v40, v41  }
0x15a: {  	v40 =	vor.u32 v0, v57;
	v63 =	vld.idx.msk [tilespmem:v63+s11+$0x0], $0xffff  }
0x15b: {  	v41 =	vor.u32 v2, v39;
	[tilespmem:v54+s14+$0x0] =	vst.idx.msk $0xffff, v52  }
0x15c: {  	v54 =	vor.u32 v5, v36;
	[tilespmem:v56+s14+$0x0] =	vst.idx.msk $0xffff, v53;
	v52 =	vld.idx.msk [tilespmem:v55+s11+$0x0], $0xffff  }
0x15d: {  	v53 =	vor.u32 v6, v35;
	v56 =	vor.u32 v5, v38;
	v55 =	vld.idx.msk [tilespmem:v59+s11+$0x0], $0xffff;
	[tilespmem:v61+s14+$0x0] =	vst.idx.msk $0xffff, v62  }
0x15e: {  	v59 =	vor.u32 v6, v37;
	v61 =	vor.u32 v3, v58;
	v60 =	vld.idx.msk [tilespmem:v60+s11+$0x0], $0xffff  }
0x15f: {  	[tilespmem:v40+s14+$0x0] =	vst.idx.msk $0xffff, v63;
	v40 =	vor.u32 v4, v49  }
0x160: {  	v62 =	vor.u32 v3, v57;
	v41 =	vld.idx.msk [tilespmem:v41+s11+$0x0], $0xffff  }
0x161: {  	[tilespmem:v54+s14+$0x0] =	vst.idx.msk $0xffff, v52;
	v63 =	vor.u32 v4, v39  }
0x162: {  	[tilespmem:v56+s14+$0x0] =	vst.idx.msk $0xffff, v55;
	v52 =	vld.idx.msk [tilespmem:v53+s11+$0x0], $0xffff;
	v53 =	vor.u32 v7, v36  }
0x163: {  	v54 =	vor.u32 v8, v35;
	v56 =	vor.u32 v7, v38;
	v55 =	vld.idx.msk [tilespmem:v59+s11+$0x0], $0xffff;
	[tilespmem:v61+s14+$0x0] =	vst.idx.msk $0xffff, v60  }
0x164: {  	v59 =	vor.u32 v8, v37;
	v60 =	vor.u32 v5, v58;
	v40 =	vld.idx.msk [tilespmem:v40+s11+$0x0], $0xffff  }
0x165: {  	[tilespmem:v62+s14+$0x0] =	vst.idx.msk $0xffff, v41;
	v41 =	vor.u32 v6, v49  }
0x166: {  	v62 =	vor.u32 v5, v57;
	v61 =	vld.idx.msk [tilespmem:v63+s11+$0x0], $0xffff  }
0x167: {  	[tilespmem:v53+s14+$0x0] =	vst.idx.msk $0xffff, v52;
	v63 =	vor.u32 v6, v39  }
0x168: {  	v53 =	vor.u32 v9, v36;
	[tilespmem:v56+s14+$0x0] =	vst.idx.msk $0xffff, v55;
	v52 =	vld.idx.msk [tilespmem:v54+s11+$0x0], $0xffff  }
0x169: {  	v56 =	vor.u32 v9, v38;
	v54 =	vor.u32 v10, v35;
	v55 =	vld.idx.msk [tilespmem:v59+s11+$0x0], $0xffff;
	[tilespmem:v60+s14+$0x0] =	vst.idx.msk $0xffff, v40  }
0x16a: {  	v59 =	vor.u32 v7, v58;
	v40 =	vor.u32 v10, v37;
	v41 =	vld.idx.msk [tilespmem:v41+s11+$0x0], $0xffff  }
0x16b: {  	v60 =	vor.u32 v8, v49;
	[tilespmem:v62+s14+$0x0] =	vst.idx.msk $0xffff, v61  }
0x16c: {  	v62 =	vor.u32 v7, v57;
	v61 =	vld.idx.msk [tilespmem:v63+s11+$0x0], $0xffff  }
0x16d: {  	[tilespmem:v53+s14+$0x0] =	vst.idx.msk $0xffff, v52;
	v63 =	vor.u32 v8, v39  }
0x16e: {  	v53 =	vor.u32 v11, v36;
	[tilespmem:v56+s14+$0x0] =	vst.idx.msk $0xffff, v55;
	v52 =	vld.idx.msk [tilespmem:v54+s11+$0x0], $0xffff  }
0x16f: {  	v55 =	vor.u32 v11, v38;
	v40 =	vld.idx.msk [tilespmem:v40+s11+$0x0], $0xffff;
	[tilespmem:v59+s14+$0x0] =	vst.idx.msk $0xffff, v41  }
0x170: {  	v54 =	vor.u32 v12, v35;
	v59 =	vor.u32 v9, v58;
	v56 =	vld.idx.msk [tilespmem:v60+s11+$0x0], $0xffff  }
0x171: {  	v60 =	vor.u32 v10, v49;
	[tilespmem:v62+s14+$0x0] =	vst.idx.msk $0xffff, v61  }
0x172: {  	v41 =	vor.u32 v12, v37;
	v62 =	vor.u32 v9, v57;
	v61 =	vld.idx.msk [tilespmem:v63+s11+$0x0], $0xffff  }
0x173: {  	[tilespmem:v53+s14+$0x0] =	vst.idx.msk $0xffff, v52;
	v63 =	vor.u32 v10, v39  }
0x174: {  	[tilespmem:v55+s14+$0x0] =	vst.idx.msk $0xffff, v40  }
0x175: {  	v52 =	vor.u32 v13, v36;
	v40 =	vld.idx.msk [tilespmem:v54+s11+$0x0], $0xffff;
	[tilespmem:v59+s14+$0x0] =	vst.idx.msk $0xffff, v56  }
0x176: {  	v54 =	vor.u32 v14, v35;
	v56 =	vor.u32 v11, v58;
	v55 =	vld.idx.msk [tilespmem:v60+s11+$0x0], $0xffff  }
0x177: {  	v53 =	vor.u32 v13, v38;
	v41 =	vld.idx.msk [tilespmem:v41+s11+$0x0], $0xffff;
	v59 =	vor.u32 v12, v49;
	[tilespmem:v62+s14+$0x0] =	vst.idx.msk $0xffff, v61  }
0x178: {  	v37 =	vor.u32 v14, v37;
	v61 =	vor.u32 v11, v57;
	v60 =	vld.idx.msk [tilespmem:v63+s11+$0x0], $0xffff  }
0x179: {  	v23 =	vor.u32 $0x20, v23;
	[tilespmem:v51+s14+$0x0] =	vst.idx.msk $0xffff, v50;
	v50 =	vor.u32 v12, v39  }
0x17a: {  	v36 =	vor.u32 v15, v36;
	v63 =	vand.u32 $0x7, v19;
	[tilespmem:v52+s14+$0x0] =	vst.idx.msk $0xffff, v40;
	v52 =	vand.u32 $0x28, v23  }
0x17b: {  	v49 =	vor.u32 v14, v49;
	v35 =	vor.u32 v63, v52;
	v51 =	vld.idx.msk [tilespmem:v54+s11+$0x0], $0xffff;
	[tilespmem:v56+s14+$0x0] =	vst.idx.msk $0xffff, v55  }
0x17c: {  	v62 =	vor.u32 v13, v58;
	[tilespmem:v53+s14+$0x0] =	vst.idx.msk $0xffff, v41;
	v52 =	vor.u32 v1, v35;
	v54 =	vld.idx.msk [tilespmem:v59+s11+$0x0], $0xffff  }
0x17d: {  	v41 =	vshll.u32 v23, $0x7;
	v63 =	vor.u32 v15, v38;
	v37 =	vld.idx.msk [tilespmem:v37+s11+$0x0], $0xffff;
	[tilespmem:v61+s14+$0x0] =	vst.idx.msk $0xffff, v60  }
0x17e: {  	v56 =	vand.u32 $0x1400, v41;
	v59 =	vor.u32 v13, v57;
	v41 =	vld.idx.msk [tilespmem:v50+s11+$0x0], $0xffff  }
0x17f: {  	[tilespmem:v48+s14+$0x0] =	vst.idx.msk $0xffff, v47  }
0x180: {  	v39 =	vor.u32 v14, v39;
	v53 =	vor.u32 $0x20, v24;
	[tilespmem:v36+s14+$0x0] =	vst.idx.msk $0xffff, v51  }
0x181: {  	v23 =	vand.u32 $0x7, v21;
	v24 =	vand.u32 $0x28, v53;
	v52 =	vld.idx.msk [tilespmem:v52+s11+$0x0], $0xffff;
	[tilespmem:v62+s14+$0x0] =	vst.idx.msk $0xffff, v54  }
0x182: {  	v23 =	vor.u32 v23, v24;
	v24 =	vor.u32 v32, v56;
	[tilespmem:v63+s14+$0x0] =	vst.idx.msk $0xffff, v37;
	v49 =	vld.idx.msk [tilespmem:v49+s11+$0x0], $0xffff  }
0x183: {  	v33 =	vor.u32 $0x20, v33;
	v48 =	vor.u32 v0, v24;
	v38 =	vld [tilespmem:$0x1FFC0];
	[tilespmem:v59+s14+$0x0] =	vst.idx.msk $0xffff, v41  }
0x184: {  	v61 =	vand.u32 $0x7, v20;
	v62 =	vand.u32 $0x28, v33;
	v54 =	vor.u32 v15, v58;
	v58 =	vld [tilespmem:$0x1FFD0]  }
0x185: {  	v37 =	vor.u32 v61, v62;
	v62 =	vor.u32 v15, v57;
	v39 =	vld.idx.msk [tilespmem:v39+s11+$0x0], $0xffff;
	_ =	sdelay $0x1  }
0x186: {  	v29 =	vor.u32 v15, v29;
	v40 =	vor.u32 v9, v30;
	v60 =	vshll.u32 v53, $0x7  }
0x187: {  	v53 =	vor.u32 v2, v35;
	v36 =	vor.u32 v1, v23;
	v33 =	vshll.u32 v33, $0x7;
	[tilespmem:v48+s14+$0x0] =	vst.idx.msk $0xffff, v52  }
0x188: {  	v51 =	vand.u32 $0x1400, v60;
	v33 =	vand.u32 $0x1400, v33;
	v63 =	vor.u32 $0x20, v38;
	[tilespmem:v54+s14+$0x0] =	vst.idx.msk $0xffff, v49  }
0x189: {  	v61 =	vor.u32 v1, v37;
	v60 =	vand.u32 $0x28, v63;
	v57 =	vld [tilespmem:$0x1FFE0];
	v47 =	vand.u32 $0x7, v58;
	[tilespmem:v62+s14+$0x0] =	vst.idx.msk $0xffff, v39  }
0x18a: {  	v49 =	vor.u32 v3, v24;
	v54 =	vor.u32 v4, v35;
	v38 =	vor.u32 v47, v60;
	v56 =	vld [tilespmem:$0x1FFF0]  }
0x18b: {  	v43 =	vld.idx.msk [tilespmem:v43+s11+$0x0], $0xffff;
	v63 =	vshll.u32 v63, $0x7;
	v62 =	vor.u32 v10, v26;
	v41 =	vor.u32 v1, v38  }
0x18c: {  	v42 =	vld.idx.msk [tilespmem:v42+s11+$0x0], $0xffff;
	v47 =	vor.u32 v14, v31;
	v31 =	vor.u32 v34, v51;
	v60 =	vor.u32 v9, v28  }
0x18d: {  	v52 =	vld.idx.msk [tilespmem:v36+s11+$0x0], $0xffff;
	v36 =	vand.u32 $0x1400, v63;
	v63 =	vor.u32 v10, v27;
	v48 =	vor.u32 v0, v31  }
0x18e: {  	v53 =	vld.idx.msk [tilespmem:v53+s11+$0x0], $0xffff;
	v51 =	vor.u32 v2, v23;
	[tilespmem:v46+s14+$0x0] =	vst.idx.msk $0xffff, v44;
	v33 =	vor.u32 v57, v33  }
0x18f: {  	v50 =	vld.idx.msk [tilespmem:v61+s11+$0x0], $0xffff;
	[tilespmem:v40+s14+$0x0] =	vst.idx.msk $0xffff, v45;
	v39 =	vor.u32 v0, v33;
	v36 =	vor.u32 v56, v36  }
0x190: {  	v44 =	vor.u32 v2, v37;
	[tilespmem:v29+s14+$0x0] =	vst.idx.msk $0xffff, v43;
	v41 =	vld.idx.msk [tilespmem:v41+s11+$0x0], $0xffff;
	v59 =	vor.u32 v0, v36  }
0x191: {  	v61 =	vor.u32 v2, v38;
	v45 =	vld.idx.msk [tilespmem:v62+s11+$0x0], $0xffff;
	[tilespmem:v60+s14+$0x0] =	vst.idx.msk $0xffff, v42;
	v60 =	vor.u32 v11, v30  }
0x192: {  	[tilespmem:v48+s14+$0x0] =	vst.idx.msk $0xffff, v52;
	v48 =	vld.idx.msk [tilespmem:v63+s11+$0x0], $0xffff;
	v63 =	vor.u32 v11, v28  }
0x193: {  	[tilespmem:v49+s14+$0x0] =	vst.idx.msk $0xffff, v53;
	v62 =	vor.u32 v12, v26;
	v52 =	vor.u32 v3, v31;
	v51 =	vld.idx.msk [tilespmem:v51+s11+$0x0], $0xffff  }
0x194: {  	v49 =	vor.u32 v4, v23;
	v53 =	vld.idx.msk [tilespmem:v54+s11+$0x0], $0xffff;
	v54 =	vor.u32 v5, v24;
	[tilespmem:v39+s14+$0x0] =	vst.idx.msk $0xffff, v50  }
0x195: {  	v39 =	vor.u32 v6, v35;
	v50 =	vor.u32 v3, v33;
	v44 =	vld.idx.msk [tilespmem:v44+s11+$0x0], $0xffff;
	[tilespmem:v59+s14+$0x0] =	vst.idx.msk $0xffff, v41  }
0x196: {  	v42 =	vor.u32 v3, v36;
	[tilespmem:v60+s14+$0x0] =	vst.idx.msk $0xffff, v45;
	v59 =	vor.u32 v4, v37;
	v40 =	vld.idx.msk [tilespmem:v61+s11+$0x0], $0xffff  }
0x197: {  	[tilespmem:v63+s14+$0x0] =	vst.idx.msk $0xffff, v48;
	v61 =	vor.u32 v4, v38  }
0x198: {  	v29 =	vor.u32 v15, v25;
	v25 =	vld.idx.msk [tilespmem:v62+s11+$0x0], $0xffff;
	v63 =	vor.u32 v13, v30;
	[tilespmem:v52+s14+$0x0] =	vst.idx.msk $0xffff, v51  }
0x199: {  	v26 =	vor.u32 v14, v26;
	[tilespmem:v54+s14+$0x0] =	vst.idx.msk $0xffff, v53;
	v52 =	vor.u32 v5, v31;
	v49 =	vld.idx.msk [tilespmem:v49+s11+$0x0], $0xffff  }
0x19a: {  	v53 =	vor.u32 v6, v23;
	v54 =	vor.u32 v7, v24;
	v39 =	vld.idx.msk [tilespmem:v39+s11+$0x0], $0xffff;
	[tilespmem:v50+s14+$0x0] =	vst.idx.msk $0xffff, v44  }
0x19b: {  	v44 =	vor.u32 v8, v35;
	v41 =	vld.idx.msk [tilespmem:v59+s11+$0x0], $0xffff;
	v59 =	vor.u32 v5, v33;
	[tilespmem:v42+s14+$0x0] =	vst.idx.msk $0xffff, v40  }
0x19c: {  	v46 =	vor.u32 $0x30, v22;
	v60 =	vor.u32 v6, v37;
	v42 =	vld.idx.msk [tilespmem:v61+s11+$0x0], $0xffff;
	v61 =	vor.u32 v5, v36  }
0x19d: {  	v22 =	vand.u32 $0x3F, v46;
	v62 =	vor.u32 v6, v38;
	[tilespmem:v63+s14+$0x0] =	vst.idx.msk $0xffff, v25  }
0x19e: {  	v48 =	vor.u32 v2, v22;
	v30 =	vor.u32 v15, v30;
	v26 =	vld.idx.msk [tilespmem:v26+s11+$0x0], $0xffff;
	[tilespmem:v52+s14+$0x0] =	vst.idx.msk $0xffff, v49  }
0x19f: {  	v51 =	vor.u32 v12, v27;
	v52 =	vor.u32 v7, v31;
	v49 =	vld.idx.msk [tilespmem:v53+s11+$0x0], $0xffff;
	[tilespmem:v54+s14+$0x0] =	vst.idx.msk $0xffff, v39  }
0x1a0: {  	v39 =	vor.u32 v8, v23;
	v53 =	vor.u32 v9, v24;
	v44 =	vld.idx.msk [tilespmem:v44+s11+$0x0], $0xffff;
	[tilespmem:v59+s14+$0x0] =	vst.idx.msk $0xffff, v41  }
0x1a1: {  	v59 =	vor.u32 v10, v35;
	v40 =	vld.idx.msk [tilespmem:v60+s11+$0x0], $0xffff;
	v60 =	vor.u32 v7, v33;
	[tilespmem:v61+s14+$0x0] =	vst.idx.msk $0xffff, v42  }
0x1a2: {  	v27 =	vor.u32 v14, v27;
	v61 =	vor.u32 v8, v37;
	v43 =	vld.idx.msk [tilespmem:v62+s11+$0x0], $0xffff;
	v62 =	vor.u32 v7, v36  }
0x1a3: {  	v46 =	vshll.u32 v46, $0x7;
	v50 =	vor.u32 v9, v33;
	v63 =	vor.u32 v8, v38;
	[tilespmem:v30+s14+$0x0] =	vst.idx.msk $0xffff, v26  }
0x1a4: {  	v51 =	vld.idx.msk [tilespmem:v51+s11+$0x0], $0xffff;
	v54 =	vor.u32 v12, v38;
	v42 =	vor.u32 v13, v28;
	[tilespmem:v52+s14+$0x0] =	vst.idx.msk $0xffff, v49  }
0x1a5: {  	v26 =	vor.u32 v10, v38;
	v52 =	vor.u32 v9, v31;
	v39 =	vld.idx.msk [tilespmem:v39+s11+$0x0], $0xffff;
	[tilespmem:v53+s14+$0x0] =	vst.idx.msk $0xffff, v44  }
0x1a6: {  	v30 =	vand.u32 $0x1C00, v46;
	v41 =	vld.idx.msk [tilespmem:v59+s11+$0x0], $0xffff;
	v59 =	vor.u32 v11, v24;
	[tilespmem:v60+s14+$0x0] =	vst.idx.msk $0xffff, v40  }
0x1a7: {  	v46 =	vor.u32 v11, v31;
	v44 =	vor.u32 v10, v23;
	v45 =	vld.idx.msk [tilespmem:v61+s11+$0x0], $0xffff;
	[tilespmem:v62+s14+$0x0] =	vst.idx.msk $0xffff, v43  }
0x1a8: {  	v38 =	vor.u32 v14, v38;
	v61 =	vor.u32 v10, v37;
	v62 =	vor.u32 v9, v36;
	v25 =	vld.idx.msk [tilespmem:v63+s11+$0x0], $0xffff  }
0x1a9: {  	v28 =	vor.u32 v15, v28;
	v17 =	vor.u32 v17, v30;
	[tilespmem:v42+s14+$0x0] =	vst.idx.msk $0xffff, v51  }
0x1aa: {  	v49 =	vor.u32 v1, v22;
	v60 =	vor.u32 v12, v35;
	[tilespmem:v52+s14+$0x0] =	vst.idx.msk $0xffff, v39  }
0x1ab: {  	v53 =	vor.u32 v11, v36;
	v35 =	vor.u32 v14, v35;
	v27 =	vld.idx.msk [tilespmem:v27+s11+$0x0], $0xffff;
	[tilespmem:v59+s14+$0x0] =	vst.idx.msk $0xffff, v41  }
0x1ac: {  	v43 =	vor.u32 v13, v33;
	v63 =	vor.u32 $0x30, v16;
	v44 =	vld.idx.msk [tilespmem:v44+s11+$0x0], $0xffff;
	[tilespmem:v50+s14+$0x0] =	vst.idx.msk $0xffff, v45  }
0x1ad: {  	v59 =	vor.u32 v12, v23;
	v42 =	vld.idx.msk [tilespmem:v61+s11+$0x0], $0xffff;
	v61 =	vor.u32 v11, v33;
	[tilespmem:v62+s14+$0x0] =	vst.idx.msk $0xffff, v25  }
0x1ae: {  	v16 =	vand.u32 $0x3F, v63;
	v62 =	vshll.u32 v63, $0x7;
	v63 =	vor.u32 v12, v37;
	v26 =	vld.idx.msk [tilespmem:v26+s11+$0x0], $0xffff  }
0x1af: {  	v23 =	vor.u32 v14, v23;
	v39 =	vor.u32 v1, v16;
	v40 =	vld.idx.msk [tilespmem:v60+s11+$0x0], $0xffff;
	v60 =	vor.u32 v13, v24  }
0x1b0: {  	v24 =	vor.u32 v15, v24;
	v45 =	vor.u32 v2, v16;
	[tilespmem:v28+s14+$0x0] =	vst.idx.msk $0xffff, v27  }
0x1b1: {  	v28 =	vor.u32 v0, v17;
	v33 =	vor.u32 v15, v33;
	[tilespmem:v46+s14+$0x0] =	vst.idx.msk $0xffff, v44;
	v44 =	vld.idx.msk [tilespmem:v47+s11+$0x0], $0xffff  }
0x1b2: {  	v25 =	vand.u32 $0x1C00, v62;
	v55 =	vld.idx.msk [tilespmem:v59+s11+$0x0], $0xffff;
	v59 =	vor.u32 v13, v31;
	[tilespmem:v61+s14+$0x0] =	vst.idx.msk $0xffff, v42  }
0x1b3: {  	v62 =	vor.u32 v13, v36;
	v36 =	vor.u32 v15, v36;
	v42 =	vld.idx.msk [tilespmem:v63+s11+$0x0], $0xffff;
	[tilespmem:v53+s14+$0x0] =	vst.idx.msk $0xffff, v26  }
0x1b4: {  	[tilespmem:v60+s14+$0x0] =	vst.idx.msk $0xffff, v40;
	v60 =	vor.u32 $0x30, v19;
	v61 =	vor.u32 v14, v37;
	v27 =	vld.idx.msk [tilespmem:v54+s11+$0x0], $0xffff  }
0x1b5: {  	v18 =	vor.u32 v18, v25;
	v31 =	vor.u32 v15, v31;
	v35 =	vld.idx.msk [tilespmem:v35+s11+$0x0], $0xffff;
	v19 =	vand.u32 $0x3F, v60  }
0x1b6: {  	v30 =	vor.u32 v0, v18;
	v52 =	vshll.u32 v60, $0x7;
	v63 =	vor.u32 v1, v19;
	[tilespmem:v29+s14+$0x0] =	vst.idx.msk $0xffff, v44  }
0x1b7: {  	v47 =	vld.idx.msk [tilespmem:v49+s11+$0x0], $0xffff;
	v60 =	vor.u32 $0x30, v20;
	v46 =	vor.u32 v2, v19;
	v53 =	vor.u32 $0x30, v21;
	[tilespmem:v59+s14+$0x0] =	vst.idx.msk $0xffff, v55  }
0x1b8: {  	v50 =	vshll.u32 v60, $0x7;
	v21 =	vand.u32 $0x3F, v53;
	v54 =	vand.u32 $0x1C00, v52;
	v41 =	vld.idx.msk [tilespmem:v23+s11+$0x0], $0xffff;
	[tilespmem:v43+s14+$0x0] =	vst.idx.msk $0xffff, v42  }
0x1b9: {  	v55 =	vor.u32 v1, v21;
	v23 =	vand.u32 $0x3F, v60;
	v26 =	vld.idx.msk [tilespmem:v61+s11+$0x0], $0xffff;
	v61 =	vor.u32 $0x30, v58;
	[tilespmem:v62+s14+$0x0] =	vst.idx.msk $0xffff, v27  }
0x1ba: {  	v59 =	vshll.u32 v53, $0x7;
	[tilespmem:v24+s14+$0x0] =	vst.idx.msk $0xffff, v35;
	v62 =	vor.u32 v1, v23;
	v25 =	vand.u32 $0x3F, v61;
	v38 =	vld.idx.msk [tilespmem:v38+s11+$0x0], $0xffff  }
0x1bb: {  	v20 =	vor.u32 v32, v54;
	v24 =	vand.u32 $0x1C00, v59;
	v32 =	vld.idx.msk [tilespmem:v63+s11+$0x0], $0xffff;
	v63 =	vor.u32 v1, v25  }
0x1bc: {  	v35 =	vld.idx.msk [tilespmem:v39+s11+$0x0], $0xffff;
	v52 =	vor.u32 v2, v21;
	v49 =	vor.u32 v0, v20;
	v24 =	vor.u32 v34, v24  }
0x1bd: {  	v34 =	vor.u32 v0, v24;
	v27 =	vshll.u32 v61, $0x7;
	[tilespmem:v31+s14+$0x0] =	vst.idx.msk $0xffff, v41;
	v31 =	vand.u32 $0x1C00, v50  }
0x1be: {  	v27 =	vand.u32 $0x1C00, v27;
	v51 =	vld.idx.msk [tilespmem:v55+s11+$0x0], $0xffff;
	[tilespmem:v33+s14+$0x0] =	vst.idx.msk $0xffff, v26;
	v26 =	vor.u32 v57, v31  }
0x1bf: {  	v27 =	vor.u32 v56, v27;
	v53 =	vld.idx.msk [tilespmem:v62+s11+$0x0], $0xffff;
	v54 =	vor.u32 v0, v26;
	[tilespmem:v36+s14+$0x0] =	vst.idx.msk $0xffff, v38  }
0x1c0: {  	[tilespmem:v28+s14+$0x0] =	vst.idx.msk $0xffff, v47;
	v55 =	vor.u32 v2, v23;
	v56 =	vor.u32 v0, v27;
	v36 =	vld.idx.msk [tilespmem:v63+s11+$0x0], $0xffff  }
0x1c1: {  	v58 =	vor.u32 v3, v17;
	[tilespmem:v30+s14+$0x0] =	vst.idx.msk $0xffff, v35;
	v59 =	vor.u32 v2, v25;
	v57 =	vld.idx.msk [tilespmem:v48+s11+$0x0], $0xffff  }
0x1c2: {  	v60 =	vor.u32 v4, v22;
	v61 =	vld.idx.msk [tilespmem:v45+s11+$0x0], $0xffff;
	[tilespmem:v49+s14+$0x0] =	vst.idx.msk $0xffff, v32;
	v62 =	vor.u32 v3, v18  }
0x1c3: {  	v43 =	vld.idx.msk [tilespmem:v46+s11+$0x0], $0xffff;
	v48 =	vor.u32 v3, v20;
	v63 =	vor.u32 v4, v16;
	[tilespmem:v34+s14+$0x0] =	vst.idx.msk $0xffff, v51  }
0x1c4: {  	v50 =	vor.u32 v3, v24;
	v49 =	vor.u32 v4, v19;
	v34 =	vld.idx.msk [tilespmem:v52+s11+$0x0], $0xffff;
	[tilespmem:v54+s14+$0x0] =	vst.idx.msk $0xffff, v53  }
0x1c5: {  	v51 =	vor.u32 v4, v21;
	v52 =	vor.u32 v3, v26;
	v28 =	vld.idx.msk [tilespmem:v55+s11+$0x0], $0xffff;
	[tilespmem:v56+s14+$0x0] =	vst.idx.msk $0xffff, v36  }
0x1c6: {  	[tilespmem:v58+s14+$0x0] =	vst.idx.msk $0xffff, v57;
	v53 =	vor.u32 v4, v23;
	v54 =	vor.u32 v3, v27;
	v30 =	vld.idx.msk [tilespmem:v59+s11+$0x0], $0xffff  }
0x1c7: {  	v35 =	vld.idx.msk [tilespmem:v60+s11+$0x0], $0xffff;
	[tilespmem:v62+s14+$0x0] =	vst.idx.msk $0xffff, v61;
	v55 =	vor.u32 v5, v17;
	v56 =	vor.u32 v4, v25  }
0x1c8: {  	v57 =	vor.u32 v6, v22;
	v58 =	vor.u32 v5, v18;
	[tilespmem:v48+s14+$0x0] =	vst.idx.msk $0xffff, v43;
	v32 =	vld.idx.msk [tilespmem:v63+s11+$0x0], $0xffff  }
0x1c9: {  	v29 =	vld.idx.msk [tilespmem:v49+s11+$0x0], $0xffff;
	v60 =	vor.u32 v5, v20;
	v59 =	vor.u32 v6, v16;
	[tilespmem:v50+s14+$0x0] =	vst.idx.msk $0xffff, v34  }
0x1ca: {  	v61 =	vor.u32 v6, v19;
	v62 =	vor.u32 v5, v24;
	v31 =	vld.idx.msk [tilespmem:v51+s11+$0x0], $0xffff;
	[tilespmem:v52+s14+$0x0] =	vst.idx.msk $0xffff, v28  }
0x1cb: {  	v48 =	vor.u32 v5, v26;
	v63 =	vor.u32 v6, v21;
	v33 =	vld.idx.msk [tilespmem:v53+s11+$0x0], $0xffff;
	[tilespmem:v54+s14+$0x0] =	vst.idx.msk $0xffff, v30  }
0x1cc: {  	v49 =	vor.u32 v6, v23;
	v51 =	vor.u32 v5, v27;
	[tilespmem:v55+s14+$0x0] =	vst.idx.msk $0xffff, v35;
	v50 =	vld.idx.msk [tilespmem:v56+s11+$0x0], $0xffff  }
0x1cd: {  	v52 =	vor.u32 v7, v17;
	v38 =	vld.idx.msk [tilespmem:v57+s11+$0x0], $0xffff;
	[tilespmem:v58+s14+$0x0] =	vst.idx.msk $0xffff, v32;
	v53 =	vor.u32 v6, v25  }
0x1ce: {  	[tilespmem:v60+s14+$0x0] =	vst.idx.msk $0xffff, v29;
	v55 =	vor.u32 v7, v18;
	v54 =	vor.u32 v8, v22;
	v42 =	vld.idx.msk [tilespmem:v59+s11+$0x0], $0xffff  }
0x1cf: {  	v34 =	vld.idx.msk [tilespmem:v61+s11+$0x0], $0xffff;
	v57 =	vor.u32 v7, v20;
	v56 =	vor.u32 v8, v16;
	[tilespmem:v62+s14+$0x0] =	vst.idx.msk $0xffff, v31  }
0x1d0: {  	v58 =	vor.u32 v8, v19;
	v59 =	vor.u32 v7, v24;
	v28 =	vld.idx.msk [tilespmem:v63+s11+$0x0], $0xffff;
	[tilespmem:v48+s14+$0x0] =	vst.idx.msk $0xffff, v33  }
0x1d1: {  	v60 =	vor.u32 v8, v21;
	v61 =	vor.u32 v7, v26;
	v30 =	vld.idx.msk [tilespmem:v49+s11+$0x0], $0xffff;
	[tilespmem:v51+s14+$0x0] =	vst.idx.msk $0xffff, v50  }
0x1d2: {  	v62 =	vor.u32 v8, v23;
	v63 =	vor.u32 v7, v27;
	[tilespmem:v52+s14+$0x0] =	vst.idx.msk $0xffff, v38;
	v32 =	vld.idx.msk [tilespmem:v53+s11+$0x0], $0xffff  }
0x1d3: {  	v48 =	vor.u32 v9, v17;
	v38 =	vld.idx.msk [tilespmem:v54+s11+$0x0], $0xffff;
	[tilespmem:v55+s14+$0x0] =	vst.idx.msk $0xffff, v42;
	v49 =	vor.u32 v8, v25  }
0x1d4: {  	[tilespmem:v57+s14+$0x0] =	vst.idx.msk $0xffff, v34;
	v50 =	vor.u32 v10, v22;
	v29 =	vld.idx.msk [tilespmem:v56+s11+$0x0], $0xffff;
	v51 =	vor.u32 v9, v18  }
0x1d5: {  	v52 =	vor.u32 v10, v16;
	v31 =	vld.idx.msk [tilespmem:v58+s11+$0x0], $0xffff;
	v53 =	vor.u32 v9, v20;
	[tilespmem:v59+s14+$0x0] =	vst.idx.msk $0xffff, v28  }
0x1d6: {  	v54 =	vor.u32 v10, v19;
	v55 =	vor.u32 v9, v24;
	v33 =	vld.idx.msk [tilespmem:v60+s11+$0x0], $0xffff;
	[tilespmem:v61+s14+$0x0] =	vst.idx.msk $0xffff, v30  }
0x1d7: {  	v57 =	vor.u32 v9, v26;
	v56 =	vor.u32 v10, v21;
	v35 =	vld.idx.msk [tilespmem:v62+s11+$0x0], $0xffff;
	[tilespmem:v63+s14+$0x0] =	vst.idx.msk $0xffff, v32  }
0x1d8: {  	v58 =	vor.u32 v10, v23;
	v59 =	vor.u32 v9, v27;
	[tilespmem:v48+s14+$0x0] =	vst.idx.msk $0xffff, v38;
	v37 =	vld.idx.msk [tilespmem:v49+s11+$0x0], $0xffff  }
0x1d9: {  	v60 =	vor.u32 v11, v17;
	v61 =	vor.u32 v10, v25;
	v40 =	vld.idx.msk [tilespmem:v50+s11+$0x0], $0xffff;
	[tilespmem:v51+s14+$0x0] =	vst.idx.msk $0xffff, v29  }
0x1da: {  	v62 =	vor.u32 v12, v22;
	v34 =	vld.idx.msk [tilespmem:v52+s11+$0x0], $0xffff;
	v63 =	vor.u32 v11, v18;
	[tilespmem:v53+s14+$0x0] =	vst.idx.msk $0xffff, v31  }
0x1db: {  	v48 =	vor.u32 v12, v16;
	v28 =	vld.idx.msk [tilespmem:v54+s11+$0x0], $0xffff;
	v49 =	vor.u32 v11, v20;
	[tilespmem:v55+s14+$0x0] =	vst.idx.msk $0xffff, v33  }
0x1dc: {  	v50 =	vor.u32 v12, v19;
	v51 =	vor.u32 v11, v24;
	v30 =	vld.idx.msk [tilespmem:v56+s11+$0x0], $0xffff;
	[tilespmem:v57+s14+$0x0] =	vst.idx.msk $0xffff, v35  }
0x1dd: {  	v52 =	vor.u32 v12, v21;
	v53 =	vor.u32 v11, v26;
	v32 =	vld.idx.msk [tilespmem:v58+s11+$0x0], $0xffff;
	[tilespmem:v59+s14+$0x0] =	vst.idx.msk $0xffff, v37  }
0x1de: {  	v54 =	vor.u32 v12, v23;
	v55 =	vor.u32 v11, v27;
	[tilespmem:v60+s14+$0x0] =	vst.idx.msk $0xffff, v40;
	v29 =	vld.idx.msk [tilespmem:v61+s11+$0x0], $0xffff  }
0x1df: {  	v56 =	vor.u32 v13, v17;
	v57 =	vor.u32 v12, v25;
	v40 =	vld.idx.msk [tilespmem:v62+s11+$0x0], $0xffff;
	[tilespmem:v63+s14+$0x0] =	vst.idx.msk $0xffff, v34  }
0x1e0: {  	v22 =	vor.u32 v14, v22;
	v58 =	vor.u32 v13, v18;
	v31 =	vld.idx.msk [tilespmem:v48+s11+$0x0], $0xffff;
	[tilespmem:v49+s14+$0x0] =	vst.idx.msk $0xffff, v28  }
0x1e1: {  	v16 =	vor.u32 v14, v16;
	v59 =	vor.u32 v13, v20;
	v28 =	vld.idx.msk [tilespmem:v50+s11+$0x0], $0xffff;
	[tilespmem:v51+s14+$0x0] =	vst.idx.msk $0xffff, v30  }
0x1e2: {  	v19 =	vor.u32 v14, v19;
	v60 =	vor.u32 v13, v24;
	v30 =	vld.idx.msk [tilespmem:v52+s11+$0x0], $0xffff;
	[tilespmem:v53+s14+$0x0] =	vst.idx.msk $0xffff, v32  }
0x1e3: {  	v21 =	vor.u32 v14, v21;
	v61 =	vor.u32 v13, v26;
	v32 =	vld.idx.msk [tilespmem:v54+s11+$0x0], $0xffff;
	[tilespmem:v55+s14+$0x0] =	vst.idx.msk $0xffff, v29  }
0x1e4: {  	v23 =	vor.u32 v14, v23;
	v62 =	vor.u32 v13, v27;
	[tilespmem:v56+s14+$0x0] =	vst.idx.msk $0xffff, v40;
	v29 =	vld.idx.msk [tilespmem:v57+s11+$0x0], $0xffff  }
0x1e5: {  	v17 =	vor.u32 v15, v17;
	v25 =	vor.u32 v14, v25;
	v22 =	vld.idx.msk [tilespmem:v22+s11+$0x0], $0xffff;
	[tilespmem:v58+s14+$0x0] =	vst.idx.msk $0xffff, v31  }
0x1e6: {  	v18 =	vor.u32 v15, v18;
	v16 =	vld.idx.msk [tilespmem:v16+s11+$0x0], $0xffff;
	[tilespmem:v59+s14+$0x0] =	vst.idx.msk $0xffff, v28  }
0x1e7: {  	v20 =	vor.u32 v15, v20;
	v19 =	vld.idx.msk [tilespmem:v19+s11+$0x0], $0xffff;
	[tilespmem:v60+s14+$0x0] =	vst.idx.msk $0xffff, v30  }
0x1e8: {  	v24 =	vor.u32 v15, v24;
	v21 =	vld.idx.msk [tilespmem:v21+s11+$0x0], $0xffff;
	[tilespmem:v61+s14+$0x0] =	vst.idx.msk $0xffff, v32  }
0x1e9: {  	v26 =	vor.u32 v15, v26;
	v23 =	vld.idx.msk [tilespmem:v23+s11+$0x0], $0xffff;
	[tilespmem:v62+s14+$0x0] =	vst.idx.msk $0xffff, v29  }
0x1ea: {  	v63 =	vor.u32 v15, v27;
	[tilespmem:v17+s14+$0x0] =	vst.idx.msk $0xffff, v22;
	v17 =	vld.idx.msk [tilespmem:v25+s11+$0x0], $0xffff  }
0x1eb: {  	p1 =	sne.s32 s22, $0x18;
	[tilespmem:v18+s14+$0x0] =	vst.idx.msk $0xffff, v16  }
.Ltmp1:
0x1ec: {  	s24 =	sshll.u32 s22, $0x13;
	[tilespmem:v20+s14+$0x0] =	vst.idx.msk $0xffff, v19;
	(pc) =	sbr.rel @p1 .LBB2_6-.Ltmp1, $4  }
0x1ed: {  	s24 =	sor.u32 s6, s24;
	[tilespmem:v24+s14+$0x0] =	vst.idx.msk $0xffff, v21  }
0x1ee: {  	s24 =	sshrl.u32 s24, $0x3;
	[tilespmem:v26+s14+$0x0] =	vst.idx.msk $0xffff, v23  }
0x1ef: {  	s24 =	sadd.s32 s2, s24;
	[tilespmem:v63+s14+$0x0] =	vst.idx.msk $0xffff, v17  }
0x1f0: {  	[hbm4b:s24+s15] =	stream.strided.scatter [tilespmem:s14], [sflag:$0x3], $0x2000, s16, s15, $0x38;
	[tilespmem:$0x9900] =	vst v63  }
.Ltmp2:
0x1f1: {  	(pc) =	sbr.rel .LBB2_7-.Ltmp2, $4  }
0x1f2: {  	_ = 	snop  }
0x1f3: {  	_ =	swait.ge [sflag:s17], $0x2000  }
0x1f4: {  	[sflag:s17] =	ssyncset.done $0x0  }
0x1f5: {  	[sflag:s17] =	ssyncadd.s32 $0xFFFFE000  }
.LBB2_6:
0x1f6: {  	s24 =	sshll.u32 s22, $0x8  }
0x1f7: {  	s24 =	sand.u32 $0x3FFFFF00, s24  }
.Ltmp3:
0x1f8: {  	s24 =	sadd.s32 $0x100, s24;
	(pc) =	sbr.rel @p0 .LBB2_8-.Ltmp3, $4  }
0x1f9: {  	[tilespmem:s11], [sflag:$0x1] =	stream.indirect.gather [hbm4b:s4+s8], $0x40, s24, s8, $0xb8;
	[tilespmem:$0x9900] =	vst v63  }
0x1fa: {  	_ =	swait.ge [sflag:s17], $0x2000  }
0x1fb: {  	[sflag:s17] =	ssyncset.done $0x0  }
0x1fc: {  	[sflag:s17] =	ssyncadd.s32 $0xFFFFE000  }
.LBB2_7:
0x1fd: {  	_ =	swait.ge [sflag:s18], $0x2000  }
0x1fe: {  	[sflag:s18] =	ssyncset.done $0x0  }
0x1ff: {  	[sflag:s18] =	ssyncadd.s32 $0xFFFFE000  }
.LBB2_8:
0x200: {  	s24 =	simm.s32 $0x0  }
0x201: {  	v26 =	vadd.s32 s24, v0  }
0x202: {  	s25 =	simm.s32 $0x1;
	v18 =	vand.u32 $0xF, v26  }
0x203: {  	v25 =	vadd.s32 s25, v0;
	v16 =	vor.u32 v1, v18  }
0x204: {  	v17 =	vand.u32 $0xF, v25  }
0x205: {  	v19 =	vor.u32 v1, v17  }
0x206: {  	v20 =	vshll.u32 v26, $0x7  }
0x207: {  	v21 =	vand.u32 $0x780, v20  }
0x208: {  	v22 =	vshll.u32 v25, $0x7;
	v23 =	vor.u32 v0, v21;
	v16 =	vld.idx.msk [tilespmem:v16+s12+$0x0], $0xffff  }
0x209: {  	v24 =	vand.u32 $0x780, v22;
	v27 =	vor.u32 v2, v18  }
0x20a: {  	v28 =	vor.u32 v0, v24;
	v19 =	vld.idx.msk [tilespmem:v19+s12+$0x0], $0xffff  }
0x20b: {  	v29 =	vor.u32 v2, v17;
	_ =	sdelay $0x1  }
0x20c: {  	[tilespmem:v23+s19+$0x0] =	vst.idx.msk $0xffff, v16  }
0x20d: {  	v23 =	vor.u32 v3, v21;
	v16 =	vld.idx.msk [tilespmem:v27+s12+$0x0], $0xffff  }
0x20e: {  	[tilespmem:v28+s19+$0x0] =	vst.idx.msk $0xffff, v19;
	v19 =	vor.u32 v4, v18  }
0x20f: {  	v28 =	vor.u32 v3, v24;
	v27 =	vld.idx.msk [tilespmem:v29+s12+$0x0], $0xffff  }
0x210: {  	v29 =	vor.u32 v4, v17;
	_ =	sdelay $0x1  }
0x211: {  	[tilespmem:v23+s19+$0x0] =	vst.idx.msk $0xffff, v16  }
0x212: {  	v16 =	vld.idx.msk [tilespmem:v19+s12+$0x0], $0xffff;
	v19 =	vor.u32 v5, v21  }
0x213: {  	[tilespmem:v28+s19+$0x0] =	vst.idx.msk $0xffff, v27;
	v23 =	vor.u32 v6, v18  }
0x214: {  	v28 =	vor.u32 v5, v24;
	v27 =	vld.idx.msk [tilespmem:v29+s12+$0x0], $0xffff  }
0x215: {  	v29 =	vor.u32 v6, v17;
	_ =	sdelay $0x1  }
0x216: {  	[tilespmem:v19+s19+$0x0] =	vst.idx.msk $0xffff, v16  }
0x217: {  	v16 =	vor.u32 v7, v21;
	v19 =	vld.idx.msk [tilespmem:v23+s12+$0x0], $0xffff  }
0x218: {  	[tilespmem:v28+s19+$0x0] =	vst.idx.msk $0xffff, v27;
	v23 =	vor.u32 v8, v18  }
0x219: {  	v28 =	vor.u32 v7, v24;
	v27 =	vld.idx.msk [tilespmem:v29+s12+$0x0], $0xffff  }
0x21a: {  	v29 =	vor.u32 v8, v17;
	_ =	sdelay $0x1  }
0x21b: {  	[tilespmem:v16+s19+$0x0] =	vst.idx.msk $0xffff, v19  }
0x21c: {  	v19 =	vor.u32 v9, v21;
	v16 =	vld.idx.msk [tilespmem:v23+s12+$0x0], $0xffff  }
0x21d: {  	[tilespmem:v28+s19+$0x0] =	vst.idx.msk $0xffff, v27;
	v23 =	vor.u32 v10, v18  }
0x21e: {  	v28 =	vor.u32 v9, v24;
	v27 =	vld.idx.msk [tilespmem:v29+s12+$0x0], $0xffff  }
0x21f: {  	v29 =	vor.u32 v10, v17;
	_ =	sdelay $0x1  }
0x220: {  	[tilespmem:v19+s19+$0x0] =	vst.idx.msk $0xffff, v16  }
0x221: {  	v19 =	vor.u32 v11, v21;
	v16 =	vld.idx.msk [tilespmem:v23+s12+$0x0], $0xffff  }
0x222: {  	[tilespmem:v28+s19+$0x0] =	vst.idx.msk $0xffff, v27;
	v23 =	vor.u32 v12, v18  }
0x223: {  	v28 =	vor.u32 v11, v24;
	v27 =	vld.idx.msk [tilespmem:v29+s12+$0x0], $0xffff  }
0x224: {  	v29 =	vor.u32 v12, v17;
	_ =	sdelay $0x1  }
0x225: {  	[tilespmem:v19+s19+$0x0] =	vst.idx.msk $0xffff, v16  }
0x226: {  	v19 =	vor.u32 v13, v21;
	v16 =	vld.idx.msk [tilespmem:v23+s12+$0x0], $0xffff  }
0x227: {  	[tilespmem:v28+s19+$0x0] =	vst.idx.msk $0xffff, v27;
	v23 =	vor.u32 v14, v18  }
0x228: {  	v28 =	vor.u32 v13, v24;
	v27 =	vld.idx.msk [tilespmem:v29+s12+$0x0], $0xffff  }
0x229: {  	v29 =	vor.u32 v14, v17;
	_ =	sdelay $0x1  }
0x22a: {  	v30 =	vor.u32 $0x10, v26;
	[tilespmem:v19+s19+$0x0] =	vst.idx.msk $0xffff, v16  }
0x22b: {  	v31 =	vand.u32 $0x1F, v30;
	v19 =	vor.u32 v15, v21;
	v16 =	vld.idx.msk [tilespmem:v23+s12+$0x0], $0xffff  }
0x22c: {  	[tilespmem:v28+s19+$0x0] =	vst.idx.msk $0xffff, v27;
	v21 =	vor.u32 $0x10, v25;
	v23 =	vor.u32 v1, v31  }
0x22d: {  	v24 =	vor.u32 v15, v24;
	v27 =	vld.idx.msk [tilespmem:v29+s12+$0x0], $0xffff;
	v32 =	vand.u32 $0x1F, v21  }
0x22e: {  	v28 =	vshll.u32 v30, $0x7;
	v33 =	vor.u32 v1, v32  }
0x22f: {  	v29 =	vand.u32 $0x380, v20;
	v20 =	vand.u32 $0xC00, v28  }
0x230: {  	v21 =	vshll.u32 v21, $0x7;
	v34 =	vor.u32 v29, v20;
	[tilespmem:v19+s19+$0x0] =	vst.idx.msk $0xffff, v16  }
0x231: {  	v28 =	vand.u32 $0x380, v22;
	v16 =	vand.u32 $0xC00, v21;
	v19 =	vor.u32 v0, v34;
	v20 =	vld.idx.msk [tilespmem:v23+s12+$0x0], $0xffff  }
0x232: {  	[tilespmem:v24+s19+$0x0] =	vst.idx.msk $0xffff, v27;
	v24 =	vor.u32 v28, v16;
	v16 =	vor.u32 v2, v31  }
0x233: {  	v21 =	vld.idx.msk [tilespmem:v33+s12+$0x0], $0xffff;
	v22 =	vor.u32 v0, v24  }
0x234: {  	v23 =	vor.u32 v2, v32;
	_ =	sdelay $0x1  }
0x235: {  	[tilespmem:v19+s19+$0x0] =	vst.idx.msk $0xffff, v20  }
0x236: {  	v51 =	vor.u32 v3, v34;
	v20 =	vld.idx.msk [tilespmem:v16+s12+$0x0], $0xffff  }
0x237: {  	s26 =	simm.s32 $0x2;
	[tilespmem:v22+s19+$0x0] =	vst.idx.msk $0xffff, v21;
	v21 =	vor.u32 v4, v31  }
0x238: {  	s28 =	simm.s32 $0x3;
	v35 =	vor.u32 v3, v24;
	v22 =	vadd.s32 s26, v0;
	v23 =	vld.idx.msk [tilespmem:v23+s12+$0x0], $0xffff  }
0x239: {  	v36 =	vor.u32 v4, v32;
	v16 =	vadd.s32 s28, v0;
	v30 =	vand.u32 $0xF, v22  }
0x23a: {  	v27 =	vand.u32 $0xF, v16;
	v37 =	vor.u32 v1, v30  }
0x23b: {  	v52 =	vor.u32 v1, v27;
	[tilespmem:v51+s19+$0x0] =	vst.idx.msk $0xffff, v20  }
0x23c: {  	v39 =	vor.u32 v5, v34;
	v38 =	vld.idx.msk [tilespmem:v21+s12+$0x0], $0xffff  }
0x23d: {  	v53 =	vor.u32 v6, v31;
	v19 =	vshll.u32 v22, $0x7;
	[tilespmem:v35+s19+$0x0] =	vst.idx.msk $0xffff, v23  }
0x23e: {  	v40 =	vor.u32 v5, v24;
	v20 =	vshll.u32 v16, $0x7;
	v21 =	vand.u32 $0x780, v19;
	v36 =	vld.idx.msk [tilespmem:v36+s12+$0x0], $0xffff  }
0x23f: {  	v42 =	vor.u32 v6, v32;
	v23 =	vand.u32 $0x780, v20;
	v37 =	vld.idx.msk [tilespmem:v37+s12+$0x0], $0xffff;
	v41 =	vor.u32 v0, v21  }
0x240: {  	v43 =	vor.u32 v2, v30;
	v33 =	vld.idx.msk [tilespmem:v52+s12+$0x0], $0xffff;
	v44 =	vor.u32 v0, v23  }
0x241: {  	v54 =	vor.u32 v2, v27;
	[tilespmem:v39+s19+$0x0] =	vst.idx.msk $0xffff, v38  }
0x242: {  	v55 =	vor.u32 v7, v34;
	v35 =	vld.idx.msk [tilespmem:v53+s12+$0x0], $0xffff  }
0x243: {  	v56 =	vor.u32 v8, v31;
	[tilespmem:v40+s19+$0x0] =	vst.idx.msk $0xffff, v36  }
0x244: {  	v58 =	vor.u32 v7, v24;
	[tilespmem:v41+s19+$0x0] =	vst.idx.msk $0xffff, v37;
	v57 =	vld.idx.msk [tilespmem:v42+s12+$0x0], $0xffff  }
0x245: {  	v60 =	vor.u32 v8, v32;
	v59 =	vor.u32 v3, v21;
	[tilespmem:v44+s19+$0x0] =	vst.idx.msk $0xffff, v33;
	v41 =	vld.idx.msk [tilespmem:v43+s12+$0x0], $0xffff  }
0x246: {  	v45 =	vor.u32 v4, v30;
	v61 =	vor.u32 v3, v23;
	v33 =	vld.idx.msk [tilespmem:v54+s12+$0x0], $0xffff  }
0x247: {  	v62 =	vor.u32 v4, v27;
	[tilespmem:v55+s19+$0x0] =	vst.idx.msk $0xffff, v35  }
0x248: {  	v63 =	vor.u32 v9, v34;
	v36 =	vld.idx.msk [tilespmem:v56+s12+$0x0], $0xffff  }
0x249: {  	v48 =	vor.u32 v10, v31;
	[tilespmem:v58+s19+$0x0] =	vst.idx.msk $0xffff, v57  }
0x24a: {  	v49 =	vor.u32 v9, v24;
	[tilespmem:v59+s19+$0x0] =	vst.idx.msk $0xffff, v41;
	v40 =	vld.idx.msk [tilespmem:v60+s12+$0x0], $0xffff  }
0x24b: {  	v51 =	vor.u32 v10, v32;
	v50 =	vor.u32 v5, v21;
	[tilespmem:v61+s19+$0x0] =	vst.idx.msk $0xffff, v33;
	v42 =	vld.idx.msk [tilespmem:v45+s12+$0x0], $0xffff  }
0x24c: {  	v52 =	vor.u32 v6, v30;
	v53 =	vor.u32 v5, v23;
	v33 =	vld.idx.msk [tilespmem:v62+s12+$0x0], $0xffff  }
0x24d: {  	v54 =	vor.u32 v6, v27;
	[tilespmem:v63+s19+$0x0] =	vst.idx.msk $0xffff, v36  }
0x24e: {  	v55 =	vor.u32 v11, v34;
	v37 =	vld.idx.msk [tilespmem:v48+s12+$0x0], $0xffff  }
0x24f: {  	v56 =	vor.u32 v12, v31;
	[tilespmem:v49+s19+$0x0] =	vst.idx.msk $0xffff, v40  }
0x250: {  	v57 =	vor.u32 v11, v24;
	[tilespmem:v50+s19+$0x0] =	vst.idx.msk $0xffff, v42;
	v40 =	vld.idx.msk [tilespmem:v51+s12+$0x0], $0xffff  }
0x251: {  	v58 =	vor.u32 v7, v21;
	v59 =	vor.u32 v12, v32;
	[tilespmem:v53+s19+$0x0] =	vst.idx.msk $0xffff, v33;
	v43 =	vld.idx.msk [tilespmem:v52+s12+$0x0], $0xffff  }
0x252: {  	v61 =	vor.u32 v7, v23;
	v60 =	vor.u32 v8, v30;
	v33 =	vld.idx.msk [tilespmem:v54+s12+$0x0], $0xffff  }
0x253: {  	v62 =	vor.u32 v8, v27;
	[tilespmem:v55+s19+$0x0] =	vst.idx.msk $0xffff, v37  }
0x254: {  	v63 =	vor.u32 v13, v34;
	v37 =	vld.idx.msk [tilespmem:v56+s12+$0x0], $0xffff  }
0x255: {  	v31 =	vor.u32 v14, v31;
	[tilespmem:v57+s19+$0x0] =	vst.idx.msk $0xffff, v40  }
0x256: {  	v18 =	vor.u32 $0x20, v18;
	v49 =	vor.u32 v13, v24;
	[tilespmem:v58+s19+$0x0] =	vst.idx.msk $0xffff, v43;
	v48 =	vld.idx.msk [tilespmem:v59+s12+$0x0], $0xffff  }
0x257: {  	v32 =	vor.u32 v14, v32;
	v50 =	vor.u32 v9, v21;
	[tilespmem:v61+s19+$0x0] =	vst.idx.msk $0xffff, v33;
	v42 =	vld.idx.msk [tilespmem:v60+s12+$0x0], $0xffff  }
0x258: {  	v17 =	vor.u32 $0x20, v17;
	v53 =	vor.u32 v9, v23;
	v51 =	vor.u32 v10, v30;
	v35 =	vld.idx.msk [tilespmem:v62+s12+$0x0], $0xffff  }
0x259: {  	v52 =	vand.u32 $0x7, v26;
	v54 =	vand.u32 $0x28, v18;
	v55 =	vor.u32 v10, v27;
	[tilespmem:v63+s19+$0x0] =	vst.idx.msk $0xffff, v37  }
0x25a: {  	v24 =	vor.u32 v15, v24;
	v40 =	vor.u32 v52, v54;
	v56 =	vor.u32 v15, v34;
	v31 =	vld.idx.msk [tilespmem:v31+s12+$0x0], $0xffff  }
0x25b: {  	v57 =	vand.u32 $0x7, v25;
	v58 =	vand.u32 $0x28, v17;
	v59 =	vor.u32 v1, v40;
	[tilespmem:v49+s19+$0x0] =	vst.idx.msk $0xffff, v48  }
0x25c: {  	v18 =	vshll.u32 v18, $0x7;
	v43 =	vor.u32 v57, v58;
	[tilespmem:v50+s19+$0x0] =	vst.idx.msk $0xffff, v42;
	v32 =	vld.idx.msk [tilespmem:v32+s12+$0x0], $0xffff  }
0x25d: {  	v61 =	vor.u32 v11, v21;
	v62 =	vor.u32 v1, v43;
	[tilespmem:v53+s19+$0x0] =	vst.idx.msk $0xffff, v35;
	v60 =	vld.idx.msk [tilespmem:v51+s12+$0x0], $0xffff  }
0x25e: {  	v47 =	vor.u32 v11, v23;
	v18 =	vand.u32 $0x1400, v18;
	v63 =	vor.u32 v12, v30;
	v35 =	vld.idx.msk [tilespmem:v55+s12+$0x0], $0xffff  }
0x25f: {  	v17 =	vshll.u32 v17, $0x7;
	v42 =	vor.u32 v29, v18;
	v18 =	vor.u32 v12, v27;
	[tilespmem:v56+s19+$0x0] =	vst.idx.msk $0xffff, v31  }
0x260: {  	v17 =	vand.u32 $0x1400, v17;
	v48 =	vor.u32 v0, v42;
	v33 =	vld.idx.msk [tilespmem:v59+s12+$0x0], $0xffff  }
0x261: {  	v31 =	vor.u32 v28, v17;
	v17 =	vor.u32 v2, v40;
	[tilespmem:v24+s19+$0x0] =	vst.idx.msk $0xffff, v32  }
0x262: {  	[tilespmem:v61+s19+$0x0] =	vst.idx.msk $0xffff, v60;
	v49 =	vor.u32 v0, v31;
	v24 =	vld.idx.msk [tilespmem:v62+s12+$0x0], $0xffff  }
0x263: {  	v50 =	vor.u32 v13, v21;
	v51 =	vor.u32 v2, v43;
	[tilespmem:v47+s19+$0x0] =	vst.idx.msk $0xffff, v35;
	v34 =	vld.idx.msk [tilespmem:v63+s12+$0x0], $0xffff  }
0x264: {  	v52 =	vor.u32 v14, v30;
	v53 =	vor.u32 v13, v23;
	v18 =	vld.idx.msk [tilespmem:v18+s12+$0x0], $0xffff  }
0x265: {  	v54 =	vor.u32 v14, v27;
	[tilespmem:v48+s19+$0x0] =	vst.idx.msk $0xffff, v33  }
0x266: {  	v21 =	vor.u32 v15, v21;
	v57 =	vor.u32 v3, v42;
	v56 =	vld.idx.msk [tilespmem:v17+s12+$0x0], $0xffff  }
0x267: {  	v23 =	vor.u32 v15, v23;
	[tilespmem:v49+s19+$0x0] =	vst.idx.msk $0xffff, v24;
	v24 =	vor.u32 v4, v40  }
0x268: {  	v55 =	vor.u32 $0x10, v22;
	v59 =	vor.u32 v3, v31;
	[tilespmem:v50+s19+$0x0] =	vst.idx.msk $0xffff, v34;
	v32 =	vld.idx.msk [tilespmem:v51+s12+$0x0], $0xffff  }
0x269: {  	v35 =	vand.u32 $0x1F, v55;
	v60 =	vor.u32 $0x10, v16;
	[tilespmem:v53+s19+$0x0] =	vst.idx.msk $0xffff, v18;
	v18 =	vor.u32 v4, v43;
	v34 =	vld.idx.msk [tilespmem:v52+s12+$0x0], $0xffff  }
0x26a: {  	v38 =	vshll.u32 v55, $0x7;
	v58 =	vor.u32 v1, v35;
	v39 =	vand.u32 $0x1F, v60;
	v46 =	vld.idx.msk [tilespmem:v54+s12+$0x0], $0xffff  }
0x26b: {  	v61 =	vor.u32 v1, v39;
	v17 =	vand.u32 $0x380, v19;
	v19 =	vand.u32 $0xC00, v38;
	[tilespmem:v57+s19+$0x0] =	vst.idx.msk $0xffff, v56  }
0x26c: {  	v33 =	vor.u32 v17, v19;
	v19 =	vld.idx.msk [tilespmem:v24+s12+$0x0], $0xffff;
	v24 =	vor.u32 v5, v42  }
0x26d: {  	v63 =	vor.u32 v6, v40;
	v36 =	vshll.u32 v60, $0x7;
	v48 =	vor.u32 v5, v31;
	[tilespmem:v59+s19+$0x0] =	vst.idx.msk $0xffff, v32  }
0x26e: {  	v50 =	vor.u32 v6, v43;
	[tilespmem:v21+s19+$0x0] =	vst.idx.msk $0xffff, v34;
	v21 =	vld.idx.msk [tilespmem:v18+s12+$0x0], $0xffff;
	v18 =	vand.u32 $0x380, v20;
	v20 =	vand.u32 $0xC00, v36  }
0x26f: {  	v62 =	vor.u32 v0, v33;
	[tilespmem:v23+s19+$0x0] =	vst.idx.msk $0xffff, v46;
	v49 =	vld.idx.msk [tilespmem:v58+s12+$0x0], $0xffff;
	v38 =	vor.u32 v18, v20  }
0x270: {  	v44 =	vld.idx.msk [tilespmem:v61+s12+$0x0], $0xffff;
	v20 =	vor.u32 v2, v35;
	v51 =	vor.u32 v0, v38  }
0x271: {  	s29 =	simm.s32 $0x4;
	[tilespmem:v24+s19+$0x0] =	vst.idx.msk $0xffff, v19;
	v24 =	vor.u32 v2, v39  }
0x272: {  	v52 =	vor.u32 v7, v42;
	v19 =	vadd.s32 s29, v0;
	v41 =	vld.idx.msk [tilespmem:v63+s12+$0x0], $0xffff  }
0x273: {  	v23 =	vand.u32 $0xF, v19;
	[tilespmem:v48+s19+$0x0] =	vst.idx.msk $0xffff, v21;
	v21 =	vor.u32 v8, v40  }
0x274: {  	v55 =	vor.u32 v7, v31;
	[tilespmem:v62+s19+$0x0] =	vst.idx.msk $0xffff, v49;
	v53 =	vor.u32 v1, v23;
	v54 =	vld.idx.msk [tilespmem:v50+s12+$0x0], $0xffff  }
0x275: {  	v47 =	vor.u32 v3, v33;
	v56 =	vor.u32 v8, v43;
	v20 =	vld.idx.msk [tilespmem:v20+s12+$0x0], $0xffff;
	[tilespmem:v51+s19+$0x0] =	vst.idx.msk $0xffff, v44  }
0x276: {  	v57 =	vor.u32 v4, v35;
	v49 =	vor.u32 v3, v38;
	v48 =	vld.idx.msk [tilespmem:v24+s12+$0x0], $0xffff  }
0x277: {  	s30 =	simm.s32 $0x5;
	v59 =	vor.u32 v10, v40;
	v58 =	vor.u32 v4, v39;
	v32 =	vshll.u32 v19, $0x7;
	[tilespmem:v52+s19+$0x0] =	vst.idx.msk $0xffff, v41  }
0x278: {  	v50 =	vor.u32 v9, v42;
	v36 =	vand.u32 $0x780, v32;
	v46 =	vld.idx.msk [tilespmem:v21+s12+$0x0], $0xffff;
	v21 =	vadd.s32 s30, v0  }
0x279: {  	v51 =	vld.idx.msk [tilespmem:v53+s12+$0x0], $0xffff;
	[tilespmem:v55+s19+$0x0] =	vst.idx.msk $0xffff, v54;
	v54 =	vor.u32 v0, v36;
	v24 =	vand.u32 $0xF, v21  }
0x27a: {  	v61 =	vor.u32 v9, v31;
	[tilespmem:v47+s19+$0x0] =	vst.idx.msk $0xffff, v20;
	v20 =	vld.idx.msk [tilespmem:v56+s12+$0x0], $0xffff;
	v60 =	vor.u32 v1, v24  }
0x27b: {  	v62 =	vor.u32 v10, v43;
	v52 =	vor.u32 v5, v33;
	v45 =	vld.idx.msk [tilespmem:v57+s12+$0x0], $0xffff;
	[tilespmem:v49+s19+$0x0] =	vst.idx.msk $0xffff, v48  }
0x27c: {  	v63 =	vor.u32 v6, v35;
	v53 =	vor.u32 v5, v38;
	v56 =	vor.u32 v11, v42;
	v41 =	vld.idx.msk [tilespmem:v58+s12+$0x0], $0xffff  }
0x27d: {  	v34 =	vshll.u32 v21, $0x7;
	v57 =	vor.u32 v12, v40;
	[tilespmem:v50+s19+$0x0] =	vst.idx.msk $0xffff, v46;
	v46 =	vor.u32 v6, v39  }
0x27e: {  	v26 =	vor.u32 $0x30, v26;
	v37 =	vand.u32 $0x780, v34;
	v50 =	vor.u32 v2, v23;
	[tilespmem:v54+s19+$0x0] =	vst.idx.msk $0xffff, v51;
	v55 =	vld.idx.msk [tilespmem:v59+s12+$0x0], $0xffff  }
0x27f: {  	v40 =	vor.u32 v14, v40;
	[tilespmem:v61+s19+$0x0] =	vst.idx.msk $0xffff, v20;
	v44 =	vld.idx.msk [tilespmem:v60+s12+$0x0], $0xffff;
	v60 =	vor.u32 v0, v37  }
0x280: {  	[tilespmem:v52+s19+$0x0] =	vst.idx.msk $0xffff, v45;
	v61 =	vor.u32 v2, v24;
	v45 =	vld.idx.msk [tilespmem:v62+s12+$0x0], $0xffff;
	v62 =	vor.u32 v11, v31  }
0x281: {  	v58 =	vor.u32 v7, v33;
	v54 =	vor.u32 v3, v36;
	v49 =	vld.idx.msk [tilespmem:v63+s12+$0x0], $0xffff;
	[tilespmem:v53+s19+$0x0] =	vst.idx.msk $0xffff, v41  }
0x282: {  	v52 =	vor.u32 v8, v23;
	v63 =	vor.u32 v8, v35;
	v53 =	vor.u32 v7, v38;
	v46 =	vld.idx.msk [tilespmem:v46+s12+$0x0], $0xffff  }
0x283: {  	v59 =	vor.u32 v9, v33;
	v41 =	vor.u32 v12, v43;
	v50 =	vld.idx.msk [tilespmem:v50+s12+$0x0], $0xffff;
	[tilespmem:v56+s19+$0x0] =	vst.idx.msk $0xffff, v55  }
0x284: {  	v43 =	vor.u32 v14, v43;
	[tilespmem:v60+s19+$0x0] =	vst.idx.msk $0xffff, v44;
	v44 =	vor.u32 v8, v39;
	v47 =	vld.idx.msk [tilespmem:v57+s12+$0x0], $0xffff  }
0x285: {  	v60 =	vor.u32 v4, v23;
	[tilespmem:v62+s19+$0x0] =	vst.idx.msk $0xffff, v45;
	v48 =	vld.idx.msk [tilespmem:v61+s12+$0x0], $0xffff;
	v61 =	vor.u32 v13, v42  }
0x286: {  	v25 =	vor.u32 $0x30, v25;
	v62 =	vor.u32 v3, v37;
	[tilespmem:v58+s19+$0x0] =	vst.idx.msk $0xffff, v49;
	v57 =	vor.u32 v4, v24  }
0x287: {  	v58 =	vor.u32 v11, v33;
	v51 =	vld.idx.msk [tilespmem:v63+s12+$0x0], $0xffff;
	v63 =	vor.u32 v13, v31;
	[tilespmem:v53+s19+$0x0] =	vst.idx.msk $0xffff, v46  }
0x288: {  	v42 =	vor.u32 v15, v42;
	v49 =	vld.idx.msk [tilespmem:v41+s12+$0x0], $0xffff;
	v41 =	vand.u32 $0x3F, v26;
	v26 =	vshll.u32 v26, $0x7;
	[tilespmem:v54+s19+$0x0] =	vst.idx.msk $0xffff, v50  }
0x289: {  	v46 =	vor.u32 v6, v23;
	v50 =	vor.u32 v10, v35;
	v56 =	vor.u32 v1, v41;
	v44 =	vld.idx.msk [tilespmem:v44+s12+$0x0], $0xffff  }
0x28a: {  	v55 =	vor.u32 v10, v41;
	v53 =	vld.idx.msk [tilespmem:v60+s12+$0x0], $0xffff;
	v60 =	vor.u32 v9, v38;
	[tilespmem:v61+s19+$0x0] =	vst.idx.msk $0xffff, v47  }
0x28b: {  	v26 =	vand.u32 $0x1C00, v26;
	v61 =	vor.u32 v5, v36;
	[tilespmem:v62+s19+$0x0] =	vst.idx.msk $0xffff, v48;
	v62 =	vor.u32 v10, v39  }
0x28c: {  	v30 =	vor.u32 $0x20, v30;
	v29 =	vor.u32 v29, v26;
	v26 =	vand.u32 $0x7, v22;
	[tilespmem:v59+s19+$0x0] =	vst.idx.msk $0xffff, v51;
	v40 =	vld.idx.msk [tilespmem:v40+s12+$0x0], $0xffff  }
0x28d: {  	v47 =	vor.u32 v2, v41;
	v48 =	vld.idx.msk [tilespmem:v57+s12+$0x0], $0xffff;
	[tilespmem:v63+s19+$0x0] =	vst.idx.msk $0xffff, v49;
	v63 =	vor.u32 v5, v37  }
0x28e: {  	v51 =	vor.u32 v6, v24;
	v59 =	vand.u32 $0x28, v30;
	v57 =	vor.u32 v15, v31;
	v43 =	vld.idx.msk [tilespmem:v43+s12+$0x0], $0xffff  }
0x28f: {  	s31 =	simm.s32 $0x6;
	v31 =	vand.u32 $0x3F, v25;
	v25 =	vshll.u32 v25, $0x7;
	v26 =	vor.u32 v26, v59;
	v50 =	vld.idx.msk [tilespmem:v50+s12+$0x0], $0xffff;
	[tilespmem:v60+s19+$0x0] =	vst.idx.msk $0xffff, v44  }
0x290: {  	v20 =	vadd.s32 s31, v0;
	v25 =	vand.u32 $0x1C00, v25;
	v60 =	vor.u32 v1, v31;
	[tilespmem:v61+s19+$0x0] =	vst.idx.msk $0xffff, v53;
	v45 =	vld.idx.msk [tilespmem:v62+s12+$0x0], $0xffff  }
0x291: {  	v61 =	vor.u32 v12, v35;
	v62 =	vor.u32 v11, v38;
	v46 =	vld.idx.msk [tilespmem:v46+s12+$0x0], $0xffff;
	[tilespmem:v42+s19+$0x0] =	vst.idx.msk $0xffff, v40  }
0x292: {  	v53 =	vor.u32 v7, v36;
	[tilespmem:v63+s19+$0x0] =	vst.idx.msk $0xffff, v48;
	v63 =	vor.u32 v12, v39;
	v42 =	vld.idx.msk [tilespmem:v56+s12+$0x0], $0xffff  }
0x293: {  	v59 =	vor.u32 v11, v36;
	v25 =	vor.u32 v28, v25;
	v49 =	vld.idx.msk [tilespmem:v51+s12+$0x0], $0xffff;
	v51 =	vor.u32 v0, v29  }
0x294: {  	v30 =	vshll.u32 v30, $0x7;
	v28 =	vor.u32 v8, v24;
	[tilespmem:v57+s19+$0x0] =	vst.idx.msk $0xffff, v43;
	v43 =	vor.u32 v7, v37  }
0x295: {  	v35 =	vor.u32 v14, v35;
	[tilespmem:v58+s19+$0x0] =	vst.idx.msk $0xffff, v50;
	v44 =	vld.idx.msk [tilespmem:v60+s12+$0x0], $0xffff;
	v60 =	vor.u32 v0, v25  }
0x296: {  	v54 =	vld.idx.msk [tilespmem:v61+s12+$0x0], $0xffff;
	v61 =	vor.u32 v13, v33;
	[tilespmem:v62+s19+$0x0] =	vst.idx.msk $0xffff, v45;
	v62 =	vor.u32 v2, v31  }
0x297: {  	v39 =	vor.u32 v14, v39;
	[tilespmem:v53+s19+$0x0] =	vst.idx.msk $0xffff, v46;
	v40 =	vld.idx.msk [tilespmem:v63+s12+$0x0], $0xffff;
	v63 =	vor.u32 v13, v38  }
0x298: {  	v56 =	vor.u32 v15, v33;
	v52 =	vld.idx.msk [tilespmem:v52+s12+$0x0], $0xffff;
	[tilespmem:v51+s19+$0x0] =	vst.idx.msk $0xffff, v42;
	v51 =	vor.u32 v9, v36  }
0x299: {  	v46 =	vor.u32 v10, v23;
	[tilespmem:v43+s19+$0x0] =	vst.idx.msk $0xffff, v49;
	v43 =	vld.idx.msk [tilespmem:v47+s12+$0x0], $0xffff;
	v47 =	vor.u32 v3, v29  }
0x29a: {  	v49 =	vor.u32 v4, v41;
	v28 =	vld.idx.msk [tilespmem:v28+s12+$0x0], $0xffff;
	[tilespmem:v60+s19+$0x0] =	vst.idx.msk $0xffff, v44;
	v44 =	vor.u32 v9, v37  }
0x29b: {  	v57 =	vor.u32 v1, v26;
	v60 =	vor.u32 v10, v24;
	[tilespmem:v61+s19+$0x0] =	vst.idx.msk $0xffff, v54;
	v45 =	vld.idx.msk [tilespmem:v62+s12+$0x0], $0xffff  }
0x29c: {  	v30 =	vand.u32 $0x1400, v30;
	v61 =	vor.u32 v3, v25;
	v62 =	vor.u32 $0x20, v27;
	v35 =	vld.idx.msk [tilespmem:v35+s12+$0x0], $0xffff;
	[tilespmem:v63+s19+$0x0] =	vst.idx.msk $0xffff, v40  }
0x29d: {  	v27 =	vand.u32 $0x7, v16;
	v63 =	vor.u32 v4, v31;
	v58 =	vand.u32 $0x28, v62;
	[tilespmem:v51+s19+$0x0] =	vst.idx.msk $0xffff, v52;
	v39 =	vld.idx.msk [tilespmem:v39+s12+$0x0], $0xffff  }
0x29e: {  	v38 =	vor.u32 v15, v38;
	v27 =	vor.u32 v27, v58;
	v46 =	vld.idx.msk [tilespmem:v46+s12+$0x0], $0xffff;
	[tilespmem:v47+s19+$0x0] =	vst.idx.msk $0xffff, v43  }
0x29f: {  	v30 =	vor.u32 v17, v30;
	[tilespmem:v44+s19+$0x0] =	vst.idx.msk $0xffff, v28;
	v28 =	vor.u32 v1, v27;
	v44 =	vld.idx.msk [tilespmem:v49+s12+$0x0], $0xffff  }
0x2a0: {  	v50 =	vor.u32 v12, v23;
	v53 =	vor.u32 v15, v37;
	v47 =	vld.idx.msk [tilespmem:v60+s12+$0x0], $0xffff;
	v60 =	vor.u32 v5, v29  }
0x2a1: {  	v42 =	vor.u32 v6, v41;
	v40 =	vshll.u32 v62, $0x7;
	[tilespmem:v61+s19+$0x0] =	vst.idx.msk $0xffff, v45;
	v61 =	vor.u32 v11, v37  }
0x2a2: {  	v62 =	vor.u32 v5, v25;
	v52 =	vor.u32 v12, v24;
	[tilespmem:v56+s19+$0x0] =	vst.idx.msk $0xffff, v35;
	v35 =	vld.idx.msk [tilespmem:v63+s12+$0x0], $0xffff  }
0x2a3: {  	v33 =	vand.u32 $0xF, v20;
	v58 =	vor.u32 v6, v31;
	v51 =	vld.idx.msk [tilespmem:v57+s12+$0x0], $0xffff;
	[tilespmem:v38+s19+$0x0] =	vst.idx.msk $0xffff, v39;
	v57 =	vand.u32 $0x1400, v40  }
0x2a4: {  	v63 =	vor.u32 v0, v30;
	[tilespmem:v59+s19+$0x0] =	vst.idx.msk $0xffff, v46;
	v43 =	vld.idx.msk [tilespmem:v28+s12+$0x0], $0xffff;
	v28 =	vor.u32 v18, v57  }
0x2a5: {  	v59 =	vor.u32 v2, v26;
	v38 =	vld.idx.msk [tilespmem:v50+s12+$0x0], $0xffff;
	v50 =	vor.u32 v0, v28;
	[tilespmem:v60+s19+$0x0] =	vst.idx.msk $0xffff, v44  }
0x2a6: {  	v60 =	vor.u32 v13, v36;
	[tilespmem:v61+s19+$0x0] =	vst.idx.msk $0xffff, v47;
	v47 =	vor.u32 v1, v33;
	v42 =	vld.idx.msk [tilespmem:v42+s12+$0x0], $0xffff  }
0x2a7: {  	v54 =	vor.u32 v14, v24;
	v61 =	vor.u32 v2, v27;
	v49 =	vld.idx.msk [tilespmem:v52+s12+$0x0], $0xffff;
	v52 =	vor.u32 v7, v29  }
0x2a8: {  	v48 =	vor.u32 $0x10, v19;
	v46 =	vor.u32 v14, v23;
	[tilespmem:v62+s19+$0x0] =	vst.idx.msk $0xffff, v35;
	v62 =	vor.u32 v13, v37  }
0x2a9: {  	v56 =	vor.u32 v7, v25;
	[tilespmem:v63+s19+$0x0] =	vst.idx.msk $0xffff, v51;
	v63 =	vor.u32 v8, v41;
	v39 =	vld.idx.msk [tilespmem:v58+s12+$0x0], $0xffff  }
0x2aa: {  	v32 =	vand.u32 $0x380, v32;
	v57 =	vor.u32 v3, v30;
	v35 =	vand.u32 $0x1F, v48;
	v40 =	vld.idx.msk [tilespmem:v59+s12+$0x0], $0xffff;
	[tilespmem:v50+s19+$0x0] =	vst.idx.msk $0xffff, v43  }
0x2ab: {  	v44 =	vor.u32 v2, v35;
	v43 =	vor.u32 v8, v31;
	[tilespmem:v60+s19+$0x0] =	vst.idx.msk $0xffff, v38;
	v59 =	vld.idx.msk [tilespmem:v47+s12+$0x0], $0xffff  }
0x2ac: {  	v60 =	vor.u32 v4, v26;
	v45 =	vld.idx.msk [tilespmem:v61+s12+$0x0], $0xffff;
	v61 =	vor.u32 v3, v28;
	[tilespmem:v52+s19+$0x0] =	vst.idx.msk $0xffff, v42  }
0x2ad: {  	v42 =	vld.idx.msk [tilespmem:v46+s12+$0x0], $0xffff;
	v46 =	vor.u32 v15, v36;
	[tilespmem:v62+s19+$0x0] =	vst.idx.msk $0xffff, v49;
	v49 =	vor.u32 v4, v27  }
0x2ae: {  	v50 =	vor.u32 v1, v35;
	v52 =	vor.u32 v9, v29;
	v51 =	vld.idx.msk [tilespmem:v63+s12+$0x0], $0xffff;
	v63 =	vor.u32 $0x10, v21  }
0x2af: {  	v62 =	vshll.u32 v48, $0x7;
	v48 =	vor.u32 v5, v28;
	[tilespmem:v56+s19+$0x0] =	vst.idx.msk $0xffff, v39;
	v39 =	vld.idx.msk [tilespmem:v54+s12+$0x0], $0xffff;
	v37 =	vand.u32 $0x1F, v63  }
0x2b0: {  	v56 =	vor.u32 v9, v25;
	[tilespmem:v57+s19+$0x0] =	vst.idx.msk $0xffff, v40;
	v54 =	vor.u32 v1, v37;
	v43 =	vld.idx.msk [tilespmem:v43+s12+$0x0], $0xffff  }
0x2b1: {  	v36 =	vand.u32 $0xC00, v62;
	v62 =	vor.u32 v6, v26;
	v63 =	vshll.u32 v63, $0x7;
	v57 =	vld.idx.msk [tilespmem:v60+s12+$0x0], $0xffff;
	[tilespmem:v61+s19+$0x0] =	vst.idx.msk $0xffff, v45  }
0x2b2: {  	v60 =	vor.u32 v5, v30;
	v61 =	vor.u32 v10, v31;
	[tilespmem:v46+s19+$0x0] =	vst.idx.msk $0xffff, v42;
	v49 =	vld.idx.msk [tilespmem:v49+s12+$0x0], $0xffff  }
0x2b3: {  	v34 =	vand.u32 $0x380, v34;
	v36 =	vor.u32 v32, v36;
	v38 =	vand.u32 $0xC00, v63;
	v50 =	vld.idx.msk [tilespmem:v50+s12+$0x0], $0xffff;
	[tilespmem:v52+s19+$0x0] =	vst.idx.msk $0xffff, v51  }
0x2b4: {  	v42 =	vor.u32 v0, v36;
	[tilespmem:v53+s19+$0x0] =	vst.idx.msk $0xffff, v39;
	v51 =	vor.u32 v6, v27;
	v53 =	vld.idx.msk [tilespmem:v55+s12+$0x0], $0xffff  }
0x2b5: {  	v58 =	vor.u32 v11, v25;
	v38 =	vor.u32 v34, v38;
	v55 =	vld.idx.msk [tilespmem:v54+s12+$0x0], $0xffff;
	v54 =	vor.u32 v11, v29  }
0x2b6: {  	v40 =	vshll.u32 v20, $0x7;
	[tilespmem:v56+s19+$0x0] =	vst.idx.msk $0xffff, v43;
	v43 =	vor.u32 v0, v38;
	v56 =	vor.u32 v12, v41  }
0x2b7: {  	v39 =	vand.u32 $0x780, v40;
	[tilespmem:v60+s19+$0x0] =	vst.idx.msk $0xffff, v57;
	v57 =	vor.u32 v2, v37;
	v45 =	vld.idx.msk [tilespmem:v61+s12+$0x0], $0xffff  }
0x2b8: {  	v60 =	vor.u32 v7, v30;
	v46 =	vld.idx.msk [tilespmem:v62+s12+$0x0], $0xffff;
	[tilespmem:v48+s19+$0x0] =	vst.idx.msk $0xffff, v49;
	v49 =	vor.u32 v12, v31  }
0x2b9: {  	v61 =	vor.u32 v0, v39;
	v62 =	vor.u32 v8, v26;
	[tilespmem:v42+s19+$0x0] =	vst.idx.msk $0xffff, v50;
	v50 =	vld.idx.msk [tilespmem:v51+s12+$0x0], $0xffff  }
0x2ba: {  	v42 =	vor.u32 v8, v27;
	v52 =	vld.idx.msk [tilespmem:v44+s12+$0x0], $0xffff;
	[tilespmem:v54+s19+$0x0] =	vst.idx.msk $0xffff, v53  }
0x2bb: {  	v48 =	vor.u32 v13, v29;
	v51 =	vor.u32 v7, v28;
	[tilespmem:v43+s19+$0x0] =	vst.idx.msk $0xffff, v55;
	v47 =	vld.idx.msk [tilespmem:v56+s12+$0x0], $0xffff  }
0x2bc: {  	v54 =	vor.u32 v3, v36;
	v55 =	vor.u32 v4, v35;
	v53 =	vld.idx.msk [tilespmem:v57+s12+$0x0], $0xffff;
	[tilespmem:v58+s19+$0x0] =	vst.idx.msk $0xffff, v45  }
0x2bd: {  	v56 =	vor.u32 v3, v38;
	v43 =	vor.u32 v14, v41;
	[tilespmem:v60+s19+$0x0] =	vst.idx.msk $0xffff, v46;
	v44 =	vld.idx.msk [tilespmem:v49+s12+$0x0], $0xffff  }
0x2be: {  	s25 =	simm.s32 $0x7;
	s24 =	simm.s32 $0x8;
	[tilespmem:v61+s19+$0x0] =	vst.idx.msk $0xffff, v59;
	v59 =	vor.u32 v4, v37;
	v46 =	vor.u32 v13, v25;
	v45 =	vld.idx.msk [tilespmem:v62+s12+$0x0], $0xffff  }
.LBB2_9:
0x2bf: {  	v49 =	vadd.s32 s25, v0;
	v57 =	vor.u32 v9, v30;
	v31 =	vor.u32 v14, v31  }
0x2c0: {  	p0 =	slt.u32 s24, $0xE;
	[tilespmem:v51+s19+$0x0] =	vst.idx.msk $0xffff, v50;
	v50 =	vmovc v23;
	v23 =	vmovc v33;
	v33 =	vmov v17;
	v17 =	vmov v32;
	v32 =	vmov v18  }
0x2c1: {  	v51 =	vor.u32 v10, v26;
	v18 =	vmov v34;
	v41 =	vand.u32 $0xF, v49;
	[tilespmem:v54+s19+$0x0] =	vst.idx.msk $0xffff, v52;
	v42 =	vld.idx.msk [tilespmem:v42+s12+$0x0], $0xffff  }
0x2c2: {  	v52 =	vor.u32 v1, v41;
	v54 =	vld.idx.msk [tilespmem:v55+s12+$0x0], $0xffff;
	v55 =	vor.u32 v9, v28;
	[tilespmem:v48+s19+$0x0] =	vst.idx.msk $0xffff, v47  }
0x2c3: {  	v47 =	vor.u32 v5, v36;
	v48 =	vor.u32 v10, v27;
	[tilespmem:v56+s19+$0x0] =	vst.idx.msk $0xffff, v53;
	v43 =	vld.idx.msk [tilespmem:v43+s12+$0x0], $0xffff  }
0x2c4: {  	v29 =	vor.u32 v15, v29;
	v53 =	vor.u32 v6, v35;
	v56 =	vld.idx.msk [tilespmem:v59+s12+$0x0], $0xffff;
	[tilespmem:v46+s19+$0x0] =	vst.idx.msk $0xffff, v44  }
0x2c5: {  	v58 =	vor.u32 v5, v38;
	v46 =	vor.u32 v2, v23;
	[tilespmem:v57+s19+$0x0] =	vst.idx.msk $0xffff, v45;
	v31 =	vld.idx.msk [tilespmem:v31+s12+$0x0], $0xffff  }
0x2c6: {  	v25 =	vor.u32 v15, v25;
	v34 =	vshll.u32 v49, $0x7;
	v45 =	vor.u32 v6, v37;
	v51 =	vld.idx.msk [tilespmem:v51+s12+$0x0], $0xffff  }
0x2c7: {  	v44 =	vand.u32 $0x780, v34;
	v57 =	vor.u32 v11, v30;
	v52 =	vld.idx.msk [tilespmem:v52+s12+$0x0], $0xffff;
	[tilespmem:v55+s19+$0x0] =	vst.idx.msk $0xffff, v42  }
0x2c8: {  	v55 =	vor.u32 v0, v44;
	[tilespmem:v47+s19+$0x0] =	vst.idx.msk $0xffff, v54;
	v47 =	vor.u32 v12, v26;
	v48 =	vld.idx.msk [tilespmem:v48+s12+$0x0], $0xffff  }
0x2c9: {  	v59 =	vor.u32 v11, v28;
	v54 =	vor.u32 v2, v41;
	v53 =	vld.idx.msk [tilespmem:v53+s12+$0x0], $0xffff;
	[tilespmem:v29+s19+$0x0] =	vst.idx.msk $0xffff, v43  }
0x2ca: {  	v29 =	vor.u32 v7, v36;
	v43 =	vor.u32 v12, v27;
	[tilespmem:v58+s19+$0x0] =	vst.idx.msk $0xffff, v56  }
0x2cb: {  	v42 =	vadd.s32 s24, v0;
	v56 =	vor.u32 v8, v35;
	v58 =	vld.idx.msk [tilespmem:v45+s12+$0x0], $0xffff;
	[tilespmem:v25+s19+$0x0] =	vst.idx.msk $0xffff, v31  }
0x2cc: {  	v22 =	vor.u32 $0x30, v22;
	v45 =	vand.u32 $0x7, v19;
	v31 =	vor.u32 v7, v38;
	v25 =	vld.idx.msk [tilespmem:v46+s12+$0x0], $0xffff;
	[tilespmem:v57+s19+$0x0] =	vst.idx.msk $0xffff, v51  }
0x2cd: {  	v46 =	vor.u32 v3, v39;
	v51 =	vor.u32 v8, v37;
	[tilespmem:v55+s19+$0x0] =	vst.idx.msk $0xffff, v52;
	v47 =	vld.idx.msk [tilespmem:v47+s12+$0x0], $0xffff  }
0x2ce: {  	v52 =	vor.u32 v4, v23;
	v55 =	vor.u32 v13, v30;
	v54 =	vld.idx.msk [tilespmem:v54+s12+$0x0], $0xffff;
	[tilespmem:v59+s19+$0x0] =	vst.idx.msk $0xffff, v48  }
0x2cf: {  	v26 =	vor.u32 v14, v26;
	v48 =	vor.u32 v3, v44;
	[tilespmem:v29+s19+$0x0] =	vst.idx.msk $0xffff, v53;
	v29 =	vld.idx.msk [tilespmem:v43+s12+$0x0], $0xffff  }
0x2d0: {  	v57 =	vor.u32 v4, v41;
	v59 =	vor.u32 v13, v28;
	v53 =	vor.u32 v8, v23;
	v56 =	vld.idx.msk [tilespmem:v56+s12+$0x0], $0xffff  }
0x2d1: {  	v60 =	vor.u32 v9, v36;
	v27 =	vor.u32 v14, v27;
	v43 =	vand.u32 $0x3F, v22;
	[tilespmem:v31+s19+$0x0] =	vst.idx.msk $0xffff, v58  }
0x2d2: {  	v31 =	vor.u32 v10, v35;
	[tilespmem:v46+s19+$0x0] =	vst.idx.msk $0xffff, v25;
	v25 =	vor.u32 v6, v23;
	v46 =	vld.idx.msk [tilespmem:v51+s12+$0x0], $0xffff  }
0x2d3: {  	v51 =	vld.idx.msk [tilespmem:v52+s12+$0x0], $0xffff;
	v52 =	vor.u32 v9, v38;
	[tilespmem:v55+s19+$0x0] =	vst.idx.msk $0xffff, v47;
	v47 =	vor.u32 v2, v43  }
0x2d4: {  	v55 =	vor.u32 v5, v39;
	[tilespmem:v48+s19+$0x0] =	vst.idx.msk $0xffff, v54;
	v48 =	vor.u32 v10, v37;
	v26 =	vld.idx.msk [tilespmem:v26+s12+$0x0], $0xffff  }
0x2d5: {  	v30 =	vor.u32 v15, v30;
	v54 =	vld.idx.msk [tilespmem:v57+s12+$0x0], $0xffff;
	v57 =	vor.u32 v1, v43;
	[tilespmem:v59+s19+$0x0] =	vst.idx.msk $0xffff, v29  }
0x2d6: {  	v22 =	vshll.u32 v22, $0x7;
	v58 =	vor.u32 v5, v44;
	[tilespmem:v60+s19+$0x0] =	vst.idx.msk $0xffff, v56;
	v27 =	vld.idx.msk [tilespmem:v27+s12+$0x0], $0xffff;
	v56 =	vor.u32 $0x30, v16  }
0x2d7: {  	v28 =	vor.u32 v15, v28;
	v59 =	vor.u32 v6, v41;
	v16 =	vmovc v21;
	v60 =	vld.idx.msk [tilespmem:v31+s12+$0x0], $0xffff;
	v31 =	vand.u32 $0x3F, v56  }
0x2d8: {  	v22 =	vand.u32 $0x1C00, v22;
	v21 =	vor.u32 v11, v36;
	[tilespmem:v52+s19+$0x0] =	vst.idx.msk $0xffff, v46;
	v46 =	vor.u32 v1, v31  }
0x2d9: {  	v52 =	vor.u32 v12, v35;
	[tilespmem:v55+s19+$0x0] =	vst.idx.msk $0xffff, v51;
	v51 =	vor.u32 v7, v39;
	v48 =	vld.idx.msk [tilespmem:v48+s12+$0x0], $0xffff  }
0x2da: {  	v61 =	vor.u32 v11, v38;
	v29 =	vor.u32 v33, v22;
	v55 =	vld.idx.msk [tilespmem:v25+s12+$0x0], $0xffff;
	[tilespmem:v30+s19+$0x0] =	vst.idx.msk $0xffff, v26  }
0x2db: {  	v22 =	vor.u32 $0x10, v20;
	v26 =	vor.u32 v12, v37;
	v25 =	vshll.u32 v56, $0x7;
	[tilespmem:v58+s19+$0x0] =	vst.idx.msk $0xffff, v54;
	v30 =	vld.idx.msk [tilespmem:v57+s12+$0x0], $0xffff  }
0x2dc: {  	v33 =	vand.u32 $0xF, v42;
	v56 =	vor.u32 v0, v29;
	v25 =	vand.u32 $0x1C00, v25;
	v54 =	vld.idx.msk [tilespmem:v59+s12+$0x0], $0xffff;
	[tilespmem:v28+s19+$0x0] =	vst.idx.msk $0xffff, v27  }
0x2dd: {  	v27 =	vor.u32 v7, v44;
	v25 =	vor.u32 v32, v25;
	[tilespmem:v21+s19+$0x0] =	vst.idx.msk $0xffff, v60;
	v21 =	vld.idx.msk [tilespmem:v46+s12+$0x0], $0xffff  }
0x2de: {  	v28 =	vor.u32 v8, v41;
	v46 =	vor.u32 v12, v23;
	v32 =	vld.idx.msk [tilespmem:v52+s12+$0x0], $0xffff;
	v52 =	vor.u32 v0, v25  }
0x2df: {  	v50 =	vor.u32 $0x20, v50;
	v57 =	vor.u32 v13, v36;
	[tilespmem:v61+s19+$0x0] =	vst.idx.msk $0xffff, v48;
	v48 =	vor.u32 v2, v31  }
0x2e0: {  	v35 =	vor.u32 v14, v35;
	[tilespmem:v51+s19+$0x0] =	vst.idx.msk $0xffff, v55;
	v51 =	vor.u32 v10, v23;
	v55 =	vld.idx.msk [tilespmem:v26+s12+$0x0], $0xffff  }
0x2e1: {  	v58 =	vor.u32 v13, v38;
	v53 =	vld.idx.msk [tilespmem:v53+s12+$0x0], $0xffff;
	[tilespmem:v56+s19+$0x0] =	vst.idx.msk $0xffff, v30;
	v56 =	vor.u32 v6, v43  }
0x2e2: {  	v30 =	vor.u32 v9, v39;
	[tilespmem:v27+s19+$0x0] =	vst.idx.msk $0xffff, v54;
	v27 =	vor.u32 v14, v37;
	v37 =	vld.idx.msk [tilespmem:v47+s12+$0x0], $0xffff  }
0x2e3: {  	v47 =	vor.u32 v3, v29;
	v54 =	vor.u32 v4, v43;
	v28 =	vld.idx.msk [tilespmem:v28+s12+$0x0], $0xffff;
	[tilespmem:v52+s19+$0x0] =	vst.idx.msk $0xffff, v21  }
0x2e4: {  	v26 =	vand.u32 $0x28, v50;
	v50 =	vshll.u32 v50, $0x7;
	v21 =	vor.u32 v9, v44;
	[tilespmem:v57+s19+$0x0] =	vst.idx.msk $0xffff, v32;
	v48 =	vld.idx.msk [tilespmem:v48+s12+$0x0], $0xffff  }
0x2e5: {  	v26 =	vor.u32 v45, v26;
	v45 =	vor.u32 v3, v25;
	v52 =	vor.u32 v10, v41;
	v35 =	vld.idx.msk [tilespmem:v35+s12+$0x0], $0xffff  }
0x2e6: {  	v24 =	vor.u32 $0x20, v24;
	v36 =	vor.u32 v15, v36;
	[tilespmem:v58+s19+$0x0] =	vst.idx.msk $0xffff, v55;
	v55 =	vor.u32 v4, v31  }
0x2e7: {  	[tilespmem:v30+s19+$0x0] =	vst.idx.msk $0xffff, v53;
	v53 =	vor.u32 v1, v26;
	v30 =	vand.u32 $0x7, v16;
	v57 =	vld.idx.msk [tilespmem:v27+s12+$0x0], $0xffff;
	v27 =	vand.u32 $0x28, v24  }
0x2e8: {  	v38 =	vor.u32 v15, v38;
	v51 =	vld.idx.msk [tilespmem:v51+s12+$0x0], $0xffff;
	v27 =	vor.u32 v30, v27;
	[tilespmem:v47+s19+$0x0] =	vst.idx.msk $0xffff, v37  }
0x2e9: {  	v37 =	vor.u32 v11, v39;
	[tilespmem:v21+s19+$0x0] =	vst.idx.msk $0xffff, v28;
	v28 =	vor.u32 v1, v27;
	v47 =	vld.idx.msk [tilespmem:v54+s12+$0x0], $0xffff  }
0x2ea: {  	v32 =	vand.u32 $0x380, v40;
	v54 =	vand.u32 $0x1400, v50;
	v50 =	vor.u32 v5, v29;
	v40 =	vld.idx.msk [tilespmem:v52+s12+$0x0], $0xffff;
	[tilespmem:v45+s19+$0x0] =	vst.idx.msk $0xffff, v48  }
0x2eb: {  	v45 =	vor.u32 v11, v44;
	v30 =	vor.u32 v17, v54;
	[tilespmem:v36+s19+$0x0] =	vst.idx.msk $0xffff, v35;
	v35 =	vld.idx.msk [tilespmem:v55+s12+$0x0], $0xffff  }
0x2ec: {  	v24 =	vshll.u32 v24, $0x7;
	v21 =	vmovc v49;
	v52 =	vor.u32 v5, v25;
	v36 =	vor.u32 v12, v41;
	v48 =	vld.idx.msk [tilespmem:v53+s12+$0x0], $0xffff  }
0x2ed: {  	v24 =	vand.u32 $0x1400, v24;
	v49 =	vor.u32 v0, v30;
	[tilespmem:v38+s19+$0x0] =	vst.idx.msk $0xffff, v57;
	v38 =	vor.u32 v6, v31  }
0x2ee: {  	[tilespmem:v37+s19+$0x0] =	vst.idx.msk $0xffff, v51;
	v37 =	vor.u32 v2, v26;
	v51 =	vld.idx.msk [tilespmem:v28+s12+$0x0], $0xffff;
	v28 =	vor.u32 v18, v24  }
0x2ef: {  	v24 =	vld.idx.msk [tilespmem:v46+s12+$0x0], $0xffff;
	v46 =	vor.u32 v14, v23;
	v53 =	vor.u32 v0, v28;
	[tilespmem:v50+s19+$0x0] =	vst.idx.msk $0xffff, v47  }
0x2f0: {  	v47 =	vor.u32 v13, v39;
	[tilespmem:v45+s19+$0x0] =	vst.idx.msk $0xffff, v40;
	v40 =	vor.u32 v2, v27;
	v45 =	vld.idx.msk [tilespmem:v56+s12+$0x0], $0xffff  }
0x2f1: {  	v54 =	vor.u32 v7, v29;
	v50 =	vor.u32 v1, v33;
	v36 =	vld.idx.msk [tilespmem:v36+s12+$0x0], $0xffff;
	[tilespmem:v52+s19+$0x0] =	vst.idx.msk $0xffff, v35  }
0x2f2: {  	v52 =	vor.u32 v13, v44;
	[tilespmem:v49+s19+$0x0] =	vst.idx.msk $0xffff, v48;
	v48 =	vor.u32 v8, v43;
	v38 =	vld.idx.msk [tilespmem:v38+s12+$0x0], $0xffff  }
0x2f3: {  	v56 =	vor.u32 v10, v43;
	v49 =	vor.u32 v14, v41;
	v55 =	vld.idx.msk [tilespmem:v37+s12+$0x0], $0xffff;
	v37 =	vor.u32 v7, v25  }
0x2f4: {  	v57 =	vor.u32 v3, v30;
	v35 =	vand.u32 $0x1F, v22;
	[tilespmem:v53+s19+$0x0] =	vst.idx.msk $0xffff, v51;
	v51 =	vor.u32 v8, v31  }
0x2f5: {  	[tilespmem:v47+s19+$0x0] =	vst.idx.msk $0xffff, v24;
	v47 =	vor.u32 v2, v35;
	v24 =	vor.u32 v4, v26;
	v40 =	vld.idx.msk [tilespmem:v40+s12+$0x0], $0xffff  }
0x2f6: {  	v58 =	vor.u32 v3, v28;
	v53 =	vor.u32 v1, v35;
	v46 =	vld.idx.msk [tilespmem:v46+s12+$0x0], $0xffff;
	[tilespmem:v54+s19+$0x0] =	vst.idx.msk $0xffff, v45  }
0x2f7: {  	v39 =	vor.u32 v15, v39;
	v45 =	vor.u32 v4, v27;
	[tilespmem:v52+s19+$0x0] =	vst.idx.msk $0xffff, v36;
	v48 =	vld.idx.msk [tilespmem:v48+s12+$0x0], $0xffff  }
0x2f8: {  	v22 =	vshll.u32 v22, $0x7;
	v54 =	vor.u32 v9, v29;
	v52 =	vor.u32 $0x10, v21;
	v49 =	vld.idx.msk [tilespmem:v49+s12+$0x0], $0xffff;
	[tilespmem:v37+s19+$0x0] =	vst.idx.msk $0xffff, v38  }
0x2f9: {  	v22 =	vand.u32 $0xC00, v22;
	v38 =	vor.u32 v15, v44;
	v37 =	vand.u32 $0x1F, v52;
	[tilespmem:v57+s19+$0x0] =	vst.idx.msk $0xffff, v55;
	v44 =	vld.idx.msk [tilespmem:v51+s12+$0x0], $0xffff  }
0x2fa: {  	v36 =	vor.u32 v32, v22;
	v22 =	vor.u32 v1, v37;
	v55 =	vor.u32 v9, v25;
	v51 =	vld.idx.msk [tilespmem:v24+s12+$0x0], $0xffff  }
0x2fb: {  	v57 =	vor.u32 v5, v30;
	v24 =	vmov v41;
	[tilespmem:v58+s19+$0x0] =	vst.idx.msk $0xffff, v40;
	v58 =	vor.u32 v10, v31  }
0x2fc: {  	v41 =	vor.u32 v0, v36;
	[tilespmem:v39+s19+$0x0] =	vst.idx.msk $0xffff, v46;
	v46 =	vor.u32 v6, v26;
	v45 =	vld.idx.msk [tilespmem:v45+s12+$0x0], $0xffff  }
0x2fd: {  	v40 =	vshll.u32 v42, $0x7;
	v39 =	vshll.u32 v52, $0x7;
	v52 =	vor.u32 v5, v28;
	v53 =	vld.idx.msk [tilespmem:v53+s12+$0x0], $0xffff;
	[tilespmem:v54+s19+$0x0] =	vst.idx.msk $0xffff, v48  }
0x2fe: {  	v34 =	vand.u32 $0x380, v34;
	v48 =	vor.u32 v6, v27;
	[tilespmem:v38+s19+$0x0] =	vst.idx.msk $0xffff, v49;
	v38 =	vand.u32 $0xC00, v39;
	v49 =	vld.idx.msk [tilespmem:v56+s12+$0x0], $0xffff  }
0x2ff: {  	v54 =	vor.u32 v11, v29;
	v56 =	vld.idx.msk [tilespmem:v22+s12+$0x0], $0xffff;
	v38 =	vor.u32 v34, v38;
	[tilespmem:v55+s19+$0x0] =	vst.idx.msk $0xffff, v44  }
0x300: {  	v55 =	vor.u32 v12, v43;
	v44 =	vor.u32 v0, v38;
	[tilespmem:v57+s19+$0x0] =	vst.idx.msk $0xffff, v51;
	v57 =	vld.idx.msk [tilespmem:v58+s12+$0x0], $0xffff  }
0x301: {  	v59 =	vor.u32 v11, v25;
	v39 =	vand.u32 $0x780, v40;
	v22 =	vmovc v19;
	v58 =	vor.u32 v2, v37;
	v46 =	vld.idx.msk [tilespmem:v46+s12+$0x0], $0xffff  }
0x302: {  	v61 =	vor.u32 v7, v30;
	v60 =	vld.idx.msk [tilespmem:v50+s12+$0x0], $0xffff;
	[tilespmem:v52+s19+$0x0] =	vst.idx.msk $0xffff, v45;
	v45 =	vor.u32 v12, v31  }
0x303: {  	v62 =	vor.u32 v0, v39;
	[tilespmem:v41+s19+$0x0] =	vst.idx.msk $0xffff, v53;
	v41 =	vor.u32 v8, v26;
	v50 =	vld.idx.msk [tilespmem:v48+s12+$0x0], $0xffff  }
.Ltmp4:
0x304: {  	v19 =	vmov v20;
	v20 =	vmov v42;
	v51 =	vor.u32 v7, v28;
	v52 =	vld.idx.msk [tilespmem:v47+s12+$0x0], $0xffff;
	[tilespmem:v54+s19+$0x0] =	vst.idx.msk $0xffff, v49;
	(pc) =	sbr.rel @p0 .LBB2_9-.Ltmp4, $4  }
0x305: {  	v42 =	vor.u32 v8, v27;
	v54 =	vor.u32 v3, v36;
	[tilespmem:v44+s19+$0x0] =	vst.idx.msk $0xffff, v56;
	v47 =	vld.idx.msk [tilespmem:v55+s12+$0x0], $0xffff  }
0x306: {  	v48 =	vor.u32 v13, v29;
	v55 =	vor.u32 v4, v35;
	v53 =	vld.idx.msk [tilespmem:v58+s12+$0x0], $0xffff;
	[tilespmem:v59+s19+$0x0] =	vst.idx.msk $0xffff, v57  }
0x307: {  	v43 =	vor.u32 v14, v43;
	v56 =	vor.u32 v3, v38;
	[tilespmem:v61+s19+$0x0] =	vst.idx.msk $0xffff, v46;
	v44 =	vld.idx.msk [tilespmem:v45+s12+$0x0], $0xffff  }
0x308: {  	s25 =	sadd.s32 $0x1, s24;
	s24 =	sadd.s32 $0x2, s24;
	v59 =	vor.u32 v4, v37;
	v46 =	vor.u32 v13, v25;
	[tilespmem:v62+s19+$0x0] =	vst.idx.msk $0xffff, v60;
	v45 =	vld.idx.msk [tilespmem:v41+s12+$0x0], $0xffff  }
0x309: {  	v41 =	vadd.s32 s25, v0  }
0x30a: {  	v60 =	vand.u32 $0xF, v41  }
0x30b: {  	v57 =	vor.u32 v1, v60;
	_ =	sdelay $0x2  }
0x30c: {  	[tilespmem:$0x1FF50] =	vst v41;
	v41 =	vshll.u32 v41, $0x7  }
0x30d: {  	v61 =	vor.u32 v2, v33;
	[tilespmem:$0x1FF20] =	vst v41;
	v58 =	vand.u32 $0x780, v41  }
0x30e: {  	v62 =	vor.u32 v0, v58;
	v57 =	vld.idx.msk [tilespmem:v57+s12+$0x0], $0xffff  }
0x30f: {  	v63 =	vor.u32 v2, v60;
	_ =	sdelay $0x2  }
0x310: {  	v41 =	vor.u32 v3, v39;
	v61 =	vld.idx.msk [tilespmem:v61+s12+$0x0], $0xffff  }
0x311: {  	[tilespmem:v62+s19+$0x0] =	vst.idx.msk $0xffff, v57;
	v57 =	vor.u32 v4, v33  }
0x312: {  	v62 =	vld.idx.msk [tilespmem:v63+s12+$0x0], $0xffff;
	v63 =	vor.u32 v3, v58  }
0x313: {  	v49 =	vor.u32 v4, v60;
	_ =	sdelay $0x1  }
0x314: {  	[tilespmem:v41+s19+$0x0] =	vst.idx.msk $0xffff, v61  }
0x315: {  	v41 =	vld.idx.msk [tilespmem:v57+s12+$0x0], $0xffff;
	v57 =	vor.u32 v5, v39  }
0x316: {  	v61 =	vor.u32 v6, v33;
	[tilespmem:v63+s19+$0x0] =	vst.idx.msk $0xffff, v62  }
0x317: {  	v62 =	vor.u32 v5, v58;
	v49 =	vld.idx.msk [tilespmem:v49+s12+$0x0], $0xffff;
	_ =	sdelay $0x2  }
0x318: {  	v63 =	vor.u32 v6, v60;
	[tilespmem:v57+s19+$0x0] =	vst.idx.msk $0xffff, v41  }
0x319: {  	v41 =	vor.u32 v7, v39;
	v57 =	vld.idx.msk [tilespmem:v61+s12+$0x0], $0xffff  }
0x31a: {  	[tilespmem:v62+s19+$0x0] =	vst.idx.msk $0xffff, v49;
	v49 =	vor.u32 v8, v33;
	_ =	sdelay $0x2  }
0x31b: {  	v62 =	vor.u32 v7, v58;
	v61 =	vld.idx.msk [tilespmem:v63+s12+$0x0], $0xffff  }
0x31c: {  	v63 =	vor.u32 v8, v60;
	[tilespmem:v41+s19+$0x0] =	vst.idx.msk $0xffff, v57  }
0x31d: {  	v41 =	vld.idx.msk [tilespmem:v49+s12+$0x0], $0xffff;
	v49 =	vor.u32 v9, v39  }
0x31e: {  	v57 =	vor.u32 v10, v33;
	_ =	sdelay $0x1  }
0x31f: {  	[tilespmem:v62+s19+$0x0] =	vst.idx.msk $0xffff, v61  }
0x320: {  	v62 =	vor.u32 v9, v58;
	v61 =	vld.idx.msk [tilespmem:v63+s12+$0x0], $0xffff  }
0x321: {  	v63 =	vor.u32 v10, v60;
	[tilespmem:v49+s19+$0x0] =	vst.idx.msk $0xffff, v41  }
0x322: {  	v49 =	vor.u32 v11, v39;
	v41 =	vld.idx.msk [tilespmem:v57+s12+$0x0], $0xffff  }
0x323: {  	v57 =	vor.u32 v12, v33;
	_ =	sdelay $0x1  }
0x324: {  	[tilespmem:v62+s19+$0x0] =	vst.idx.msk $0xffff, v61  }
0x325: {  	v61 =	vld.idx.msk [tilespmem:v63+s12+$0x0], $0xffff;
	[tilespmem:$0x1FF40] =	vst v60  }
0x326: {  	[tilespmem:v49+s19+$0x0] =	vst.idx.msk $0xffff, v41  }
0x327: {  	v41 =	vld.idx.msk [tilespmem:v57+s12+$0x0], $0xffff  }
0x328: {  	v62 =	vor.u32 v11, v58  }
0x329: {  	v63 =	vor.u32 v12, v60;
	_ =	sdelay $0x2  }
0x32a: {  	[tilespmem:$0x1FF00] =	vst v41  }
0x32b: {  	[tilespmem:v62+s19+$0x0] =	vst.idx.msk $0xffff, v61  }
0x32c: {  	v61 =	vld.idx.msk [tilespmem:v63+s12+$0x0], $0xffff  }
0x32d: {  	v49 =	vor.u32 v13, v39;
	v63 =	vor.u32 v14, v60;
	v60 =	vld [tilespmem:$0x1FF00]  }
0x32e: {  	v57 =	vor.u32 v14, v33;
	_ =	sdelay $0x3  }
0x32f: {  	[tilespmem:v49+s19+$0x0] =	vst.idx.msk $0xffff, v60  }
0x330: {  	v57 =	vld.idx.msk [tilespmem:v57+s12+$0x0], $0xffff  }
0x331: {  	v62 =	vor.u32 v13, v58;
	_ =	sdelay $0x3  }
0x332: {  	[tilespmem:$0x1FF10] =	vst v57  }
0x333: {  	[tilespmem:v62+s19+$0x0] =	vst.idx.msk $0xffff, v61  }
0x334: {  	v57 =	vld [tilespmem:$0x1FF50];
	_ =	sdelay $0x4  }
0x335: {  	v61 =	vor.u32 $0x10, v57  }
0x336: {  	v60 =	vor.u32 v15, v39;
	v39 =	vand.u32 $0x1F, v61  }
0x337: {  	v41 =	vor.u32 $0x10, v20;
	v63 =	vld.idx.msk [tilespmem:v63+s12+$0x0], $0xffff;
	v57 =	vor.u32 v15, v58;
	v58 =	vor.u32 v1, v39  }
0x338: {  	v49 =	vand.u32 $0x1F, v41;
	[tilespmem:$0x1FF30] =	vst v58;
	v58 =	vshll.u32 v41, $0x7;
	v41 =	vand.u32 $0x380, v40;
	v40 =	vld [tilespmem:$0x1FF10];
	_ =	sdelay $0x3  }
0x339: {  	[tilespmem:$0x1FF60] =	vst v41  }
0x33a: {  	[tilespmem:v60+s19+$0x0] =	vst.idx.msk $0xffff, v40  }
0x33b: {  	v40 =	vld [tilespmem:$0x1FF20];
	_ =	sdelay $0x4  }
0x33c: {  	v40 =	vand.u32 $0x380, v40  }
0x33d: {  	[tilespmem:$0x1FF70] =	vst v40  }
0x33e: {  	[tilespmem:v57+s19+$0x0] =	vst.idx.msk $0xffff, v63  }
0x33f: {  	v63 =	vld [tilespmem:$0x1FF30]  }
0x340: {  	v62 =	vor.u32 v1, v49;
	_ =	sdelay $0x2  }
0x341: {  	v58 =	vand.u32 $0xC00, v58  }
0x342: {  	v61 =	vshll.u32 v61, $0x7;
	v58 =	vor.u32 v41, v58  }
0x343: {  	v41 =	vand.u32 $0xC00, v61;
	v61 =	vor.u32 v0, v58;
	v62 =	vld.idx.msk [tilespmem:v62+s12+$0x0], $0xffff  }
0x344: {  	v60 =	vor.u32 v2, v49;
	v57 =	vor.u32 v40, v41  }
0x345: {  	v40 =	vor.u32 v0, v57;
	v63 =	vld.idx.msk [tilespmem:v63+s12+$0x0], $0xffff  }
0x346: {  	v41 =	vor.u32 v2, v39;
	[tilespmem:v54+s19+$0x0] =	vst.idx.msk $0xffff, v52  }
0x347: {  	v54 =	vor.u32 v5, v36;
	[tilespmem:v56+s19+$0x0] =	vst.idx.msk $0xffff, v53;
	v52 =	vld.idx.msk [tilespmem:v55+s12+$0x0], $0xffff  }
0x348: {  	v53 =	vor.u32 v6, v35;
	v56 =	vor.u32 v5, v38;
	v55 =	vld.idx.msk [tilespmem:v59+s12+$0x0], $0xffff;
	[tilespmem:v61+s19+$0x0] =	vst.idx.msk $0xffff, v62  }
0x349: {  	v59 =	vor.u32 v6, v37;
	v61 =	vor.u32 v3, v58;
	v60 =	vld.idx.msk [tilespmem:v60+s12+$0x0], $0xffff  }
0x34a: {  	[tilespmem:v40+s19+$0x0] =	vst.idx.msk $0xffff, v63;
	v40 =	vor.u32 v4, v49  }
0x34b: {  	v62 =	vor.u32 v3, v57;
	v41 =	vld.idx.msk [tilespmem:v41+s12+$0x0], $0xffff  }
0x34c: {  	[tilespmem:v54+s19+$0x0] =	vst.idx.msk $0xffff, v52;
	v63 =	vor.u32 v4, v39  }
0x34d: {  	[tilespmem:v56+s19+$0x0] =	vst.idx.msk $0xffff, v55;
	v52 =	vld.idx.msk [tilespmem:v53+s12+$0x0], $0xffff;
	v53 =	vor.u32 v7, v36  }
0x34e: {  	v54 =	vor.u32 v8, v35;
	v56 =	vor.u32 v7, v38;
	v55 =	vld.idx.msk [tilespmem:v59+s12+$0x0], $0xffff;
	[tilespmem:v61+s19+$0x0] =	vst.idx.msk $0xffff, v60  }
0x34f: {  	v59 =	vor.u32 v8, v37;
	v60 =	vor.u32 v5, v58;
	v40 =	vld.idx.msk [tilespmem:v40+s12+$0x0], $0xffff  }
0x350: {  	[tilespmem:v62+s19+$0x0] =	vst.idx.msk $0xffff, v41;
	v41 =	vor.u32 v6, v49  }
0x351: {  	v62 =	vor.u32 v5, v57;
	v61 =	vld.idx.msk [tilespmem:v63+s12+$0x0], $0xffff  }
0x352: {  	[tilespmem:v53+s19+$0x0] =	vst.idx.msk $0xffff, v52;
	v63 =	vor.u32 v6, v39  }
0x353: {  	v53 =	vor.u32 v9, v36;
	[tilespmem:v56+s19+$0x0] =	vst.idx.msk $0xffff, v55;
	v52 =	vld.idx.msk [tilespmem:v54+s12+$0x0], $0xffff  }
0x354: {  	v56 =	vor.u32 v9, v38;
	v54 =	vor.u32 v10, v35;
	v55 =	vld.idx.msk [tilespmem:v59+s12+$0x0], $0xffff;
	[tilespmem:v60+s19+$0x0] =	vst.idx.msk $0xffff, v40  }
0x355: {  	v59 =	vor.u32 v7, v58;
	v40 =	vor.u32 v10, v37;
	v41 =	vld.idx.msk [tilespmem:v41+s12+$0x0], $0xffff  }
0x356: {  	v60 =	vor.u32 v8, v49;
	[tilespmem:v62+s19+$0x0] =	vst.idx.msk $0xffff, v61  }
0x357: {  	v62 =	vor.u32 v7, v57;
	v61 =	vld.idx.msk [tilespmem:v63+s12+$0x0], $0xffff  }
0x358: {  	[tilespmem:v53+s19+$0x0] =	vst.idx.msk $0xffff, v52;
	v63 =	vor.u32 v8, v39  }
0x359: {  	v53 =	vor.u32 v11, v36;
	[tilespmem:v56+s19+$0x0] =	vst.idx.msk $0xffff, v55;
	v52 =	vld.idx.msk [tilespmem:v54+s12+$0x0], $0xffff  }
0x35a: {  	v55 =	vor.u32 v11, v38;
	v40 =	vld.idx.msk [tilespmem:v40+s12+$0x0], $0xffff;
	[tilespmem:v59+s19+$0x0] =	vst.idx.msk $0xffff, v41  }
0x35b: {  	v54 =	vor.u32 v12, v35;
	v59 =	vor.u32 v9, v58;
	v56 =	vld.idx.msk [tilespmem:v60+s12+$0x0], $0xffff  }
0x35c: {  	v60 =	vor.u32 v10, v49;
	[tilespmem:v62+s19+$0x0] =	vst.idx.msk $0xffff, v61  }
0x35d: {  	v41 =	vor.u32 v12, v37;
	v62 =	vor.u32 v9, v57;
	v61 =	vld.idx.msk [tilespmem:v63+s12+$0x0], $0xffff  }
0x35e: {  	[tilespmem:v53+s19+$0x0] =	vst.idx.msk $0xffff, v52;
	v63 =	vor.u32 v10, v39  }
0x35f: {  	[tilespmem:v55+s19+$0x0] =	vst.idx.msk $0xffff, v40  }
0x360: {  	v52 =	vor.u32 v13, v36;
	v40 =	vld.idx.msk [tilespmem:v54+s12+$0x0], $0xffff;
	[tilespmem:v59+s19+$0x0] =	vst.idx.msk $0xffff, v56  }
0x361: {  	v54 =	vor.u32 v14, v35;
	v56 =	vor.u32 v11, v58;
	v55 =	vld.idx.msk [tilespmem:v60+s12+$0x0], $0xffff  }
0x362: {  	v53 =	vor.u32 v13, v38;
	v41 =	vld.idx.msk [tilespmem:v41+s12+$0x0], $0xffff;
	v59 =	vor.u32 v12, v49;
	[tilespmem:v62+s19+$0x0] =	vst.idx.msk $0xffff, v61  }
0x363: {  	v37 =	vor.u32 v14, v37;
	v61 =	vor.u32 v11, v57;
	v60 =	vld.idx.msk [tilespmem:v63+s12+$0x0], $0xffff  }
0x364: {  	v23 =	vor.u32 $0x20, v23;
	[tilespmem:v51+s19+$0x0] =	vst.idx.msk $0xffff, v50;
	v50 =	vor.u32 v12, v39  }
0x365: {  	v36 =	vor.u32 v15, v36;
	v63 =	vand.u32 $0x7, v19;
	[tilespmem:v52+s19+$0x0] =	vst.idx.msk $0xffff, v40;
	v52 =	vand.u32 $0x28, v23  }
0x366: {  	v49 =	vor.u32 v14, v49;
	v35 =	vor.u32 v63, v52;
	v51 =	vld.idx.msk [tilespmem:v54+s12+$0x0], $0xffff;
	[tilespmem:v56+s19+$0x0] =	vst.idx.msk $0xffff, v55  }
0x367: {  	v62 =	vor.u32 v13, v58;
	[tilespmem:v53+s19+$0x0] =	vst.idx.msk $0xffff, v41;
	v52 =	vor.u32 v1, v35;
	v54 =	vld.idx.msk [tilespmem:v59+s12+$0x0], $0xffff  }
0x368: {  	v41 =	vshll.u32 v23, $0x7;
	v63 =	vor.u32 v15, v38;
	v37 =	vld.idx.msk [tilespmem:v37+s12+$0x0], $0xffff;
	[tilespmem:v61+s19+$0x0] =	vst.idx.msk $0xffff, v60  }
0x369: {  	v56 =	vand.u32 $0x1400, v41;
	v59 =	vor.u32 v13, v57;
	v41 =	vld.idx.msk [tilespmem:v50+s12+$0x0], $0xffff  }
0x36a: {  	[tilespmem:v48+s19+$0x0] =	vst.idx.msk $0xffff, v47  }
0x36b: {  	v39 =	vor.u32 v14, v39;
	v53 =	vor.u32 $0x20, v24;
	[tilespmem:v36+s19+$0x0] =	vst.idx.msk $0xffff, v51  }
0x36c: {  	v23 =	vand.u32 $0x7, v21;
	v24 =	vand.u32 $0x28, v53;
	v52 =	vld.idx.msk [tilespmem:v52+s12+$0x0], $0xffff;
	[tilespmem:v62+s19+$0x0] =	vst.idx.msk $0xffff, v54  }
0x36d: {  	v23 =	vor.u32 v23, v24;
	v24 =	vor.u32 v32, v56;
	[tilespmem:v63+s19+$0x0] =	vst.idx.msk $0xffff, v37;
	v49 =	vld.idx.msk [tilespmem:v49+s12+$0x0], $0xffff  }
0x36e: {  	v33 =	vor.u32 $0x20, v33;
	v48 =	vor.u32 v0, v24;
	v38 =	vld [tilespmem:$0x1FF40];
	[tilespmem:v59+s19+$0x0] =	vst.idx.msk $0xffff, v41  }
0x36f: {  	v61 =	vand.u32 $0x7, v20;
	v62 =	vand.u32 $0x28, v33;
	v54 =	vor.u32 v15, v58;
	v58 =	vld [tilespmem:$0x1FF50]  }
0x370: {  	v37 =	vor.u32 v61, v62;
	v62 =	vor.u32 v15, v57;
	v39 =	vld.idx.msk [tilespmem:v39+s12+$0x0], $0xffff;
	_ =	sdelay $0x1  }
0x371: {  	v29 =	vor.u32 v15, v29;
	v40 =	vor.u32 v9, v30;
	v60 =	vshll.u32 v53, $0x7  }
0x372: {  	v53 =	vor.u32 v2, v35;
	v36 =	vor.u32 v1, v23;
	v33 =	vshll.u32 v33, $0x7;
	[tilespmem:v48+s19+$0x0] =	vst.idx.msk $0xffff, v52  }
0x373: {  	v51 =	vand.u32 $0x1400, v60;
	v33 =	vand.u32 $0x1400, v33;
	v63 =	vor.u32 $0x20, v38;
	[tilespmem:v54+s19+$0x0] =	vst.idx.msk $0xffff, v49  }
0x374: {  	v61 =	vor.u32 v1, v37;
	v60 =	vand.u32 $0x28, v63;
	v57 =	vld [tilespmem:$0x1FF60];
	v47 =	vand.u32 $0x7, v58;
	[tilespmem:v62+s19+$0x0] =	vst.idx.msk $0xffff, v39  }
0x375: {  	v49 =	vor.u32 v3, v24;
	v54 =	vor.u32 v4, v35;
	v38 =	vor.u32 v47, v60;
	v56 =	vld [tilespmem:$0x1FF70]  }
0x376: {  	v43 =	vld.idx.msk [tilespmem:v43+s12+$0x0], $0xffff;
	v63 =	vshll.u32 v63, $0x7;
	v62 =	vor.u32 v10, v26;
	v41 =	vor.u32 v1, v38  }
0x377: {  	v42 =	vld.idx.msk [tilespmem:v42+s12+$0x0], $0xffff;
	v47 =	vor.u32 v14, v31;
	v31 =	vor.u32 v34, v51;
	v60 =	vor.u32 v9, v28  }
0x378: {  	v52 =	vld.idx.msk [tilespmem:v36+s12+$0x0], $0xffff;
	v36 =	vand.u32 $0x1400, v63;
	v63 =	vor.u32 v10, v27;
	v48 =	vor.u32 v0, v31  }
0x379: {  	v53 =	vld.idx.msk [tilespmem:v53+s12+$0x0], $0xffff;
	v51 =	vor.u32 v2, v23;
	[tilespmem:v46+s19+$0x0] =	vst.idx.msk $0xffff, v44;
	v33 =	vor.u32 v57, v33  }
0x37a: {  	v50 =	vld.idx.msk [tilespmem:v61+s12+$0x0], $0xffff;
	[tilespmem:v40+s19+$0x0] =	vst.idx.msk $0xffff, v45;
	v39 =	vor.u32 v0, v33;
	v36 =	vor.u32 v56, v36  }
0x37b: {  	v44 =	vor.u32 v2, v37;
	[tilespmem:v29+s19+$0x0] =	vst.idx.msk $0xffff, v43;
	v41 =	vld.idx.msk [tilespmem:v41+s12+$0x0], $0xffff;
	v59 =	vor.u32 v0, v36  }
0x37c: {  	v61 =	vor.u32 v2, v38;
	v45 =	vld.idx.msk [tilespmem:v62+s12+$0x0], $0xffff;
	[tilespmem:v60+s19+$0x0] =	vst.idx.msk $0xffff, v42;
	v60 =	vor.u32 v11, v30  }
0x37d: {  	[tilespmem:v48+s19+$0x0] =	vst.idx.msk $0xffff, v52;
	v48 =	vld.idx.msk [tilespmem:v63+s12+$0x0], $0xffff;
	v63 =	vor.u32 v11, v28  }
0x37e: {  	[tilespmem:v49+s19+$0x0] =	vst.idx.msk $0xffff, v53;
	v62 =	vor.u32 v12, v26;
	v52 =	vor.u32 v3, v31;
	v51 =	vld.idx.msk [tilespmem:v51+s12+$0x0], $0xffff  }
0x37f: {  	v49 =	vor.u32 v4, v23;
	v53 =	vld.idx.msk [tilespmem:v54+s12+$0x0], $0xffff;
	v54 =	vor.u32 v5, v24;
	[tilespmem:v39+s19+$0x0] =	vst.idx.msk $0xffff, v50  }
0x380: {  	v39 =	vor.u32 v6, v35;
	v50 =	vor.u32 v3, v33;
	v44 =	vld.idx.msk [tilespmem:v44+s12+$0x0], $0xffff;
	[tilespmem:v59+s19+$0x0] =	vst.idx.msk $0xffff, v41  }
0x381: {  	v42 =	vor.u32 v3, v36;
	[tilespmem:v60+s19+$0x0] =	vst.idx.msk $0xffff, v45;
	v59 =	vor.u32 v4, v37;
	v40 =	vld.idx.msk [tilespmem:v61+s12+$0x0], $0xffff  }
0x382: {  	[tilespmem:v63+s19+$0x0] =	vst.idx.msk $0xffff, v48;
	v61 =	vor.u32 v4, v38  }
0x383: {  	v29 =	vor.u32 v15, v25;
	v25 =	vld.idx.msk [tilespmem:v62+s12+$0x0], $0xffff;
	v63 =	vor.u32 v13, v30;
	[tilespmem:v52+s19+$0x0] =	vst.idx.msk $0xffff, v51  }
0x384: {  	v26 =	vor.u32 v14, v26;
	[tilespmem:v54+s19+$0x0] =	vst.idx.msk $0xffff, v53;
	v52 =	vor.u32 v5, v31;
	v49 =	vld.idx.msk [tilespmem:v49+s12+$0x0], $0xffff  }
0x385: {  	v53 =	vor.u32 v6, v23;
	v54 =	vor.u32 v7, v24;
	v39 =	vld.idx.msk [tilespmem:v39+s12+$0x0], $0xffff;
	[tilespmem:v50+s19+$0x0] =	vst.idx.msk $0xffff, v44  }
0x386: {  	v44 =	vor.u32 v8, v35;
	v41 =	vld.idx.msk [tilespmem:v59+s12+$0x0], $0xffff;
	v59 =	vor.u32 v5, v33;
	[tilespmem:v42+s19+$0x0] =	vst.idx.msk $0xffff, v40  }
0x387: {  	v46 =	vor.u32 $0x30, v22;
	v60 =	vor.u32 v6, v37;
	v42 =	vld.idx.msk [tilespmem:v61+s12+$0x0], $0xffff;
	v61 =	vor.u32 v5, v36  }
0x388: {  	v22 =	vand.u32 $0x3F, v46;
	v62 =	vor.u32 v6, v38;
	[tilespmem:v63+s19+$0x0] =	vst.idx.msk $0xffff, v25  }
0x389: {  	v48 =	vor.u32 v2, v22;
	v30 =	vor.u32 v15, v30;
	v26 =	vld.idx.msk [tilespmem:v26+s12+$0x0], $0xffff;
	[tilespmem:v52+s19+$0x0] =	vst.idx.msk $0xffff, v49  }
0x38a: {  	v51 =	vor.u32 v12, v27;
	v52 =	vor.u32 v7, v31;
	v49 =	vld.idx.msk [tilespmem:v53+s12+$0x0], $0xffff;
	[tilespmem:v54+s19+$0x0] =	vst.idx.msk $0xffff, v39  }
0x38b: {  	v39 =	vor.u32 v8, v23;
	v53 =	vor.u32 v9, v24;
	v44 =	vld.idx.msk [tilespmem:v44+s12+$0x0], $0xffff;
	[tilespmem:v59+s19+$0x0] =	vst.idx.msk $0xffff, v41  }
0x38c: {  	v59 =	vor.u32 v10, v35;
	v40 =	vld.idx.msk [tilespmem:v60+s12+$0x0], $0xffff;
	v60 =	vor.u32 v7, v33;
	[tilespmem:v61+s19+$0x0] =	vst.idx.msk $0xffff, v42  }
0x38d: {  	v27 =	vor.u32 v14, v27;
	v61 =	vor.u32 v8, v37;
	v43 =	vld.idx.msk [tilespmem:v62+s12+$0x0], $0xffff;
	v62 =	vor.u32 v7, v36  }
0x38e: {  	v46 =	vshll.u32 v46, $0x7;
	v50 =	vor.u32 v9, v33;
	v63 =	vor.u32 v8, v38;
	[tilespmem:v30+s19+$0x0] =	vst.idx.msk $0xffff, v26  }
0x38f: {  	v51 =	vld.idx.msk [tilespmem:v51+s12+$0x0], $0xffff;
	v54 =	vor.u32 v12, v38;
	v42 =	vor.u32 v13, v28;
	[tilespmem:v52+s19+$0x0] =	vst.idx.msk $0xffff, v49  }
0x390: {  	v26 =	vor.u32 v10, v38;
	v52 =	vor.u32 v9, v31;
	v39 =	vld.idx.msk [tilespmem:v39+s12+$0x0], $0xffff;
	[tilespmem:v53+s19+$0x0] =	vst.idx.msk $0xffff, v44  }
0x391: {  	v30 =	vand.u32 $0x1C00, v46;
	v41 =	vld.idx.msk [tilespmem:v59+s12+$0x0], $0xffff;
	v59 =	vor.u32 v11, v24;
	[tilespmem:v60+s19+$0x0] =	vst.idx.msk $0xffff, v40  }
0x392: {  	v46 =	vor.u32 v11, v31;
	v44 =	vor.u32 v10, v23;
	v45 =	vld.idx.msk [tilespmem:v61+s12+$0x0], $0xffff;
	[tilespmem:v62+s19+$0x0] =	vst.idx.msk $0xffff, v43  }
0x393: {  	v38 =	vor.u32 v14, v38;
	v61 =	vor.u32 v10, v37;
	v62 =	vor.u32 v9, v36;
	v25 =	vld.idx.msk [tilespmem:v63+s12+$0x0], $0xffff  }
0x394: {  	v28 =	vor.u32 v15, v28;
	v17 =	vor.u32 v17, v30;
	[tilespmem:v42+s19+$0x0] =	vst.idx.msk $0xffff, v51  }
0x395: {  	v49 =	vor.u32 v1, v22;
	v60 =	vor.u32 v12, v35;
	[tilespmem:v52+s19+$0x0] =	vst.idx.msk $0xffff, v39  }
0x396: {  	v53 =	vor.u32 v11, v36;
	v35 =	vor.u32 v14, v35;
	v27 =	vld.idx.msk [tilespmem:v27+s12+$0x0], $0xffff;
	[tilespmem:v59+s19+$0x0] =	vst.idx.msk $0xffff, v41  }
0x397: {  	v43 =	vor.u32 v13, v33;
	v63 =	vor.u32 $0x30, v16;
	v44 =	vld.idx.msk [tilespmem:v44+s12+$0x0], $0xffff;
	[tilespmem:v50+s19+$0x0] =	vst.idx.msk $0xffff, v45  }
0x398: {  	v59 =	vor.u32 v12, v23;
	v42 =	vld.idx.msk [tilespmem:v61+s12+$0x0], $0xffff;
	v61 =	vor.u32 v11, v33;
	[tilespmem:v62+s19+$0x0] =	vst.idx.msk $0xffff, v25  }
0x399: {  	v16 =	vand.u32 $0x3F, v63;
	v62 =	vshll.u32 v63, $0x7;
	v63 =	vor.u32 v12, v37;
	v26 =	vld.idx.msk [tilespmem:v26+s12+$0x0], $0xffff  }
0x39a: {  	v23 =	vor.u32 v14, v23;
	v39 =	vor.u32 v1, v16;
	v40 =	vld.idx.msk [tilespmem:v60+s12+$0x0], $0xffff;
	v60 =	vor.u32 v13, v24  }
0x39b: {  	v24 =	vor.u32 v15, v24;
	v45 =	vor.u32 v2, v16;
	[tilespmem:v28+s19+$0x0] =	vst.idx.msk $0xffff, v27  }
0x39c: {  	v28 =	vor.u32 v0, v17;
	v33 =	vor.u32 v15, v33;
	[tilespmem:v46+s19+$0x0] =	vst.idx.msk $0xffff, v44;
	v44 =	vld.idx.msk [tilespmem:v47+s12+$0x0], $0xffff  }
0x39d: {  	v25 =	vand.u32 $0x1C00, v62;
	v55 =	vld.idx.msk [tilespmem:v59+s12+$0x0], $0xffff;
	v59 =	vor.u32 v13, v31;
	[tilespmem:v61+s19+$0x0] =	vst.idx.msk $0xffff, v42  }
0x39e: {  	v62 =	vor.u32 v13, v36;
	v36 =	vor.u32 v15, v36;
	v42 =	vld.idx.msk [tilespmem:v63+s12+$0x0], $0xffff;
	[tilespmem:v53+s19+$0x0] =	vst.idx.msk $0xffff, v26  }
0x39f: {  	[tilespmem:v60+s19+$0x0] =	vst.idx.msk $0xffff, v40;
	v60 =	vor.u32 $0x30, v19;
	v61 =	vor.u32 v14, v37;
	v27 =	vld.idx.msk [tilespmem:v54+s12+$0x0], $0xffff  }
0x3a0: {  	v18 =	vor.u32 v18, v25;
	v31 =	vor.u32 v15, v31;
	v35 =	vld.idx.msk [tilespmem:v35+s12+$0x0], $0xffff;
	v19 =	vand.u32 $0x3F, v60  }
0x3a1: {  	v30 =	vor.u32 v0, v18;
	v52 =	vshll.u32 v60, $0x7;
	v63 =	vor.u32 v1, v19;
	[tilespmem:v29+s19+$0x0] =	vst.idx.msk $0xffff, v44  }
0x3a2: {  	v47 =	vld.idx.msk [tilespmem:v49+s12+$0x0], $0xffff;
	v60 =	vor.u32 $0x30, v20;
	v46 =	vor.u32 v2, v19;
	v53 =	vor.u32 $0x30, v21;
	[tilespmem:v59+s19+$0x0] =	vst.idx.msk $0xffff, v55  }
0x3a3: {  	v50 =	vshll.u32 v60, $0x7;
	v21 =	vand.u32 $0x3F, v53;
	v54 =	vand.u32 $0x1C00, v52;
	v41 =	vld.idx.msk [tilespmem:v23+s12+$0x0], $0xffff;
	[tilespmem:v43+s19+$0x0] =	vst.idx.msk $0xffff, v42  }
0x3a4: {  	v55 =	vor.u32 v1, v21;
	v23 =	vand.u32 $0x3F, v60;
	v26 =	vld.idx.msk [tilespmem:v61+s12+$0x0], $0xffff;
	v61 =	vor.u32 $0x30, v58;
	[tilespmem:v62+s19+$0x0] =	vst.idx.msk $0xffff, v27  }
0x3a5: {  	v59 =	vshll.u32 v53, $0x7;
	[tilespmem:v24+s19+$0x0] =	vst.idx.msk $0xffff, v35;
	v62 =	vor.u32 v1, v23;
	v25 =	vand.u32 $0x3F, v61;
	v38 =	vld.idx.msk [tilespmem:v38+s12+$0x0], $0xffff  }
0x3a6: {  	v20 =	vor.u32 v32, v54;
	v24 =	vand.u32 $0x1C00, v59;
	v32 =	vld.idx.msk [tilespmem:v63+s12+$0x0], $0xffff;
	v63 =	vor.u32 v1, v25  }
0x3a7: {  	v35 =	vld.idx.msk [tilespmem:v39+s12+$0x0], $0xffff;
	v52 =	vor.u32 v2, v21;
	v49 =	vor.u32 v0, v20;
	v24 =	vor.u32 v34, v24  }
0x3a8: {  	v34 =	vor.u32 v0, v24;
	v27 =	vshll.u32 v61, $0x7;
	[tilespmem:v31+s19+$0x0] =	vst.idx.msk $0xffff, v41;
	v31 =	vand.u32 $0x1C00, v50  }
0x3a9: {  	v27 =	vand.u32 $0x1C00, v27;
	v51 =	vld.idx.msk [tilespmem:v55+s12+$0x0], $0xffff;
	[tilespmem:v33+s19+$0x0] =	vst.idx.msk $0xffff, v26;
	v26 =	vor.u32 v57, v31  }
0x3aa: {  	v27 =	vor.u32 v56, v27;
	v53 =	vld.idx.msk [tilespmem:v62+s12+$0x0], $0xffff;
	v54 =	vor.u32 v0, v26;
	[tilespmem:v36+s19+$0x0] =	vst.idx.msk $0xffff, v38  }
0x3ab: {  	[tilespmem:v28+s19+$0x0] =	vst.idx.msk $0xffff, v47;
	v55 =	vor.u32 v2, v23;
	v56 =	vor.u32 v0, v27;
	v36 =	vld.idx.msk [tilespmem:v63+s12+$0x0], $0xffff  }
0x3ac: {  	v58 =	vor.u32 v3, v17;
	[tilespmem:v30+s19+$0x0] =	vst.idx.msk $0xffff, v35;
	v59 =	vor.u32 v2, v25;
	v57 =	vld.idx.msk [tilespmem:v48+s12+$0x0], $0xffff  }
0x3ad: {  	v60 =	vor.u32 v4, v22;
	v61 =	vld.idx.msk [tilespmem:v45+s12+$0x0], $0xffff;
	[tilespmem:v49+s19+$0x0] =	vst.idx.msk $0xffff, v32;
	v62 =	vor.u32 v3, v18  }
0x3ae: {  	v43 =	vld.idx.msk [tilespmem:v46+s12+$0x0], $0xffff;
	v48 =	vor.u32 v3, v20;
	v63 =	vor.u32 v4, v16;
	[tilespmem:v34+s19+$0x0] =	vst.idx.msk $0xffff, v51  }
0x3af: {  	v50 =	vor.u32 v3, v24;
	v49 =	vor.u32 v4, v19;
	v34 =	vld.idx.msk [tilespmem:v52+s12+$0x0], $0xffff;
	[tilespmem:v54+s19+$0x0] =	vst.idx.msk $0xffff, v53  }
0x3b0: {  	v51 =	vor.u32 v4, v21;
	v52 =	vor.u32 v3, v26;
	v28 =	vld.idx.msk [tilespmem:v55+s12+$0x0], $0xffff;
	[tilespmem:v56+s19+$0x0] =	vst.idx.msk $0xffff, v36  }
0x3b1: {  	[tilespmem:v58+s19+$0x0] =	vst.idx.msk $0xffff, v57;
	v53 =	vor.u32 v4, v23;
	v54 =	vor.u32 v3, v27;
	v30 =	vld.idx.msk [tilespmem:v59+s12+$0x0], $0xffff  }
0x3b2: {  	v35 =	vld.idx.msk [tilespmem:v60+s12+$0x0], $0xffff;
	[tilespmem:v62+s19+$0x0] =	vst.idx.msk $0xffff, v61;
	v55 =	vor.u32 v5, v17;
	v56 =	vor.u32 v4, v25  }
0x3b3: {  	v57 =	vor.u32 v6, v22;
	v58 =	vor.u32 v5, v18;
	[tilespmem:v48+s19+$0x0] =	vst.idx.msk $0xffff, v43;
	v32 =	vld.idx.msk [tilespmem:v63+s12+$0x0], $0xffff  }
0x3b4: {  	v29 =	vld.idx.msk [tilespmem:v49+s12+$0x0], $0xffff;
	v60 =	vor.u32 v5, v20;
	v59 =	vor.u32 v6, v16;
	[tilespmem:v50+s19+$0x0] =	vst.idx.msk $0xffff, v34  }
0x3b5: {  	v61 =	vor.u32 v6, v19;
	v62 =	vor.u32 v5, v24;
	v31 =	vld.idx.msk [tilespmem:v51+s12+$0x0], $0xffff;
	[tilespmem:v52+s19+$0x0] =	vst.idx.msk $0xffff, v28  }
0x3b6: {  	v48 =	vor.u32 v5, v26;
	v63 =	vor.u32 v6, v21;
	v33 =	vld.idx.msk [tilespmem:v53+s12+$0x0], $0xffff;
	[tilespmem:v54+s19+$0x0] =	vst.idx.msk $0xffff, v30  }
0x3b7: {  	v49 =	vor.u32 v6, v23;
	v51 =	vor.u32 v5, v27;
	[tilespmem:v55+s19+$0x0] =	vst.idx.msk $0xffff, v35;
	v50 =	vld.idx.msk [tilespmem:v56+s12+$0x0], $0xffff  }
0x3b8: {  	v52 =	vor.u32 v7, v17;
	v38 =	vld.idx.msk [tilespmem:v57+s12+$0x0], $0xffff;
	[tilespmem:v58+s19+$0x0] =	vst.idx.msk $0xffff, v32;
	v53 =	vor.u32 v6, v25  }
0x3b9: {  	[tilespmem:v60+s19+$0x0] =	vst.idx.msk $0xffff, v29;
	v55 =	vor.u32 v7, v18;
	v54 =	vor.u32 v8, v22;
	v42 =	vld.idx.msk [tilespmem:v59+s12+$0x0], $0xffff  }
0x3ba: {  	v34 =	vld.idx.msk [tilespmem:v61+s12+$0x0], $0xffff;
	v57 =	vor.u32 v7, v20;
	v56 =	vor.u32 v8, v16;
	[tilespmem:v62+s19+$0x0] =	vst.idx.msk $0xffff, v31  }
0x3bb: {  	v58 =	vor.u32 v8, v19;
	v59 =	vor.u32 v7, v24;
	v28 =	vld.idx.msk [tilespmem:v63+s12+$0x0], $0xffff;
	[tilespmem:v48+s19+$0x0] =	vst.idx.msk $0xffff, v33  }
0x3bc: {  	v60 =	vor.u32 v8, v21;
	v61 =	vor.u32 v7, v26;
	v30 =	vld.idx.msk [tilespmem:v49+s12+$0x0], $0xffff;
	[tilespmem:v51+s19+$0x0] =	vst.idx.msk $0xffff, v50  }
0x3bd: {  	v62 =	vor.u32 v8, v23;
	v63 =	vor.u32 v7, v27;
	[tilespmem:v52+s19+$0x0] =	vst.idx.msk $0xffff, v38;
	v32 =	vld.idx.msk [tilespmem:v53+s12+$0x0], $0xffff  }
0x3be: {  	v48 =	vor.u32 v9, v17;
	v38 =	vld.idx.msk [tilespmem:v54+s12+$0x0], $0xffff;
	[tilespmem:v55+s19+$0x0] =	vst.idx.msk $0xffff, v42;
	v49 =	vor.u32 v8, v25  }
0x3bf: {  	[tilespmem:v57+s19+$0x0] =	vst.idx.msk $0xffff, v34;
	v50 =	vor.u32 v10, v22;
	v29 =	vld.idx.msk [tilespmem:v56+s12+$0x0], $0xffff;
	v51 =	vor.u32 v9, v18  }
0x3c0: {  	v52 =	vor.u32 v10, v16;
	v31 =	vld.idx.msk [tilespmem:v58+s12+$0x0], $0xffff;
	v53 =	vor.u32 v9, v20;
	[tilespmem:v59+s19+$0x0] =	vst.idx.msk $0xffff, v28  }
0x3c1: {  	v54 =	vor.u32 v10, v19;
	v55 =	vor.u32 v9, v24;
	v33 =	vld.idx.msk [tilespmem:v60+s12+$0x0], $0xffff;
	[tilespmem:v61+s19+$0x0] =	vst.idx.msk $0xffff, v30  }
0x3c2: {  	v57 =	vor.u32 v9, v26;
	v56 =	vor.u32 v10, v21;
	v35 =	vld.idx.msk [tilespmem:v62+s12+$0x0], $0xffff;
	[tilespmem:v63+s19+$0x0] =	vst.idx.msk $0xffff, v32  }
0x3c3: {  	v58 =	vor.u32 v10, v23;
	v59 =	vor.u32 v9, v27;
	[tilespmem:v48+s19+$0x0] =	vst.idx.msk $0xffff, v38;
	v37 =	vld.idx.msk [tilespmem:v49+s12+$0x0], $0xffff  }
0x3c4: {  	v60 =	vor.u32 v11, v17;
	v61 =	vor.u32 v10, v25;
	v40 =	vld.idx.msk [tilespmem:v50+s12+$0x0], $0xffff;
	[tilespmem:v51+s19+$0x0] =	vst.idx.msk $0xffff, v29  }
0x3c5: {  	v62 =	vor.u32 v12, v22;
	v34 =	vld.idx.msk [tilespmem:v52+s12+$0x0], $0xffff;
	v63 =	vor.u32 v11, v18;
	[tilespmem:v53+s19+$0x0] =	vst.idx.msk $0xffff, v31  }
0x3c6: {  	v48 =	vor.u32 v12, v16;
	v28 =	vld.idx.msk [tilespmem:v54+s12+$0x0], $0xffff;
	v49 =	vor.u32 v11, v20;
	[tilespmem:v55+s19+$0x0] =	vst.idx.msk $0xffff, v33  }
0x3c7: {  	v50 =	vor.u32 v12, v19;
	v51 =	vor.u32 v11, v24;
	v30 =	vld.idx.msk [tilespmem:v56+s12+$0x0], $0xffff;
	[tilespmem:v57+s19+$0x0] =	vst.idx.msk $0xffff, v35  }
0x3c8: {  	v52 =	vor.u32 v12, v21;
	v53 =	vor.u32 v11, v26;
	v32 =	vld.idx.msk [tilespmem:v58+s12+$0x0], $0xffff;
	[tilespmem:v59+s19+$0x0] =	vst.idx.msk $0xffff, v37  }
0x3c9: {  	v54 =	vor.u32 v12, v23;
	v55 =	vor.u32 v11, v27;
	[tilespmem:v60+s19+$0x0] =	vst.idx.msk $0xffff, v40;
	v29 =	vld.idx.msk [tilespmem:v61+s12+$0x0], $0xffff  }
0x3ca: {  	v56 =	vor.u32 v13, v17;
	v57 =	vor.u32 v12, v25;
	v40 =	vld.idx.msk [tilespmem:v62+s12+$0x0], $0xffff;
	[tilespmem:v63+s19+$0x0] =	vst.idx.msk $0xffff, v34  }
0x3cb: {  	v22 =	vor.u32 v14, v22;
	v58 =	vor.u32 v13, v18;
	v31 =	vld.idx.msk [tilespmem:v48+s12+$0x0], $0xffff;
	[tilespmem:v49+s19+$0x0] =	vst.idx.msk $0xffff, v28  }
0x3cc: {  	v16 =	vor.u32 v14, v16;
	v59 =	vor.u32 v13, v20;
	v28 =	vld.idx.msk [tilespmem:v50+s12+$0x0], $0xffff;
	[tilespmem:v51+s19+$0x0] =	vst.idx.msk $0xffff, v30  }
0x3cd: {  	v19 =	vor.u32 v14, v19;
	v60 =	vor.u32 v13, v24;
	v30 =	vld.idx.msk [tilespmem:v52+s12+$0x0], $0xffff;
	[tilespmem:v53+s19+$0x0] =	vst.idx.msk $0xffff, v32  }
0x3ce: {  	v21 =	vor.u32 v14, v21;
	v61 =	vor.u32 v13, v26;
	v32 =	vld.idx.msk [tilespmem:v54+s12+$0x0], $0xffff;
	[tilespmem:v55+s19+$0x0] =	vst.idx.msk $0xffff, v29  }
0x3cf: {  	v23 =	vor.u32 v14, v23;
	v62 =	vor.u32 v13, v27;
	[tilespmem:v56+s19+$0x0] =	vst.idx.msk $0xffff, v40;
	v29 =	vld.idx.msk [tilespmem:v57+s12+$0x0], $0xffff  }
0x3d0: {  	v17 =	vor.u32 v15, v17;
	v25 =	vor.u32 v14, v25;
	v22 =	vld.idx.msk [tilespmem:v22+s12+$0x0], $0xffff;
	[tilespmem:v58+s19+$0x0] =	vst.idx.msk $0xffff, v31  }
0x3d1: {  	v18 =	vor.u32 v15, v18;
	v16 =	vld.idx.msk [tilespmem:v16+s12+$0x0], $0xffff;
	[tilespmem:v59+s19+$0x0] =	vst.idx.msk $0xffff, v28  }
0x3d2: {  	v20 =	vor.u32 v15, v20;
	v19 =	vld.idx.msk [tilespmem:v19+s12+$0x0], $0xffff;
	[tilespmem:v60+s19+$0x0] =	vst.idx.msk $0xffff, v30  }
0x3d3: {  	v24 =	vor.u32 v15, v24;
	v21 =	vld.idx.msk [tilespmem:v21+s12+$0x0], $0xffff;
	[tilespmem:v61+s19+$0x0] =	vst.idx.msk $0xffff, v32  }
0x3d4: {  	v26 =	vor.u32 v15, v26;
	v23 =	vld.idx.msk [tilespmem:v23+s12+$0x0], $0xffff;
	[tilespmem:v62+s19+$0x0] =	vst.idx.msk $0xffff, v29  }
0x3d5: {  	s22 =	sadd.s32 $0x1, s22;
	v63 =	vor.u32 v15, v27;
	[tilespmem:v17+s19+$0x0] =	vst.idx.msk $0xffff, v22;
	v17 =	vld.idx.msk [tilespmem:v25+s12+$0x0], $0xffff  }
0x3d6: {  	p0 =	sne.s32 s22, $0x19;
	[tilespmem:v18+s19+$0x0] =	vst.idx.msk $0xffff, v16  }
.Ltmp5:
0x3d7: {  	s23 =	sshll.u32 s23, $0x12;
	[tilespmem:v20+s19+$0x0] =	vst.idx.msk $0xffff, v19;
	(pc) =	sbr.rel @p0 .LBB2_2-.Ltmp5, $4  }
0x3d8: {  	s23 =	sor.u32 s6, s23;
	[tilespmem:v24+s19+$0x0] =	vst.idx.msk $0xffff, v21  }
0x3d9: {  	s23 =	sshrl.u32 s23, $0x3;
	[tilespmem:v26+s19+$0x0] =	vst.idx.msk $0xffff, v23  }
0x3da: {  	s23 =	sadd.s32 s2, s23;
	[tilespmem:v63+s19+$0x0] =	vst.idx.msk $0xffff, v17  }
0x3db: {  	[hbm4b:s23+s15] =	stream.strided.scatter [tilespmem:s19], [sflag:$0x4], $0x2000, s16, s15, $0x38;
	[tilespmem:$0x9900] =	vst v63  }
0x3dc: {  	s21 =	sadd.s32 $0x1, s21  }
0x3dd: {  	_ =	swait.ge [sflag:s20], $0x2000;
	p0 =	sne.s32 s21, s7  }
.Ltmp6:
0x3de: {  	[sflag:s20] =	ssyncset.done $0x0;
	(pc) =	sbr.rel @p0 .LBB2_1-.Ltmp6, $4  }
0x3df: {  	[sflag:s20] =	ssyncadd.s32 $0xFFFFE000  }
0x3e0: {  	_ =	swait.ge [sflag:s18], $0x2000  }
0x3e1: {  	[sflag:s18] =	ssyncset.done $0x0  }
0x3e2: {  	[sflag:s18] =	ssyncadd.s32 $0xFFFFE000  }
0x3e3: {  	_ =	sfence.sel $0x180000  }
0x3e4: {  	[bflag:$0x0] =	sbarrier.arrive $0xFFFF  }
0x3e5: {  	p0 =	sne.s32 s1, $0x0;
	_ =	strace $0x90000047  }
0x3e6: {  	s0 =	sadd.s32 @!p0 $0x100000, s0;
	[bflag:$0x2] =	sbarrier.arrive $0xFFFF  }
0x3e7: {  	[sflag:s0] =	ssyncadd.tile.s32 @!p0 $0x1;
	_ =	shalt  }
.Lfunc_end2:
_tile_overlayer_lowered:
.L_overlay_start_2:
0x3e8: {  	(tag) =	ssettag $0x2  }
0x3e9: {  	s0 =	rddreg [dreg:$0x0];
	s2 =	stileid.u32  }
0x3ea: {  	s1 =	rddreg [dreg:$0x1];
	p0 =	sne.s32 s2, $0x0  }
0x3eb: {  	s3 =	rddreg [dreg:$0x2];
	[bflag:$0x3] =	sbarrier.arrive $0xFFFF;
	s2 =	simm.s32 @!p0 $0x1C05  }
0x3ec: {  	[timem:s3], [sflag:s2] =	dma.local @!p0 [hbm:s0], s1  }
0x3ed: {  	s0 =	simm.s32 @!p0 $0x5  }
0x3ee: {  	_ =	swait.ge @!p0 [sflag:s0], s1  }
0x3ef: {  	s1 =	ssub.s32 @!p0 $0x0, s1;
	[sflag:s0] =	ssyncset.done @!p0 $0x0  }
0x3f0: {  	[sflag:s0] =	ssyncadd.s32 @!p0 s1  }
0x3f1: {  	[bflag:$0x3] =	sbarrier.arrive $0xFFFF  }
0x3f2: {  	_ =	shalt  }

</sc_bundles>
